<compile_context>
chip_gen: v7x
topology: tpu7x:2x2x1
jax: 0.10.2.dev20260603
libtpu: 0.0.44.dev20260713+nightly
codegen_flags: <defaults>
</compile_context>

<pallas_src>
import functools

import jax
import jax.numpy as jnp
import numpy as np
from jax import lax
from jax.experimental import pallas as pl
from jax.experimental.pallas import tpu as pltpu
from jax.experimental.pallas import tpu_sc as plsc

N = 10000
E = 320000
D = 128
DH = D // 2
G = 128

NS = 16
K = 128
NB = 2
CH = 157
EPW = CH * K
EPAD = NS * EPW
NP = 10240
RPT = NP // NS
ZR = 128
BN = 1000

_P32 = np.stack([np.arange(16), np.arange(16) + 16], axis=1).ravel()
PERM = np.concatenate([_P32 + 32 * g for g in range(DH // 32)])


def _sc_body(hl_hbm, hr_hbm, src_hbm, dst_hbm, outl, outr,
             src_v, dst_v, rows_v, fbuf_v, zbuf_v, agg_sh, *gsems):
    cid = lax.axis_index("c")
    sid = lax.axis_index("s")

    @pl.loop(0, ZR)
    def _zr(i):
        @pl.loop(0, DH // 16)
        def _zc(j):
            zbuf_v[i, pl.ds(j * 16, 16)] = jnp.zeros((16,), jnp.float32)

    @pl.loop(0, RPT // ZR)
    def _za(c):
        pltpu.sync_copy(zbuf_v, agg_sh.at[pl.ds(sid * RPT + c * ZR, ZR)])

    plsc.subcore_barrier()

    pltpu.sync_copy(src_hbm.at[sid], src_v)
    pltpu.sync_copy(dst_hbm.at[sid], dst_v)

    def _convert(b):
        @pl.loop(0, K)
        def _rows(r):
            for g in range(DH // 32):
                ab = rows_v[b, r, pl.ds(g * 32, 32)]
                lo, hi = plsc.unpack(ab, format=plsc.PackFormat.INTERLEAVED)
                fbuf_v[r, pl.ds(g * 32, 16)] = lo
                fbuf_v[r, pl.ds(g * 32 + 16, 16)] = hi

    def _accumulate(tab_hbm):
        def buf(b):
            return rows_v.at[b % NB]

        for j in range(NB - 1):
            pltpu.async_copy(tab_hbm.at[src_v.at[j]], buf(j), gsems[j % NB])

        @pl.loop(0, CH - NB + 1, step=NB)
        def _edges(p):
            for b in range(NB):
                j = p + b
                pltpu.make_async_copy(tab_hbm.at[src_v.at[j]],
                                      buf(b), gsems[b]).wait()
                pltpu.async_copy(tab_hbm.at[src_v.at[j + NB - 1]],
                                 buf(b + NB - 1), gsems[(b + NB - 1) % NB])
                _convert(b)
                pltpu.sync_copy(fbuf_v, agg_sh.at[dst_v.at[j]], add=True)

        for e in range(NB - 1):
            j = CH - NB + 1 + e
            pltpu.make_async_copy(tab_hbm.at[src_v.at[j]],
                                  buf(j), gsems[j % NB]).wait()
            _convert(j % NB)
            pltpu.sync_copy(fbuf_v, agg_sh.at[dst_v.at[j]], add=True)

    @pl.when(cid == 0)
    def _accl():
        _accumulate(hl_hbm)

    @pl.when(cid == 1)
    def _accr():
        _accumulate(hr_hbm)

    plsc.subcore_barrier()

    r0 = sid * RPT

    @pl.when(cid == 0)
    def _wl():
        pltpu.sync_copy(agg_sh.at[pl.ds(r0, RPT)], outl.at[pl.ds(r0, RPT)])

    @pl.when(cid == 1)
    def _wr():
        pltpu.sync_copy(agg_sh.at[pl.ds(r0, RPT)], outr.at[pl.ds(r0, RPT)])


_sc_scatter = functools.partial(
    pl.kernel,
    out_type=[jax.ShapeDtypeStruct((NP, DH), jnp.float32),
              jax.ShapeDtypeStruct((NP, DH), jnp.float32)],
    mesh=plsc.VectorSubcoreMesh(core_axis_name="c", subcore_axis_name="s"),
    scratch_types=[
        pltpu.VMEM((CH, K), jnp.int32),
        pltpu.VMEM((CH, K), jnp.int32),
        pltpu.VMEM((NB, K, DH), jnp.bfloat16),
        pltpu.VMEM((K, DH), jnp.float32),
        pltpu.VMEM((ZR, DH), jnp.float32),
        pltpu.VMEM_SHARED((NP, DH), jnp.float32),
    ] + [pltpu.SemaphoreType.DMA] * NB,
    compiler_params=pltpu.CompilerParams(use_tc_tiling_on_sc=False,
                                        needs_layout_passes=False),
)(_sc_body)


def _mm_body(hl_ref, hr_ref, pl_ref, pr_ref, w_ref, b_ref,
             ol_ref, or_ref, ol16_ref, or16_ref, *, relu):
    accl = hl_ref[...] + pl_ref[...]
    accr = hr_ref[...] + pr_ref[...]
    y = (jnp.dot(accl, w_ref[:DH, :], preferred_element_type=jnp.float32)
         + jnp.dot(accr, w_ref[DH:, :], preferred_element_type=jnp.float32)
         + b_ref[...])
    if relu:
        y = jnp.maximum(y, 0.0)
    ol_ref[...] = y[:, :DH]
    or_ref[...] = y[:, DH:]
    ol16_ref[...] = y[:, :DH].astype(jnp.bfloat16)
    or16_ref[...] = y[:, DH:].astype(jnp.bfloat16)


def _tc_layer(hl, hr, p0, p1, W, b, relu):
    return pl.pallas_call(
        functools.partial(_mm_body, relu=relu),
        grid=(N // BN,),
        in_specs=[pl.BlockSpec((BN, DH), lambda i: (i, 0))] * 4
        + [pl.BlockSpec((D, D), lambda i: (0, 0)),
           pl.BlockSpec((1, D), lambda i: (0, 0))],
        out_specs=[pl.BlockSpec((BN, DH), lambda i: (i, 0))] * 4,
        out_shape=[jax.ShapeDtypeStruct((N, DH), jnp.float32),
                   jax.ShapeDtypeStruct((N, DH), jnp.float32),
                   jax.ShapeDtypeStruct((N, DH), jnp.bfloat16),
                   jax.ShapeDtypeStruct((N, DH), jnp.bfloat16)],
    )(hl, hr, p0, p1, W, b.reshape(1, D))


def _mm_pool_body(hl_ref, hr_ref, pl_ref, pr_ref, w_ref, b_ref, bat_ref,
                  o_ref):
    @pl.when(pl.program_id(0) == 0)
    def _init():
        o_ref[...] = jnp.zeros_like(o_ref)

    accl = hl_ref[...] + pl_ref[...]
    accr = hr_ref[...] + pr_ref[...]
    y = (jnp.dot(accl, w_ref[:DH, :], preferred_element_type=jnp.float32)
         + jnp.dot(accr, w_ref[DH:, :], preferred_element_type=jnp.float32)
         + b_ref[...])
    gids = lax.broadcasted_iota(jnp.int32, (G, BN), 0)
    onehot_t = (bat_ref[0] == gids).astype(jnp.float32)
    o_ref[...] += jnp.dot(onehot_t, y, preferred_element_type=jnp.float32)


def _tc_pool(hl, hr, p0, p1, W, b, batch_row):
    return pl.pallas_call(
        _mm_pool_body,
        grid=(N // BN,),
        in_specs=[pl.BlockSpec((BN, DH), lambda i: (i, 0))] * 4
        + [pl.BlockSpec((D, D), lambda i: (0, 0)),
           pl.BlockSpec((1, D), lambda i: (0, 0)),
           pl.BlockSpec((1, 1, BN), lambda i: (i, 0, 0))],
        out_specs=pl.BlockSpec((G, D), lambda i: (0, 0)),
        out_shape=jax.ShapeDtypeStruct((G, D), jnp.float32),
    )(hl, hr, p0, p1, W, b.reshape(1, D), batch_row)


def kernel(x, edge_index, batch, W1, b1, W2, b2, W3, b3):
    src = edge_index[0].astype(jnp.int32)
    dst = edge_index[1].astype(jnp.int32)
    npad = EPAD - E
    src2d = jnp.concatenate(
        [src, jnp.zeros((npad,), jnp.int32)]).reshape(NS, CH, K)
    dst2d = jnp.concatenate(
        [dst, jnp.full((npad,), N, jnp.int32)]).reshape(NS, CH, K)
    batch_row = batch.astype(jnp.int32).reshape(N // BN, 1, BN)

    x = x.astype(jnp.float32)
    hl, hr = x[:, :DH], x[:, DH:]
    hl16 = hl.astype(jnp.bfloat16)[:, PERM]
    hr16 = hr.astype(jnp.bfloat16)[:, PERM]
    p0, p1 = _sc_scatter(hl16, hr16, src2d, dst2d)
    hl, hr, hl16, hr16 = _tc_layer(hl, hr, p0, p1, W1, b1, relu=True)
    p0, p1 = _sc_scatter(hl16[:, PERM], hr16[:, PERM], src2d, dst2d)
    hl, hr, hl16, hr16 = _tc_layer(hl, hr, p0, p1, W2, b2, relu=True)
    p0, p1 = _sc_scatter(hl16[:, PERM], hr16[:, PERM], src2d, dst2d)
    return _tc_pool(hl, hr, p0, p1, W3, b3, batch_row)

# --- scband reference (transcript-rebuilt; emitter-appended) ---
"""Pipeline reference for scband-gin-90744069030484 (READ-ONLY COPY).

The authoritative reference and input builder live on the scoring server;
editing this copy changes nothing except your own understanding.
"""

import jax, jax.numpy as jnp
import numpy as np

N = 10000
E = 320000
D_IN = 128
D_HID = 128
D_OUT = 128
NUM_GRAPHS = 128


def setup_inputs(seed: int = 0) -> dict:
    key = jax.random.key(seed)
    k1, k2, k3, k4, k5, k6 = jax.random.split(key, 6)
    x = jax.random.normal(k1, (N, D_IN), dtype=jnp.float32)
    edge_index = jax.random.randint(k2, (2, E), 0, N, dtype=jnp.int64)
    batch = jnp.sort(jax.random.randint(k3, (N,), 0, NUM_GRAPHS, dtype=jnp.int64))
    W1 = jax.random.normal(k4, (D_IN, D_HID), dtype=jnp.float32) * 0.05
    b1 = jnp.zeros((D_HID,), dtype=jnp.float32)
    W2 = jax.random.normal(k5, (D_HID, D_HID), dtype=jnp.float32) * 0.05
    b2 = jnp.zeros((D_HID,), dtype=jnp.float32)
    W3 = jax.random.normal(k6, (D_HID, D_OUT), dtype=jnp.float32) * 0.05
    b3 = jnp.zeros((D_OUT,), dtype=jnp.float32)
    return {"x": x, "edge_index": edge_index, "batch": batch,
            "W1": W1, "b1": b1, "W2": W2, "b2": b2, "W3": W3, "b3": b3}


def _gin_conv(h, src, dst, W, b, eps=0.0):
    # sum-aggregate neighbor features into destination nodes (scatter-add)
    agg = jax.ops.segment_sum(h[src], dst, num_segments=N)
    out = (1.0 + eps) * h + agg
    return out @ W + b


def reference(x, edge_index, batch, W1, b1, W2, b2, W3, b3):
    src = edge_index[0]
    dst = edge_index[1]
    h = x.astype(jnp.float32)
    # layer 0 (in -> hidden) + relu
    h = jax.nn.relu(_gin_conv(h, src, dst, W1, b1))
    # layer 1 (hidden -> hidden) + relu
    h = jax.nn.relu(_gin_conv(h, src, dst, W2, b2))
    # layer 2 (hidden -> out), no relu
    h = _gin_conv(h, src, dst, W3, b3)
    # global add pool over graphs in the batch
    out = jax.ops.segment_sum(h, batch, num_segments=NUM_GRAPHS)
    # out_channels != 1 so return [NUM_GRAPHS, D_OUT]
    return out

if __name__ == "__main__":
    import jax
    _d = setup_inputs()
    print(jax.jit(kernel)(*tuple(_d.values())))

</pallas_src>

<mosaic_0001>
#map = affine_map<(d0, d1) -> (0, 0)>
#map1 = affine_map<(d0, d1) -> (0, 0, 0)>
module attributes {stable_mosaic.version = 14 : i64} {
  func.func @_sc_body(%arg0: i32, %arg1: i32, %arg2: memref<10000x64xbf16, #tpu.memory_space<hbm>>, %arg3: memref<10000x64xbf16, #tpu.memory_space<hbm>>, %arg4: memref<16x157x128xi32, #tpu.memory_space<hbm>>, %arg5: memref<16x157x128xi32, #tpu.memory_space<hbm>>, %arg6: memref<10240x64xf32, #tpu.memory_space<hbm>>, %arg7: memref<10240x64xf32, #tpu.memory_space<hbm>>, %arg8: memref<157x128xi32, #tpu.memory_space<vmem>>, %arg9: memref<157x128xi32, #tpu.memory_space<vmem>>, %arg10: memref<2x128x64xbf16, #tpu.memory_space<vmem>>, %arg11: memref<128x64xf32, #tpu.memory_space<vmem>>, %arg12: memref<128x64xf32, #tpu.memory_space<vmem>>, %arg13: memref<10240x64xf32, #tpu.memory_space<vmem_shared>>, %arg14: memref<!tpu.dma_semaphore, #tpu.memory_space<semaphore_mem>>, %arg15: memref<!tpu.dma_semaphore, #tpu.memory_space<semaphore_mem>>) attributes {dimension_semantics = [#tpu.dimension_semantics<core_parallel>, #tpu.dimension_semantics<subcore_parallel>], iteration_bounds = array<i64: 2, 16>, scalar_prefetch = 0 : i64, scratch_operands = 8 : i64, tpu.core_type = #tpu.core_type<sc_vector_subcore>, window_params = [{transform_indices = #map}, {transform_indices = #map}, {transform_indices = #map1}, {transform_indices = #map1}, {transform_indices = #map}, {transform_indices = #map}]} {
    %scan3A = arith.constant 0 : i32
    %scan3A_0 = arith.constant 128 : i32
    %scan3A_1 = arith.addi %scan3A, %scan3A_0 : i32
    %scan3A_2 = arith.constant 1 : i32
    scf.for %scan3A_28 = %scan3A to %scan3A_1 step %scan3A_2  : i32 {
      %mul3A_29 = arith.constant 1 : i32
      %mul3A_30 = arith.muli %scan3A_28, %mul3A_29 : i32
      %add3A = arith.constant 0 : i32
      %add3A_31 = arith.addi %add3A, %mul3A_30 : i32
      %scan3A_32 = arith.constant 0 : i32
      %scan3A_33 = arith.constant 4 : i32
      %scan3A_34 = arith.addi %scan3A_32, %scan3A_33 : i32
      %scan3A_35 = arith.constant 1 : i32
      scf.for %scan3A_37 = %scan3A_32 to %scan3A_34 step %scan3A_35  : i32 {
        %mul3A_38 = arith.constant 1 : i32
        %mul3A_39 = arith.muli %scan3A_37, %mul3A_38 : i32
        %add3A_40 = arith.constant 0 : i32
        %add3A_41 = arith.addi %add3A_40, %mul3A_39 : i32
        %broadcast_in_dim3A = arith.constant 0.000000e+00 : f32
        %broadcast_in_dim3A_42 = vector.broadcast %broadcast_in_dim3A : f32 to vector<16xf32>
        %mul3A_43 = arith.constant 16 : i32
        %mul3A_44 = arith.muli %add3A_41, %mul3A_43 : i32
        %swap3A = arith.index_cast %add3A_31 : i32 to index
        %swap3A_45 = arith.index_cast %mul3A_44 : i32 to index
        %swap3A_46 = tpu.vector_load %arg12[%swap3A, %swap3A_45] {strides = array<i32>} : memref<128x64xf32, #tpu.memory_space<vmem>>, vector<16xf32>,
        tpu.vector_store %arg12[%swap3A, %swap3A_45], %broadcast_in_dim3A_42 {strides = array<i32>} : memref<128x64xf32, #tpu.memory_space<vmem>>, vector<16xf32>,
      }
      %scan3A_36 = arith.constant 4 : i32
    }
    %scan3A_3 = arith.constant 128 : i32
    %scan3A_4 = arith.constant 0 : i32
    %scan3A_5 = arith.constant 5 : i32
    %scan3A_6 = arith.addi %scan3A_4, %scan3A_5 : i32
    %scan3A_7 = arith.constant 1 : i32
    scf.for %scan3A_28 = %scan3A_4 to %scan3A_6 step %scan3A_7  : i32 {
      %mul3A_29 = arith.constant 1 : i32
      %mul3A_30 = arith.muli %scan3A_28, %mul3A_29 : i32
      %add3A = arith.constant 0 : i32
      %add3A_31 = arith.addi %add3A, %mul3A_30 : i32
      %mul3A_32 = arith.constant 640 : i32
      %mul3A_33 = arith.muli %arg1, %mul3A_32 : i32
      %mul3A_34 = arith.constant 128 : i32
      %mul3A_35 = arith.muli %add3A_31, %mul3A_34 : i32
      %add3A_36 = arith.addi %mul3A_33, %mul3A_35 : i32
      "tpu.region"() ({
        %run_scoped3A = tpu.sem_alloc : memref<!tpu.dma_semaphore, #tpu.memory_space<semaphore_mem>>
        %dma_start3A = arith.constant 0 : i32
        %dma_start3A_37 = tpu.memref_slice %arg13[%add3A_36, %dma_start3A] : memref<10240x64xf32, #tpu.memory_space<vmem_shared>> -> memref<128x64xf32, #tpu.memory_space<vmem_shared>>
        %dma_start3A_38 = arith.constant 0 : i32
        %dma_start3A_39 = tpu.memref_slice %arg13[%add3A_36, %dma_start3A_38] : memref<10240x64xf32, #tpu.memory_space<vmem_shared>> -> memref<128x64xf32, #tpu.memory_space<vmem_shared>>
        tpu.enqueue_dma source(%arg12 : memref<128x64xf32, #tpu.memory_space<vmem>>) target(%dma_start3A_39 : memref<128x64xf32, #tpu.memory_space<vmem_shared>>) target_semaphore(%run_scoped3A : memref<!tpu.dma_semaphore, #tpu.memory_space<semaphore_mem>>)
        %dma_wait3A = arith.constant 0 : i32
        %dma_wait3A_40 = tpu.memref_slice %arg13[%add3A_36, %dma_wait3A] : memref<10240x64xf32, #tpu.memory_space<vmem_shared>> -> memref<128x64xf32, #tpu.memory_space<vmem_shared>>
        %dma_wait3A_41 = arith.constant 0 : i32
        %dma_wait3A_42 = tpu.memref_slice %arg13[%add3A_36, %dma_wait3A_41] : memref<10240x64xf32, #tpu.memory_space<vmem_shared>> -> memref<128x64xf32, #tpu.memory_space<vmem_shared>>
        tpu.wait_dma2 semaphore(%run_scoped3A : memref<!tpu.dma_semaphore, #tpu.memory_space<semaphore_mem>>) src(%arg12 : memref<128x64xf32, #tpu.memory_space<vmem>>) dst(%dma_wait3A_42 : memref<128x64xf32, #tpu.memory_space<vmem_shared>>)
        tpu.yield
      }) : () -> ()
    }
    %scan3A_8 = arith.constant 5 : i32
    %barrier3A = arith.constant 0 : index
    tpu.barrier barrier_id(%barrier3A)
    "tpu.region"() ({
      %run_scoped3A = tpu.sem_alloc : memref<!tpu.dma_semaphore, #tpu.memory_space<semaphore_mem>>
      %dma_start3A = arith.constant 0 : i32
      %dma_start3A_28 = arith.constant 0 : i32
      %dma_start3A_29 = tpu.memref_slice %arg4[%arg1, %dma_start3A, %dma_start3A_28] : memref<16x157x128xi32, #tpu.memory_space<hbm>> -> memref<1x157x128xi32, #tpu.memory_space<hbm>>
      %dma_start3A_30 = tpu.memref_squeeze %dma_start3A_29 : memref<1x157x128xi32, #tpu.memory_space<hbm>> -> memref<157x128xi32, #tpu.memory_space<hbm>>
      %dma_start3A_31 = arith.constant 0 : i32
      %dma_start3A_32 = arith.constant 0 : i32
      %dma_start3A_33 = tpu.memref_slice %arg4[%arg1, %dma_start3A_31, %dma_start3A_32] : memref<16x157x128xi32, #tpu.memory_space<hbm>> -> memref<1x157x128xi32, #tpu.memory_space<hbm>>
      %dma_start3A_34 = tpu.memref_squeeze %dma_start3A_33 : memref<1x157x128xi32, #tpu.memory_space<hbm>> -> memref<157x128xi32, #tpu.memory_space<hbm>>
      tpu.enqueue_dma source(%dma_start3A_34 : memref<157x128xi32, #tpu.memory_space<hbm>>) target(%arg8 : memref<157x128xi32, #tpu.memory_space<vmem>>) target_semaphore(%run_scoped3A : memref<!tpu.dma_semaphore, #tpu.memory_space<semaphore_mem>>)
      %dma_wait3A = arith.constant 0 : i32
      %dma_wait3A_35 = arith.constant 0 : i32
      %dma_wait3A_36 = tpu.memref_slice %arg4[%arg1, %dma_wait3A, %dma_wait3A_35] : memref<16x157x128xi32, #tpu.memory_space<hbm>> -> memref<1x157x128xi32, #tpu.memory_space<hbm>>
      %dma_wait3A_37 = tpu.memref_squeeze %dma_wait3A_36 : memref<1x157x128xi32, #tpu.memory_space<hbm>> -> memref<157x128xi32, #tpu.memory_space<hbm>>
      %dma_wait3A_38 = arith.constant 0 : i32
      %dma_wait3A_39 = arith.constant 0 : i32
      %dma_wait3A_40 = tpu.memref_slice %arg4[%arg1, %dma_wait3A_38, %dma_wait3A_39] : memref<16x157x128xi32, #tpu.memory_space<hbm>> -> memref<1x157x128xi32, #tpu.memory_space<hbm>>
      %dma_wait3A_41 = tpu.memref_squeeze %dma_wait3A_40 : memref<1x157x128xi32, #tpu.memory_space<hbm>> -> memref<157x128xi32, #tpu.memory_space<hbm>>
      tpu.wait_dma2 semaphore(%run_scoped3A : memref<!tpu.dma_semaphore, #tpu.memory_space<semaphore_mem>>) src(%dma_wait3A_41 : memref<157x128xi32, #tpu.memory_space<hbm>>) dst(%arg8 : memref<157x128xi32, #tpu.memory_space<vmem>>)
      tpu.yield
    }) : () -> ()
    "tpu.region"() ({
      %run_scoped3A = tpu.sem_alloc : memref<!tpu.dma_semaphore, #tpu.memory_space<semaphore_mem>>
      %dma_start3A = arith.constant 0 : i32
      %dma_start3A_28 = arith.constant 0 : i32
      %dma_start3A_29 = tpu.memref_slice %arg5[%arg1, %dma_start3A, %dma_start3A_28] : memref<16x157x128xi32, #tpu.memory_space<hbm>> -> memref<1x157x128xi32, #tpu.memory_space<hbm>>
      %dma_start3A_30 = tpu.memref_squeeze %dma_start3A_29 : memref<1x157x128xi32, #tpu.memory_space<hbm>> -> memref<157x128xi32, #tpu.memory_space<hbm>>
      %dma_start3A_31 = arith.constant 0 : i32
      %dma_start3A_32 = arith.constant 0 : i32
      %dma_start3A_33 = tpu.memref_slice %arg5[%arg1, %dma_start3A_31, %dma_start3A_32] : memref<16x157x128xi32, #tpu.memory_space<hbm>> -> memref<1x157x128xi32, #tpu.memory_space<hbm>>
      %dma_start3A_34 = tpu.memref_squeeze %dma_start3A_33 : memref<1x157x128xi32, #tpu.memory_space<hbm>> -> memref<157x128xi32, #tpu.memory_space<hbm>>
      tpu.enqueue_dma source(%dma_start3A_34 : memref<157x128xi32, #tpu.memory_space<hbm>>) target(%arg9 : memref<157x128xi32, #tpu.memory_space<vmem>>) target_semaphore(%run_scoped3A : memref<!tpu.dma_semaphore, #tpu.memory_space<semaphore_mem>>)
      %dma_wait3A = arith.constant 0 : i32
      %dma_wait3A_35 = arith.constant 0 : i32
      %dma_wait3A_36 = tpu.memref_slice %arg5[%arg1, %dma_wait3A, %dma_wait3A_35] : memref<16x157x128xi32, #tpu.memory_space<hbm>> -> memref<1x157x128xi32, #tpu.memory_space<hbm>>
      %dma_wait3A_37 = tpu.memref_squeeze %dma_wait3A_36 : memref<1x157x128xi32, #tpu.memory_space<hbm>> -> memref<157x128xi32, #tpu.memory_space<hbm>>
      %dma_wait3A_38 = arith.constant 0 : i32
      %dma_wait3A_39 = arith.constant 0 : i32
      %dma_wait3A_40 = tpu.memref_slice %arg5[%arg1, %dma_wait3A_38, %dma_wait3A_39] : memref<16x157x128xi32, #tpu.memory_space<hbm>> -> memref<1x157x128xi32, #tpu.memory_space<hbm>>
      %dma_wait3A_41 = tpu.memref_squeeze %dma_wait3A_40 : memref<1x157x128xi32, #tpu.memory_space<hbm>> -> memref<157x128xi32, #tpu.memory_space<hbm>>
      tpu.wait_dma2 semaphore(%run_scoped3A : memref<!tpu.dma_semaphore, #tpu.memory_space<semaphore_mem>>) src(%dma_wait3A_41 : memref<157x128xi32, #tpu.memory_space<hbm>>) dst(%arg9 : memref<157x128xi32, #tpu.memory_space<vmem>>)
      tpu.yield
    }) : () -> ()
    %eq3A = arith.constant 0 : i32
    %eq3A_9 = arith.cmpi eq, %arg0, %eq3A : i32
    %convert_element_type3A = arith.extui %eq3A_9 : i1 to i32
    %cond3A = arith.constant 0 : i32
    %cond3A_10 = arith.cmpi ne, %convert_element_type3A, %cond3A : i32
    scf.if %cond3A_10 {
      %dma_start3A = arith.constant 0 : i32
      %dma_start3A_28 = arith.constant 0 : i32
      %dma_start3A_29 = arith.constant 0 : i32
      %dma_start3A_30 = arith.constant 0 : i32
      %dma_start3A_31 = tpu.memref_slice %arg10[%dma_start3A_28, %dma_start3A_29, %dma_start3A_30] : memref<2x128x64xbf16, #tpu.memory_space<vmem>> -> memref<1x128x64xbf16, #tpu.memory_space<vmem>>
      %dma_start3A_32 = tpu.memref_squeeze %dma_start3A_31 : memref<1x128x64xbf16, #tpu.memory_space<vmem>> -> memref<128x64xbf16, #tpu.memory_space<vmem>>
      %dma_start3A_33 = arith.constant 0 : i32
      %dma_start3A_34 = tpu.memref_slice %arg8[%dma_start3A, %dma_start3A_33] : memref<157x128xi32, #tpu.memory_space<vmem>> -> memref<1x128xi32, #tpu.memory_space<vmem>>
      %dma_start3A_35 = tpu.memref_squeeze %dma_start3A_34 : memref<1x128xi32, #tpu.memory_space<vmem>> -> memref<128xi32, #tpu.memory_space<vmem>>
      %dma_start3A_36 = arith.constant 0 : i32
      %dma_start3A_37 = arith.constant 0 : i32
      %dma_start3A_38 = tpu.memref_slice %arg2[%dma_start3A_36, %dma_start3A_37] : memref<10000x64xbf16, #tpu.memory_space<hbm>> -> memref<10000x64xbf16, #tpu.memory_space<hbm>>
      tpu.enqueue_indirect_dma source(%dma_start3A_38 : memref<10000x64xbf16, #tpu.memory_space<hbm>>) target(%dma_start3A_32 : memref<128x64xbf16, #tpu.memory_space<vmem>>) offsets(%dma_start3A_35 : memref<128xi32, #tpu.memory_space<vmem>>) semaphore(%arg14 : memref<!tpu.dma_semaphore, #tpu.memory_space<semaphore_mem>>)
      %scan3A_39 = arith.constant 0 : i32
      %scan3A_40 = arith.constant 78 : i32
      %scan3A_41 = arith.addi %scan3A_39, %scan3A_40 : i32
      %scan3A_42 = arith.constant 1 : i32
      scf.for %scan3A_60 = %scan3A_39 to %scan3A_41 step %scan3A_42  : i32 {
        %mul3A_61 = arith.constant 2 : i32
        %mul3A_62 = arith.muli %scan3A_60, %mul3A_61 : i32
        %add3A = arith.constant 0 : i32
        %add3A_63 = arith.addi %add3A, %mul3A_62 : i32
        %add3A_64 = arith.constant 0 : i32
        %add3A_65 = arith.addi %add3A_63, %add3A_64 : i32
        %dma_wait3A_66 = arith.constant 0 : i32
        %dma_wait3A_67 = arith.constant 0 : i32
        %dma_wait3A_68 = arith.constant 0 : i32
        %dma_wait3A_69 = tpu.memref_slice %arg10[%dma_wait3A_66, %dma_wait3A_67, %dma_wait3A_68] : memref<2x128x64xbf16, #tpu.memory_space<vmem>> -> memref<1x128x64xbf16, #tpu.memory_space<vmem>>
        %dma_wait3A_70 = tpu.memref_squeeze %dma_wait3A_69 : memref<1x128x64xbf16, #tpu.memory_space<vmem>> -> memref<128x64xbf16, #tpu.memory_space<vmem>>
        %dma_wait3A_71 = arith.constant 0 : i32
        %dma_wait3A_72 = tpu.memref_slice %arg8[%add3A_65, %dma_wait3A_71] : memref<157x128xi32, #tpu.memory_space<vmem>> -> memref<1x128xi32, #tpu.memory_space<vmem>>
        %dma_wait3A_73 = tpu.memref_squeeze %dma_wait3A_72 : memref<1x128xi32, #tpu.memory_space<vmem>> -> memref<128xi32, #tpu.memory_space<vmem>>
        %dma_wait3A_74 = arith.constant 0 : i32
        %dma_wait3A_75 = arith.constant 0 : i32
        %dma_wait3A_76 = tpu.memref_slice %arg2[%dma_wait3A_74, %dma_wait3A_75] : memref<10000x64xbf16, #tpu.memory_space<hbm>> -> memref<10000x64xbf16, #tpu.memory_space<hbm>>
        tpu.wait_indirect_dma semaphore(%arg14 : memref<!tpu.dma_semaphore, #tpu.memory_space<semaphore_mem>>) src(%dma_wait3A_76 : memref<10000x64xbf16, #tpu.memory_space<hbm>>) dst(%dma_wait3A_70 : memref<128x64xbf16, #tpu.memory_space<vmem>>)
        %add3A_77 = arith.constant 2 : i32
        %add3A_78 = arith.addi %add3A_65, %add3A_77 : i32
        %sub3A = arith.constant 1 : i32
        %sub3A_79 = arith.subi %add3A_78, %sub3A : i32
        %dma_start3A_80 = arith.constant 1 : i32
        %dma_start3A_81 = arith.constant 0 : i32
        %dma_start3A_82 = arith.constant 0 : i32
        %dma_start3A_83 = tpu.memref_slice %arg10[%dma_start3A_80, %dma_start3A_81, %dma_start3A_82] : memref<2x128x64xbf16, #tpu.memory_space<vmem>> -> memref<1x128x64xbf16, #tpu.memory_space<vmem>>
        %dma_start3A_84 = tpu.memref_squeeze %dma_start3A_83 : memref<1x128x64xbf16, #tpu.memory_space<vmem>> -> memref<128x64xbf16, #tpu.memory_space<vmem>>
        %dma_start3A_85 = arith.constant 0 : i32
        %dma_start3A_86 = tpu.memref_slice %arg8[%sub3A_79, %dma_start3A_85] : memref<157x128xi32, #tpu.memory_space<vmem>> -> memref<1x128xi32, #tpu.memory_space<vmem>>
        %dma_start3A_87 = tpu.memref_squeeze %dma_start3A_86 : memref<1x128xi32, #tpu.memory_space<vmem>> -> memref<128xi32, #tpu.memory_space<vmem>>
        %dma_start3A_88 = arith.constant 0 : i32
        %dma_start3A_89 = arith.constant 0 : i32
        %dma_start3A_90 = tpu.memref_slice %arg2[%dma_start3A_88, %dma_start3A_89] : memref<10000x64xbf16, #tpu.memory_space<hbm>> -> memref<10000x64xbf16, #tpu.memory_space<hbm>>
        tpu.enqueue_indirect_dma source(%dma_start3A_90 : memref<10000x64xbf16, #tpu.memory_space<hbm>>) target(%dma_start3A_84 : memref<128x64xbf16, #tpu.memory_space<vmem>>) offsets(%dma_start3A_87 : memref<128xi32, #tpu.memory_space<vmem>>) semaphore(%arg15 : memref<!tpu.dma_semaphore, #tpu.memory_space<semaphore_mem>>)
        %scan3A_91 = arith.constant 0 : i32
        %scan3A_92 = arith.constant 128 : i32
        %scan3A_93 = arith.addi %scan3A_91, %scan3A_92 : i32
        %scan3A_94 = arith.constant 1 : i32
        scf.for %scan3A_129 = %scan3A_91 to %scan3A_93 step %scan3A_94  : i32 {
          %mul3A_130 = arith.constant 1 : i32
          %mul3A_131 = arith.muli %scan3A_129, %mul3A_130 : i32
          %add3A_132 = arith.constant 0 : i32
          %add3A_133 = arith.addi %add3A_132, %mul3A_131 : i32
          %get3A = arith.constant 0 : i32
          %get3A_134 = arith.index_cast %get3A : i32 to index
          %get3A_135 = arith.index_cast %add3A_133 : i32 to index
          %get3A_136 = arith.constant 0 : index
          %get3A_137 = tpu.vector_load %arg10[%get3A_134, %get3A_135, %get3A_136] {strides = array<i32>} : memref<2x128x64xbf16, #tpu.memory_space<vmem>>, vector<32xbf16>,
          %unpack3A = tpu.unpack_subelements %get3A_137, 0 {pack_format = #tpu.pack_format<interleaved>} : vector<32xbf16> -> vector<16xf32>
          %unpack3A_138 = tpu.unpack_subelements %get3A_137, 1 {pack_format = #tpu.pack_format<interleaved>} : vector<32xbf16> -> vector<16xf32>
          %swap3A = arith.index_cast %add3A_133 : i32 to index
          %swap3A_139 = arith.constant 0 : index
          %swap3A_140 = tpu.vector_load %arg11[%swap3A, %swap3A_139] {strides = array<i32>} : memref<128x64xf32, #tpu.memory_space<vmem>>, vector<16xf32>,
          tpu.vector_store %arg11[%swap3A, %swap3A_139], %unpack3A {strides = array<i32>} : memref<128x64xf32, #tpu.memory_space<vmem>>, vector<16xf32>,
          %swap3A_141 = arith.index_cast %add3A_133 : i32 to index
          %swap3A_142 = arith.constant 16 : index
          %swap3A_143 = tpu.vector_load %arg11[%swap3A_141, %swap3A_142] {strides = array<i32>} : memref<128x64xf32, #tpu.memory_space<vmem>>, vector<16xf32>,
          tpu.vector_store %arg11[%swap3A_141, %swap3A_142], %unpack3A_138 {strides = array<i32>} : memref<128x64xf32, #tpu.memory_space<vmem>>, vector<16xf32>,
          %get3A_144 = arith.constant 0 : i32
          %get3A_145 = arith.index_cast %get3A_144 : i32 to index
          %get3A_146 = arith.index_cast %add3A_133 : i32 to index
          %get3A_147 = arith.constant 32 : index
          %get3A_148 = tpu.vector_load %arg10[%get3A_145, %get3A_146, %get3A_147] {strides = array<i32>} : memref<2x128x64xbf16, #tpu.memory_space<vmem>>, vector<32xbf16>,
          %unpack3A_149 = tpu.unpack_subelements %get3A_148, 0 {pack_format = #tpu.pack_format<interleaved>} : vector<32xbf16> -> vector<16xf32>
          %unpack3A_150 = tpu.unpack_subelements %get3A_148, 1 {pack_format = #tpu.pack_format<interleaved>} : vector<32xbf16> -> vector<16xf32>
          %swap3A_151 = arith.index_cast %add3A_133 : i32 to index
          %swap3A_152 = arith.constant 32 : index
          %swap3A_153 = tpu.vector_load %arg11[%swap3A_151, %swap3A_152] {strides = array<i32>} : memref<128x64xf32, #tpu.memory_space<vmem>>, vector<16xf32>,
          tpu.vector_store %arg11[%swap3A_151, %swap3A_152], %unpack3A_149 {strides = array<i32>} : memref<128x64xf32, #tpu.memory_space<vmem>>, vector<16xf32>,
          %swap3A_154 = arith.index_cast %add3A_133 : i32 to index
          %swap3A_155 = arith.constant 48 : index
          %swap3A_156 = tpu.vector_load %arg11[%swap3A_154, %swap3A_155] {strides = array<i32>} : memref<128x64xf32, #tpu.memory_space<vmem>>, vector<16xf32>,
          tpu.vector_store %arg11[%swap3A_154, %swap3A_155], %unpack3A_150 {strides = array<i32>} : memref<128x64xf32, #tpu.memory_space<vmem>>, vector<16xf32>,
        }
        %scan3A_95 = arith.constant 128 : i32
        "tpu.region"() ({
          %run_scoped3A_129 = tpu.sem_alloc : memref<!tpu.dma_semaphore, #tpu.memory_space<semaphore_mem>>
          %dma_start3A_130 = arith.constant 0 : i32
          %dma_start3A_131 = tpu.memref_slice %arg9[%add3A_65, %dma_start3A_130] : memref<157x128xi32, #tpu.memory_space<vmem>> -> memref<1x128xi32, #tpu.memory_space<vmem>>
          %dma_start3A_132 = tpu.memref_squeeze %dma_start3A_131 : memref<1x128xi32, #tpu.memory_space<vmem>> -> memref<128xi32, #tpu.memory_space<vmem>>
          %dma_start3A_133 = arith.constant 0 : i32
          %dma_start3A_134 = arith.constant 0 : i32
          %dma_start3A_135 = tpu.memref_slice %arg13[%dma_start3A_133, %dma_start3A_134] : memref<10240x64xf32, #tpu.memory_space<vmem_shared>> -> memref<10240x64xf32, #tpu.memory_space<vmem_shared>>
          tpu.enqueue_indirect_dma source(%arg11 : memref<128x64xf32, #tpu.memory_space<vmem>>) target(%dma_start3A_135 : memref<10240x64xf32, #tpu.memory_space<vmem_shared>>) offsets(%dma_start3A_132 : memref<128xi32, #tpu.memory_space<vmem>>) semaphore(%run_scoped3A_129 : memref<!tpu.dma_semaphore, #tpu.memory_space<semaphore_mem>>) {add = true}
          %dma_wait3A_136 = arith.constant 0 : i32
          %dma_wait3A_137 = tpu.memref_slice %arg9[%add3A_65, %dma_wait3A_136] : memref<157x128xi32, #tpu.memory_space<vmem>> -> memref<1x128xi32, #tpu.memory_space<vmem>>
          %dma_wait3A_138 = tpu.memref_squeeze %dma_wait3A_137 : memref<1x128xi32, #tpu.memory_space<vmem>> -> memref<128xi32, #tpu.memory_space<vmem>>
          %dma_wait3A_139 = arith.constant 0 : i32
          %dma_wait3A_140 = arith.constant 0 : i32
          %dma_wait3A_141 = tpu.memref_slice %arg13[%dma_wait3A_139, %dma_wait3A_140] : memref<10240x64xf32, #tpu.memory_space<vmem_shared>> -> memref<10240x64xf32, #tpu.memory_space<vmem_shared>>
          tpu.wait_indirect_dma semaphore(%run_scoped3A_129 : memref<!tpu.dma_semaphore, #tpu.memory_space<semaphore_mem>>) src(%arg11 : memref<128x64xf32, #tpu.memory_space<vmem>>) dst(%dma_wait3A_141 : memref<10240x64xf32, #tpu.memory_space<vmem_shared>>)
          tpu.yield
        }) : () -> ()
        %add3A_96 = arith.constant 1 : i32
        %add3A_97 = arith.addi %add3A_63, %add3A_96 : i32
        %dma_wait3A_98 = arith.constant 1 : i32
        %dma_wait3A_99 = arith.constant 0 : i32
        %dma_wait3A_100 = arith.constant 0 : i32
        %dma_wait3A_101 = tpu.memref_slice %arg10[%dma_wait3A_98, %dma_wait3A_99, %dma_wait3A_100] : memref<2x128x64xbf16, #tpu.memory_space<vmem>> -> memref<1x128x64xbf16, #tpu.memory_space<vmem>>
        %dma_wait3A_102 = tpu.memref_squeeze %dma_wait3A_101 : memref<1x128x64xbf16, #tpu.memory_space<vmem>> -> memref<128x64xbf16, #tpu.memory_space<vmem>>
        %dma_wait3A_103 = arith.constant 0 : i32
        %dma_wait3A_104 = tpu.memref_slice %arg8[%add3A_97, %dma_wait3A_103] : memref<157x128xi32, #tpu.memory_space<vmem>> -> memref<1x128xi32, #tpu.memory_space<vmem>>
        %dma_wait3A_105 = tpu.memref_squeeze %dma_wait3A_104 : memref<1x128xi32, #tpu.memory_space<vmem>> -> memref<128xi32, #tpu.memory_space<vmem>>
        %dma_wait3A_106 = arith.constant 0 : i32
        %dma_wait3A_107 = arith.constant 0 : i32
        %dma_wait3A_108 = tpu.memref_slice %arg2[%dma_wait3A_106, %dma_wait3A_107] : memref<10000x64xbf16, #tpu.memory_space<hbm>> -> memref<10000x64xbf16, #tpu.memory_space<hbm>>
        tpu.wait_indirect_dma semaphore(%arg15 : memref<!tpu.dma_semaphore, #tpu.memory_space<semaphore_mem>>) src(%dma_wait3A_108 : memref<10000x64xbf16, #tpu.memory_space<hbm>>) dst(%dma_wait3A_102 : memref<128x64xbf16, #tpu.memory_space<vmem>>)
        %add3A_109 = arith.constant 2 : i32
        %add3A_110 = arith.addi %add3A_97, %add3A_109 : i32
        %sub3A_111 = arith.constant 1 : i32
        %sub3A_112 = arith.subi %add3A_110, %sub3A_111 : i32
        %dma_start3A_113 = arith.constant 0 : i32
        %dma_start3A_114 = arith.constant 0 : i32
        %dma_start3A_115 = arith.constant 0 : i32
        %dma_start3A_116 = tpu.memref_slice %arg10[%dma_start3A_113, %dma_start3A_114, %dma_start3A_115] : memref<2x128x64xbf16, #tpu.memory_space<vmem>> -> memref<1x128x64xbf16, #tpu.memory_space<vmem>>
        %dma_start3A_117 = tpu.memref_squeeze %dma_start3A_116 : memref<1x128x64xbf16, #tpu.memory_space<vmem>> -> memref<128x64xbf16, #tpu.memory_space<vmem>>
        %dma_start3A_118 = arith.constant 0 : i32
        %dma_start3A_119 = tpu.memref_slice %arg8[%sub3A_112, %dma_start3A_118] : memref<157x128xi32, #tpu.memory_space<vmem>> -> memref<1x128xi32, #tpu.memory_space<vmem>>
        %dma_start3A_120 = tpu.memref_squeeze %dma_start3A_119 : memref<1x128xi32, #tpu.memory_space<vmem>> -> memref<128xi32, #tpu.memory_space<vmem>>
        %dma_start3A_121 = arith.constant 0 : i32
        %dma_start3A_122 = arith.constant 0 : i32
        %dma_start3A_123 = tpu.memref_slice %arg2[%dma_start3A_121, %dma_start3A_122] : memref<10000x64xbf16, #tpu.memory_space<hbm>> -> memref<10000x64xbf16, #tpu.memory_space<hbm>>
        tpu.enqueue_indirect_dma source(%dma_start3A_123 : memref<10000x64xbf16, #tpu.memory_space<hbm>>) target(%dma_start3A_117 : memref<128x64xbf16, #tpu.memory_space<vmem>>) offsets(%dma_start3A_120 : memref<128xi32, #tpu.memory_space<vmem>>) semaphore(%arg14 : memref<!tpu.dma_semaphore, #tpu.memory_space<semaphore_mem>>)
        %scan3A_124 = arith.constant 0 : i32
        %scan3A_125 = arith.constant 128 : i32
        %scan3A_126 = arith.addi %scan3A_124, %scan3A_125 : i32
        %scan3A_127 = arith.constant 1 : i32
        scf.for %scan3A_129 = %scan3A_124 to %scan3A_126 step %scan3A_127  : i32 {
          %mul3A_130 = arith.constant 1 : i32
          %mul3A_131 = arith.muli %scan3A_129, %mul3A_130 : i32
          %add3A_132 = arith.constant 0 : i32
          %add3A_133 = arith.addi %add3A_132, %mul3A_131 : i32
          %get3A = arith.constant 1 : i32
          %get3A_134 = arith.index_cast %get3A : i32 to index
          %get3A_135 = arith.index_cast %add3A_133 : i32 to index
          %get3A_136 = arith.constant 0 : index
          %get3A_137 = tpu.vector_load %arg10[%get3A_134, %get3A_135, %get3A_136] {strides = array<i32>} : memref<2x128x64xbf16, #tpu.memory_space<vmem>>, vector<32xbf16>,
          %unpack3A = tpu.unpack_subelements %get3A_137, 0 {pack_format = #tpu.pack_format<interleaved>} : vector<32xbf16> -> vector<16xf32>
          %unpack3A_138 = tpu.unpack_subelements %get3A_137, 1 {pack_format = #tpu.pack_format<interleaved>} : vector<32xbf16> -> vector<16xf32>
          %swap3A = arith.index_cast %add3A_133 : i32 to index
          %swap3A_139 = arith.constant 0 : index
          %swap3A_140 = tpu.vector_load %arg11[%swap3A, %swap3A_139] {strides = array<i32>} : memref<128x64xf32, #tpu.memory_space<vmem>>, vector<16xf32>,
          tpu.vector_store %arg11[%swap3A, %swap3A_139], %unpack3A {strides = array<i32>} : memref<128x64xf32, #tpu.memory_space<vmem>>, vector<16xf32>,
          %swap3A_141 = arith.index_cast %add3A_133 : i32 to index
          %swap3A_142 = arith.constant 16 : index
          %swap3A_143 = tpu.vector_load %arg11[%swap3A_141, %swap3A_142] {strides = array<i32>} : memref<128x64xf32, #tpu.memory_space<vmem>>, vector<16xf32>,
          tpu.vector_store %arg11[%swap3A_141, %swap3A_142], %unpack3A_138 {strides = array<i32>} : memref<128x64xf32, #tpu.memory_space<vmem>>, vector<16xf32>,
          %get3A_144 = arith.constant 1 : i32
          %get3A_145 = arith.index_cast %get3A_144 : i32 to index
          %get3A_146 = arith.index_cast %add3A_133 : i32 to index
          %get3A_147 = arith.constant 32 : index
          %get3A_148 = tpu.vector_load %arg10[%get3A_145, %get3A_146, %get3A_147] {strides = array<i32>} : memref<2x128x64xbf16, #tpu.memory_space<vmem>>, vector<32xbf16>,
          %unpack3A_149 = tpu.unpack_subelements %get3A_148, 0 {pack_format = #tpu.pack_format<interleaved>} : vector<32xbf16> -> vector<16xf32>
          %unpack3A_150 = tpu.unpack_subelements %get3A_148, 1 {pack_format = #tpu.pack_format<interleaved>} : vector<32xbf16> -> vector<16xf32>
          %swap3A_151 = arith.index_cast %add3A_133 : i32 to index
          %swap3A_152 = arith.constant 32 : index
          %swap3A_153 = tpu.vector_load %arg11[%swap3A_151, %swap3A_152] {strides = array<i32>} : memref<128x64xf32, #tpu.memory_space<vmem>>, vector<16xf32>,
          tpu.vector_store %arg11[%swap3A_151, %swap3A_152], %unpack3A_149 {strides = array<i32>} : memref<128x64xf32, #tpu.memory_space<vmem>>, vector<16xf32>,
          %swap3A_154 = arith.index_cast %add3A_133 : i32 to index
          %swap3A_155 = arith.constant 48 : index
          %swap3A_156 = tpu.vector_load %arg11[%swap3A_154, %swap3A_155] {strides = array<i32>} : memref<128x64xf32, #tpu.memory_space<vmem>>, vector<16xf32>,
          tpu.vector_store %arg11[%swap3A_154, %swap3A_155], %unpack3A_150 {strides = array<i32>} : memref<128x64xf32, #tpu.memory_space<vmem>>, vector<16xf32>,
        }
        %scan3A_128 = arith.constant 128 : i32
        "tpu.region"() ({
          %run_scoped3A_129 = tpu.sem_alloc : memref<!tpu.dma_semaphore, #tpu.memory_space<semaphore_mem>>
          %dma_start3A_130 = arith.constant 0 : i32
          %dma_start3A_131 = tpu.memref_slice %arg9[%add3A_97, %dma_start3A_130] : memref<157x128xi32, #tpu.memory_space<vmem>> -> memref<1x128xi32, #tpu.memory_space<vmem>>
          %dma_start3A_132 = tpu.memref_squeeze %dma_start3A_131 : memref<1x128xi32, #tpu.memory_space<vmem>> -> memref<128xi32, #tpu.memory_space<vmem>>
          %dma_start3A_133 = arith.constant 0 : i32
          %dma_start3A_134 = arith.constant 0 : i32
          %dma_start3A_135 = tpu.memref_slice %arg13[%dma_start3A_133, %dma_start3A_134] : memref<10240x64xf32, #tpu.memory_space<vmem_shared>> -> memref<10240x64xf32, #tpu.memory_space<vmem_shared>>
          tpu.enqueue_indirect_dma source(%arg11 : memref<128x64xf32, #tpu.memory_space<vmem>>) target(%dma_start3A_135 : memref<10240x64xf32, #tpu.memory_space<vmem_shared>>) offsets(%dma_start3A_132 : memref<128xi32, #tpu.memory_space<vmem>>) semaphore(%run_scoped3A_129 : memref<!tpu.dma_semaphore, #tpu.memory_space<semaphore_mem>>) {add = true}
          %dma_wait3A_136 = arith.constant 0 : i32
          %dma_wait3A_137 = tpu.memref_slice %arg9[%add3A_97, %dma_wait3A_136] : memref<157x128xi32, #tpu.memory_space<vmem>> -> memref<1x128xi32, #tpu.memory_space<vmem>>
          %dma_wait3A_138 = tpu.memref_squeeze %dma_wait3A_137 : memref<1x128xi32, #tpu.memory_space<vmem>> -> memref<128xi32, #tpu.memory_space<vmem>>
          %dma_wait3A_139 = arith.constant 0 : i32
          %dma_wait3A_140 = arith.constant 0 : i32
          %dma_wait3A_141 = tpu.memref_slice %arg13[%dma_wait3A_139, %dma_wait3A_140] : memref<10240x64xf32, #tpu.memory_space<vmem_shared>> -> memref<10240x64xf32, #tpu.memory_space<vmem_shared>>
          tpu.wait_indirect_dma semaphore(%run_scoped3A_129 : memref<!tpu.dma_semaphore, #tpu.memory_space<semaphore_mem>>) src(%arg11 : memref<128x64xf32, #tpu.memory_space<vmem>>) dst(%dma_wait3A_141 : memref<10240x64xf32, #tpu.memory_space<vmem_shared>>)
          tpu.yield
        }) : () -> ()
      }
      %scan3A_43 = arith.constant 78 : i32
      %dma_wait3A = arith.constant 156 : i32
      %dma_wait3A_44 = arith.constant 0 : i32
      %dma_wait3A_45 = arith.constant 0 : i32
      %dma_wait3A_46 = arith.constant 0 : i32
      %dma_wait3A_47 = tpu.memref_slice %arg10[%dma_wait3A_44, %dma_wait3A_45, %dma_wait3A_46] : memref<2x128x64xbf16, #tpu.memory_space<vmem>> -> memref<1x128x64xbf16, #tpu.memory_space<vmem>>
      %dma_wait3A_48 = tpu.memref_squeeze %dma_wait3A_47 : memref<1x128x64xbf16, #tpu.memory_space<vmem>> -> memref<128x64xbf16, #tpu.memory_space<vmem>>
      %dma_wait3A_49 = arith.constant 0 : i32
      %dma_wait3A_50 = tpu.memref_slice %arg8[%dma_wait3A, %dma_wait3A_49] : memref<157x128xi32, #tpu.memory_space<vmem>> -> memref<1x128xi32, #tpu.memory_space<vmem>>
      %dma_wait3A_51 = tpu.memref_squeeze %dma_wait3A_50 : memref<1x128xi32, #tpu.memory_space<vmem>> -> memref<128xi32, #tpu.memory_space<vmem>>
      %dma_wait3A_52 = arith.constant 0 : i32
      %dma_wait3A_53 = arith.constant 0 : i32
      %dma_wait3A_54 = tpu.memref_slice %arg2[%dma_wait3A_52, %dma_wait3A_53] : memref<10000x64xbf16, #tpu.memory_space<hbm>> -> memref<10000x64xbf16, #tpu.memory_space<hbm>>
      tpu.wait_indirect_dma semaphore(%arg14 : memref<!tpu.dma_semaphore, #tpu.memory_space<semaphore_mem>>) src(%dma_wait3A_54 : memref<10000x64xbf16, #tpu.memory_space<hbm>>) dst(%dma_wait3A_48 : memref<128x64xbf16, #tpu.memory_space<vmem>>)
      %scan3A_55 = arith.constant 0 : i32
      %scan3A_56 = arith.constant 128 : i32
      %scan3A_57 = arith.addi %scan3A_55, %scan3A_56 : i32
      %scan3A_58 = arith.constant 1 : i32
      scf.for %scan3A_60 = %scan3A_55 to %scan3A_57 step %scan3A_58  : i32 {
        %mul3A_61 = arith.constant 1 : i32
        %mul3A_62 = arith.muli %scan3A_60, %mul3A_61 : i32
        %add3A = arith.constant 0 : i32
        %add3A_63 = arith.addi %add3A, %mul3A_62 : i32
        %get3A = arith.constant 0 : i32
        %get3A_64 = arith.index_cast %get3A : i32 to index
        %get3A_65 = arith.index_cast %add3A_63 : i32 to index
        %get3A_66 = arith.constant 0 : index
        %get3A_67 = tpu.vector_load %arg10[%get3A_64, %get3A_65, %get3A_66] {strides = array<i32>} : memref<2x128x64xbf16, #tpu.memory_space<vmem>>, vector<32xbf16>,
        %unpack3A = tpu.unpack_subelements %get3A_67, 0 {pack_format = #tpu.pack_format<interleaved>} : vector<32xbf16> -> vector<16xf32>
        %unpack3A_68 = tpu.unpack_subelements %get3A_67, 1 {pack_format = #tpu.pack_format<interleaved>} : vector<32xbf16> -> vector<16xf32>
        %swap3A = arith.index_cast %add3A_63 : i32 to index
        %swap3A_69 = arith.constant 0 : index
        %swap3A_70 = tpu.vector_load %arg11[%swap3A, %swap3A_69] {strides = array<i32>} : memref<128x64xf32, #tpu.memory_space<vmem>>, vector<16xf32>,
        tpu.vector_store %arg11[%swap3A, %swap3A_69], %unpack3A {strides = array<i32>} : memref<128x64xf32, #tpu.memory_space<vmem>>, vector<16xf32>,
        %swap3A_71 = arith.index_cast %add3A_63 : i32 to index
        %swap3A_72 = arith.constant 16 : index
        %swap3A_73 = tpu.vector_load %arg11[%swap3A_71, %swap3A_72] {strides = array<i32>} : memref<128x64xf32, #tpu.memory_space<vmem>>, vector<16xf32>,
        tpu.vector_store %arg11[%swap3A_71, %swap3A_72], %unpack3A_68 {strides = array<i32>} : memref<128x64xf32, #tpu.memory_space<vmem>>, vector<16xf32>,
        %get3A_74 = arith.constant 0 : i32
        %get3A_75 = arith.index_cast %get3A_74 : i32 to index
        %get3A_76 = arith.index_cast %add3A_63 : i32 to index
        %get3A_77 = arith.constant 32 : index
        %get3A_78 = tpu.vector_load %arg10[%get3A_75, %get3A_76, %get3A_77] {strides = array<i32>} : memref<2x128x64xbf16, #tpu.memory_space<vmem>>, vector<32xbf16>,
        %unpack3A_79 = tpu.unpack_subelements %get3A_78, 0 {pack_format = #tpu.pack_format<interleaved>} : vector<32xbf16> -> vector<16xf32>
        %unpack3A_80 = tpu.unpack_subelements %get3A_78, 1 {pack_format = #tpu.pack_format<interleaved>} : vector<32xbf16> -> vector<16xf32>
        %swap3A_81 = arith.index_cast %add3A_63 : i32 to index
        %swap3A_82 = arith.constant 32 : index
        %swap3A_83 = tpu.vector_load %arg11[%swap3A_81, %swap3A_82] {strides = array<i32>} : memref<128x64xf32, #tpu.memory_space<vmem>>, vector<16xf32>,
        tpu.vector_store %arg11[%swap3A_81, %swap3A_82], %unpack3A_79 {strides = array<i32>} : memref<128x64xf32, #tpu.memory_space<vmem>>, vector<16xf32>,
        %swap3A_84 = arith.index_cast %add3A_63 : i32 to index
        %swap3A_85 = arith.constant 48 : index
        %swap3A_86 = tpu.vector_load %arg11[%swap3A_84, %swap3A_85] {strides = array<i32>} : memref<128x64xf32, #tpu.memory_space<vmem>>, vector<16xf32>,
        tpu.vector_store %arg11[%swap3A_84, %swap3A_85], %unpack3A_80 {strides = array<i32>} : memref<128x64xf32, #tpu.memory_space<vmem>>, vector<16xf32>,
      }
      %scan3A_59 = arith.constant 128 : i32
      %run_scoped3A = arith.constant 156 : i32
      "tpu.region"() ({
        %run_scoped3A_60 = tpu.sem_alloc : memref<!tpu.dma_semaphore, #tpu.memory_space<semaphore_mem>>
        %dma_start3A_61 = arith.constant 0 : i32
        %dma_start3A_62 = tpu.memref_slice %arg9[%run_scoped3A, %dma_start3A_61] : memref<157x128xi32, #tpu.memory_space<vmem>> -> memref<1x128xi32, #tpu.memory_space<vmem>>
        %dma_start3A_63 = tpu.memref_squeeze %dma_start3A_62 : memref<1x128xi32, #tpu.memory_space<vmem>> -> memref<128xi32, #tpu.memory_space<vmem>>
        %dma_start3A_64 = arith.constant 0 : i32
        %dma_start3A_65 = arith.constant 0 : i32
        %dma_start3A_66 = tpu.memref_slice %arg13[%dma_start3A_64, %dma_start3A_65] : memref<10240x64xf32, #tpu.memory_space<vmem_shared>> -> memref<10240x64xf32, #tpu.memory_space<vmem_shared>>
        tpu.enqueue_indirect_dma source(%arg11 : memref<128x64xf32, #tpu.memory_space<vmem>>) target(%dma_start3A_66 : memref<10240x64xf32, #tpu.memory_space<vmem_shared>>) offsets(%dma_start3A_63 : memref<128xi32, #tpu.memory_space<vmem>>) semaphore(%run_scoped3A_60 : memref<!tpu.dma_semaphore, #tpu.memory_space<semaphore_mem>>) {add = true}
        %dma_wait3A_67 = arith.constant 0 : i32
        %dma_wait3A_68 = tpu.memref_slice %arg9[%run_scoped3A, %dma_wait3A_67] : memref<157x128xi32, #tpu.memory_space<vmem>> -> memref<1x128xi32, #tpu.memory_space<vmem>>
        %dma_wait3A_69 = tpu.memref_squeeze %dma_wait3A_68 : memref<1x128xi32, #tpu.memory_space<vmem>> -> memref<128xi32, #tpu.memory_space<vmem>>
        %dma_wait3A_70 = arith.constant 0 : i32
        %dma_wait3A_71 = arith.constant 0 : i32
        %dma_wait3A_72 = tpu.memref_slice %arg13[%dma_wait3A_70, %dma_wait3A_71] : memref<10240x64xf32, #tpu.memory_space<vmem_shared>> -> memref<10240x64xf32, #tpu.memory_space<vmem_shared>>
        tpu.wait_indirect_dma semaphore(%run_scoped3A_60 : memref<!tpu.dma_semaphore, #tpu.memory_space<semaphore_mem>>) src(%arg11 : memref<128x64xf32, #tpu.memory_space<vmem>>) dst(%dma_wait3A_72 : memref<10240x64xf32, #tpu.memory_space<vmem_shared>>)
        tpu.yield
      }) : () -> ()
    } else {
    }
    %eq3A_11 = arith.constant 1 : i32
    %eq3A_12 = arith.cmpi eq, %arg0, %eq3A_11 : i32
    %convert_element_type3A_13 = arith.extui %eq3A_12 : i1 to i32
    %cond3A_14 = arith.constant 0 : i32
    %cond3A_15 = arith.cmpi ne, %convert_element_type3A_13, %cond3A_14 : i32
    scf.if %cond3A_15 {
      %dma_start3A = arith.constant 0 : i32
      %dma_start3A_28 = arith.constant 0 : i32
      %dma_start3A_29 = arith.constant 0 : i32
      %dma_start3A_30 = arith.constant 0 : i32
      %dma_start3A_31 = tpu.memref_slice %arg10[%dma_start3A_28, %dma_start3A_29, %dma_start3A_30] : memref<2x128x64xbf16, #tpu.memory_space<vmem>> -> memref<1x128x64xbf16, #tpu.memory_space<vmem>>
      %dma_start3A_32 = tpu.memref_squeeze %dma_start3A_31 : memref<1x128x64xbf16, #tpu.memory_space<vmem>> -> memref<128x64xbf16, #tpu.memory_space<vmem>>
      %dma_start3A_33 = arith.constant 0 : i32
      %dma_start3A_34 = tpu.memref_slice %arg8[%dma_start3A, %dma_start3A_33] : memref<157x128xi32, #tpu.memory_space<vmem>> -> memref<1x128xi32, #tpu.memory_space<vmem>>
      %dma_start3A_35 = tpu.memref_squeeze %dma_start3A_34 : memref<1x128xi32, #tpu.memory_space<vmem>> -> memref<128xi32, #tpu.memory_space<vmem>>
      %dma_start3A_36 = arith.constant 0 : i32
      %dma_start3A_37 = arith.constant 0 : i32
      %dma_start3A_38 = tpu.memref_slice %arg3[%dma_start3A_36, %dma_start3A_37] : memref<10000x64xbf16, #tpu.memory_space<hbm>> -> memref<10000x64xbf16, #tpu.memory_space<hbm>>
      tpu.enqueue_indirect_dma source(%dma_start3A_38 : memref<10000x64xbf16, #tpu.memory_space<hbm>>) target(%dma_start3A_32 : memref<128x64xbf16, #tpu.memory_space<vmem>>) offsets(%dma_start3A_35 : memref<128xi32, #tpu.memory_space<vmem>>) semaphore(%arg14 : memref<!tpu.dma_semaphore, #tpu.memory_space<semaphore_mem>>)
      %scan3A_39 = arith.constant 0 : i32
      %scan3A_40 = arith.constant 78 : i32
      %scan3A_41 = arith.addi %scan3A_39, %scan3A_40 : i32
      %scan3A_42 = arith.constant 1 : i32
      scf.for %scan3A_60 = %scan3A_39 to %scan3A_41 step %scan3A_42  : i32 {
        %mul3A_61 = arith.constant 2 : i32
        %mul3A_62 = arith.muli %scan3A_60, %mul3A_61 : i32
        %add3A = arith.constant 0 : i32
        %add3A_63 = arith.addi %add3A, %mul3A_62 : i32
        %add3A_64 = arith.constant 0 : i32
        %add3A_65 = arith.addi %add3A_63, %add3A_64 : i32
        %dma_wait3A_66 = arith.constant 0 : i32
        %dma_wait3A_67 = arith.constant 0 : i32
        %dma_wait3A_68 = arith.constant 0 : i32
        %dma_wait3A_69 = tpu.memref_slice %arg10[%dma_wait3A_66, %dma_wait3A_67, %dma_wait3A_68] : memref<2x128x64xbf16, #tpu.memory_space<vmem>> -> memref<1x128x64xbf16, #tpu.memory_space<vmem>>
        %dma_wait3A_70 = tpu.memref_squeeze %dma_wait3A_69 : memref<1x128x64xbf16, #tpu.memory_space<vmem>> -> memref<128x64xbf16, #tpu.memory_space<vmem>>
        %dma_wait3A_71 = arith.constant 0 : i32
        %dma_wait3A_72 = tpu.memref_slice %arg8[%add3A_65, %dma_wait3A_71] : memref<157x128xi32, #tpu.memory_space<vmem>> -> memref<1x128xi32, #tpu.memory_space<vmem>>
        %dma_wait3A_73 = tpu.memref_squeeze %dma_wait3A_72 : memref<1x128xi32, #tpu.memory_space<vmem>> -> memref<128xi32, #tpu.memory_space<vmem>>
        %dma_wait3A_74 = arith.constant 0 : i32
        %dma_wait3A_75 = arith.constant 0 : i32
        %dma_wait3A_76 = tpu.memref_slice %arg3[%dma_wait3A_74, %dma_wait3A_75] : memref<10000x64xbf16, #tpu.memory_space<hbm>> -> memref<10000x64xbf16, #tpu.memory_space<hbm>>
        tpu.wait_indirect_dma semaphore(%arg14 : memref<!tpu.dma_semaphore, #tpu.memory_space<semaphore_mem>>) src(%dma_wait3A_76 : memref<10000x64xbf16, #tpu.memory_space<hbm>>) dst(%dma_wait3A_70 : memref<128x64xbf16, #tpu.memory_space<vmem>>)
        %add3A_77 = arith.constant 2 : i32
        %add3A_78 = arith.addi %add3A_65, %add3A_77 : i32
        %sub3A = arith.constant 1 : i32
        %sub3A_79 = arith.subi %add3A_78, %sub3A : i32
        %dma_start3A_80 = arith.constant 1 : i32
        %dma_start3A_81 = arith.constant 0 : i32
        %dma_start3A_82 = arith.constant 0 : i32
        %dma_start3A_83 = tpu.memref_slice %arg10[%dma_start3A_80, %dma_start3A_81, %dma_start3A_82] : memref<2x128x64xbf16, #tpu.memory_space<vmem>> -> memref<1x128x64xbf16, #tpu.memory_space<vmem>>
        %dma_start3A_84 = tpu.memref_squeeze %dma_start3A_83 : memref<1x128x64xbf16, #tpu.memory_space<vmem>> -> memref<128x64xbf16, #tpu.memory_space<vmem>>
        %dma_start3A_85 = arith.constant 0 : i32
        %dma_start3A_86 = tpu.memref_slice %arg8[%sub3A_79, %dma_start3A_85] : memref<157x128xi32, #tpu.memory_space<vmem>> -> memref<1x128xi32, #tpu.memory_space<vmem>>
        %dma_start3A_87 = tpu.memref_squeeze %dma_start3A_86 : memref<1x128xi32, #tpu.memory_space<vmem>> -> memref<128xi32, #tpu.memory_space<vmem>>
        %dma_start3A_88 = arith.constant 0 : i32
        %dma_start3A_89 = arith.constant 0 : i32
        %dma_start3A_90 = tpu.memref_slice %arg3[%dma_start3A_88, %dma_start3A_89] : memref<10000x64xbf16, #tpu.memory_space<hbm>> -> memref<10000x64xbf16, #tpu.memory_space<hbm>>
        tpu.enqueue_indirect_dma source(%dma_start3A_90 : memref<10000x64xbf16, #tpu.memory_space<hbm>>) target(%dma_start3A_84 : memref<128x64xbf16, #tpu.memory_space<vmem>>) offsets(%dma_start3A_87 : memref<128xi32, #tpu.memory_space<vmem>>) semaphore(%arg15 : memref<!tpu.dma_semaphore, #tpu.memory_space<semaphore_mem>>)
        %scan3A_91 = arith.constant 0 : i32
        %scan3A_92 = arith.constant 128 : i32
        %scan3A_93 = arith.addi %scan3A_91, %scan3A_92 : i32
        %scan3A_94 = arith.constant 1 : i32
        scf.for %scan3A_129 = %scan3A_91 to %scan3A_93 step %scan3A_94  : i32 {
          %mul3A_130 = arith.constant 1 : i32
          %mul3A_131 = arith.muli %scan3A_129, %mul3A_130 : i32
          %add3A_132 = arith.constant 0 : i32
          %add3A_133 = arith.addi %add3A_132, %mul3A_131 : i32
          %get3A = arith.constant 0 : i32
          %get3A_134 = arith.index_cast %get3A : i32 to index
          %get3A_135 = arith.index_cast %add3A_133 : i32 to index
          %get3A_136 = arith.constant 0 : index
          %get3A_137 = tpu.vector_load %arg10[%get3A_134, %get3A_135, %get3A_136] {strides = array<i32>} : memref<2x128x64xbf16, #tpu.memory_space<vmem>>, vector<32xbf16>,
          %unpack3A = tpu.unpack_subelements %get3A_137, 0 {pack_format = #tpu.pack_format<interleaved>} : vector<32xbf16> -> vector<16xf32>
          %unpack3A_138 = tpu.unpack_subelements %get3A_137, 1 {pack_format = #tpu.pack_format<interleaved>} : vector<32xbf16> -> vector<16xf32>
          %swap3A = arith.index_cast %add3A_133 : i32 to index
          %swap3A_139 = arith.constant 0 : index
          %swap3A_140 = tpu.vector_load %arg11[%swap3A, %swap3A_139] {strides = array<i32>} : memref<128x64xf32, #tpu.memory_space<vmem>>, vector<16xf32>,
          tpu.vector_store %arg11[%swap3A, %swap3A_139], %unpack3A {strides = array<i32>} : memref<128x64xf32, #tpu.memory_space<vmem>>, vector<16xf32>,
          %swap3A_141 = arith.index_cast %add3A_133 : i32 to index
          %swap3A_142 = arith.constant 16 : index
          %swap3A_143 = tpu.vector_load %arg11[%swap3A_141, %swap3A_142] {strides = array<i32>} : memref<128x64xf32, #tpu.memory_space<vmem>>, vector<16xf32>,
          tpu.vector_store %arg11[%swap3A_141, %swap3A_142], %unpack3A_138 {strides = array<i32>} : memref<128x64xf32, #tpu.memory_space<vmem>>, vector<16xf32>,
          %get3A_144 = arith.constant 0 : i32
          %get3A_145 = arith.index_cast %get3A_144 : i32 to index
          %get3A_146 = arith.index_cast %add3A_133 : i32 to index
          %get3A_147 = arith.constant 32 : index
          %get3A_148 = tpu.vector_load %arg10[%get3A_145, %get3A_146, %get3A_147] {strides = array<i32>} : memref<2x128x64xbf16, #tpu.memory_space<vmem>>, vector<32xbf16>,
          %unpack3A_149 = tpu.unpack_subelements %get3A_148, 0 {pack_format = #tpu.pack_format<interleaved>} : vector<32xbf16> -> vector<16xf32>
          %unpack3A_150 = tpu.unpack_subelements %get3A_148, 1 {pack_format = #tpu.pack_format<interleaved>} : vector<32xbf16> -> vector<16xf32>
          %swap3A_151 = arith.index_cast %add3A_133 : i32 to index
          %swap3A_152 = arith.constant 32 : index
          %swap3A_153 = tpu.vector_load %arg11[%swap3A_151, %swap3A_152] {strides = array<i32>} : memref<128x64xf32, #tpu.memory_space<vmem>>, vector<16xf32>,
          tpu.vector_store %arg11[%swap3A_151, %swap3A_152], %unpack3A_149 {strides = array<i32>} : memref<128x64xf32, #tpu.memory_space<vmem>>, vector<16xf32>,
          %swap3A_154 = arith.index_cast %add3A_133 : i32 to index
          %swap3A_155 = arith.constant 48 : index
          %swap3A_156 = tpu.vector_load %arg11[%swap3A_154, %swap3A_155] {strides = array<i32>} : memref<128x64xf32, #tpu.memory_space<vmem>>, vector<16xf32>,
          tpu.vector_store %arg11[%swap3A_154, %swap3A_155], %unpack3A_150 {strides = array<i32>} : memref<128x64xf32, #tpu.memory_space<vmem>>, vector<16xf32>,
        }
        %scan3A_95 = arith.constant 128 : i32
        "tpu.region"() ({
          %run_scoped3A_129 = tpu.sem_alloc : memref<!tpu.dma_semaphore, #tpu.memory_space<semaphore_mem>>
          %dma_start3A_130 = arith.constant 0 : i32
          %dma_start3A_131 = tpu.memref_slice %arg9[%add3A_65, %dma_start3A_130] : memref<157x128xi32, #tpu.memory_space<vmem>> -> memref<1x128xi32, #tpu.memory_space<vmem>>
          %dma_start3A_132 = tpu.memref_squeeze %dma_start3A_131 : memref<1x128xi32, #tpu.memory_space<vmem>> -> memref<128xi32, #tpu.memory_space<vmem>>
          %dma_start3A_133 = arith.constant 0 : i32
          %dma_start3A_134 = arith.constant 0 : i32
          %dma_start3A_135 = tpu.memref_slice %arg13[%dma_start3A_133, %dma_start3A_134] : memref<10240x64xf32, #tpu.memory_space<vmem_shared>> -> memref<10240x64xf32, #tpu.memory_space<vmem_shared>>
          tpu.enqueue_indirect_dma source(%arg11 : memref<128x64xf32, #tpu.memory_space<vmem>>) target(%dma_start3A_135 : memref<10240x64xf32, #tpu.memory_space<vmem_shared>>) offsets(%dma_start3A_132 : memref<128xi32, #tpu.memory_space<vmem>>) semaphore(%run_scoped3A_129 : memref<!tpu.dma_semaphore, #tpu.memory_space<semaphore_mem>>) {add = true}
          %dma_wait3A_136 = arith.constant 0 : i32
          %dma_wait3A_137 = tpu.memref_slice %arg9[%add3A_65, %dma_wait3A_136] : memref<157x128xi32, #tpu.memory_space<vmem>> -> memref<1x128xi32, #tpu.memory_space<vmem>>
          %dma_wait3A_138 = tpu.memref_squeeze %dma_wait3A_137 : memref<1x128xi32, #tpu.memory_space<vmem>> -> memref<128xi32, #tpu.memory_space<vmem>>
          %dma_wait3A_139 = arith.constant 0 : i32
          %dma_wait3A_140 = arith.constant 0 : i32
          %dma_wait3A_141 = tpu.memref_slice %arg13[%dma_wait3A_139, %dma_wait3A_140] : memref<10240x64xf32, #tpu.memory_space<vmem_shared>> -> memref<10240x64xf32, #tpu.memory_space<vmem_shared>>
          tpu.wait_indirect_dma semaphore(%run_scoped3A_129 : memref<!tpu.dma_semaphore, #tpu.memory_space<semaphore_mem>>) src(%arg11 : memref<128x64xf32, #tpu.memory_space<vmem>>) dst(%dma_wait3A_141 : memref<10240x64xf32, #tpu.memory_space<vmem_shared>>)
          tpu.yield
        }) : () -> ()
        %add3A_96 = arith.constant 1 : i32
        %add3A_97 = arith.addi %add3A_63, %add3A_96 : i32
        %dma_wait3A_98 = arith.constant 1 : i32
        %dma_wait3A_99 = arith.constant 0 : i32
        %dma_wait3A_100 = arith.constant 0 : i32
        %dma_wait3A_101 = tpu.memref_slice %arg10[%dma_wait3A_98, %dma_wait3A_99, %dma_wait3A_100] : memref<2x128x64xbf16, #tpu.memory_space<vmem>> -> memref<1x128x64xbf16, #tpu.memory_space<vmem>>
        %dma_wait3A_102 = tpu.memref_squeeze %dma_wait3A_101 : memref<1x128x64xbf16, #tpu.memory_space<vmem>> -> memref<128x64xbf16, #tpu.memory_space<vmem>>
        %dma_wait3A_103 = arith.constant 0 : i32
        %dma_wait3A_104 = tpu.memref_slice %arg8[%add3A_97, %dma_wait3A_103] : memref<157x128xi32, #tpu.memory_space<vmem>> -> memref<1x128xi32, #tpu.memory_space<vmem>>
        %dma_wait3A_105 = tpu.memref_squeeze %dma_wait3A_104 : memref<1x128xi32, #tpu.memory_space<vmem>> -> memref<128xi32, #tpu.memory_space<vmem>>
        %dma_wait3A_106 = arith.constant 0 : i32
        %dma_wait3A_107 = arith.constant 0 : i32
        %dma_wait3A_108 = tpu.memref_slice %arg3[%dma_wait3A_106, %dma_wait3A_107] : memref<10000x64xbf16, #tpu.memory_space<hbm>> -> memref<10000x64xbf16, #tpu.memory_space<hbm>>
        tpu.wait_indirect_dma semaphore(%arg15 : memref<!tpu.dma_semaphore, #tpu.memory_space<semaphore_mem>>) src(%dma_wait3A_108 : memref<10000x64xbf16, #tpu.memory_space<hbm>>) dst(%dma_wait3A_102 : memref<128x64xbf16, #tpu.memory_space<vmem>>)
        %add3A_109 = arith.constant 2 : i32
        %add3A_110 = arith.addi %add3A_97, %add3A_109 : i32
        %sub3A_111 = arith.constant 1 : i32
        %sub3A_112 = arith.subi %add3A_110, %sub3A_111 : i32
        %dma_start3A_113 = arith.constant 0 : i32
        %dma_start3A_114 = arith.constant 0 : i32
        %dma_start3A_115 = arith.constant 0 : i32
        %dma_start3A_116 = tpu.memref_slice %arg10[%dma_start3A_113, %dma_start3A_114, %dma_start3A_115] : memref<2x128x64xbf16, #tpu.memory_space<vmem>> -> memref<1x128x64xbf16, #tpu.memory_space<vmem>>
        %dma_start3A_117 = tpu.memref_squeeze %dma_start3A_116 : memref<1x128x64xbf16, #tpu.memory_space<vmem>> -> memref<128x64xbf16, #tpu.memory_space<vmem>>
        %dma_start3A_118 = arith.constant 0 : i32
        %dma_start3A_119 = tpu.memref_slice %arg8[%sub3A_112, %dma_start3A_118] : memref<157x128xi32, #tpu.memory_space<vmem>> -> memref<1x128xi32, #tpu.memory_space<vmem>>
        %dma_start3A_120 = tpu.memref_squeeze %dma_start3A_119 : memref<1x128xi32, #tpu.memory_space<vmem>> -> memref<128xi32, #tpu.memory_space<vmem>>
        %dma_start3A_121 = arith.constant 0 : i32
        %dma_start3A_122 = arith.constant 0 : i32
        %dma_start3A_123 = tpu.memref_slice %arg3[%dma_start3A_121, %dma_start3A_122] : memref<10000x64xbf16, #tpu.memory_space<hbm>> -> memref<10000x64xbf16, #tpu.memory_space<hbm>>
        tpu.enqueue_indirect_dma source(%dma_start3A_123 : memref<10000x64xbf16, #tpu.memory_space<hbm>>) target(%dma_start3A_117 : memref<128x64xbf16, #tpu.memory_space<vmem>>) offsets(%dma_start3A_120 : memref<128xi32, #tpu.memory_space<vmem>>) semaphore(%arg14 : memref<!tpu.dma_semaphore, #tpu.memory_space<semaphore_mem>>)
        %scan3A_124 = arith.constant 0 : i32
        %scan3A_125 = arith.constant 128 : i32
        %scan3A_126 = arith.addi %scan3A_124, %scan3A_125 : i32
        %scan3A_127 = arith.constant 1 : i32
        scf.for %scan3A_129 = %scan3A_124 to %scan3A_126 step %scan3A_127  : i32 {
          %mul3A_130 = arith.constant 1 : i32
          %mul3A_131 = arith.muli %scan3A_129, %mul3A_130 : i32
          %add3A_132 = arith.constant 0 : i32
          %add3A_133 = arith.addi %add3A_132, %mul3A_131 : i32
          %get3A = arith.constant 1 : i32
          %get3A_134 = arith.index_cast %get3A : i32 to index
          %get3A_135 = arith.index_cast %add3A_133 : i32 to index
          %get3A_136 = arith.constant 0 : index
          %get3A_137 = tpu.vector_load %arg10[%get3A_134, %get3A_135, %get3A_136] {strides = array<i32>} : memref<2x128x64xbf16, #tpu.memory_space<vmem>>, vector<32xbf16>,
          %unpack3A = tpu.unpack_subelements %get3A_137, 0 {pack_format = #tpu.pack_format<interleaved>} : vector<32xbf16> -> vector<16xf32>
          %unpack3A_138 = tpu.unpack_subelements %get3A_137, 1 {pack_format = #tpu.pack_format<interleaved>} : vector<32xbf16> -> vector<16xf32>
          %swap3A = arith.index_cast %add3A_133 : i32 to index
          %swap3A_139 = arith.constant 0 : index
          %swap3A_140 = tpu.vector_load %arg11[%swap3A, %swap3A_139] {strides = array<i32>} : memref<128x64xf32, #tpu.memory_space<vmem>>, vector<16xf32>,
          tpu.vector_store %arg11[%swap3A, %swap3A_139], %unpack3A {strides = array<i32>} : memref<128x64xf32, #tpu.memory_space<vmem>>, vector<16xf32>,
          %swap3A_141 = arith.index_cast %add3A_133 : i32 to index
          %swap3A_142 = arith.constant 16 : index
          %swap3A_143 = tpu.vector_load %arg11[%swap3A_141, %swap3A_142] {strides = array<i32>} : memref<128x64xf32, #tpu.memory_space<vmem>>, vector<16xf32>,
          tpu.vector_store %arg11[%swap3A_141, %swap3A_142], %unpack3A_138 {strides = array<i32>} : memref<128x64xf32, #tpu.memory_space<vmem>>, vector<16xf32>,
          %get3A_144 = arith.constant 1 : i32
          %get3A_145 = arith.index_cast %get3A_144 : i32 to index
          %get3A_146 = arith.index_cast %add3A_133 : i32 to index
          %get3A_147 = arith.constant 32 : index
          %get3A_148 = tpu.vector_load %arg10[%get3A_145, %get3A_146, %get3A_147] {strides = array<i32>} : memref<2x128x64xbf16, #tpu.memory_space<vmem>>, vector<32xbf16>,
          %unpack3A_149 = tpu.unpack_subelements %get3A_148, 0 {pack_format = #tpu.pack_format<interleaved>} : vector<32xbf16> -> vector<16xf32>
          %unpack3A_150 = tpu.unpack_subelements %get3A_148, 1 {pack_format = #tpu.pack_format<interleaved>} : vector<32xbf16> -> vector<16xf32>
          %swap3A_151 = arith.index_cast %add3A_133 : i32 to index
          %swap3A_152 = arith.constant 32 : index
          %swap3A_153 = tpu.vector_load %arg11[%swap3A_151, %swap3A_152] {strides = array<i32>} : memref<128x64xf32, #tpu.memory_space<vmem>>, vector<16xf32>,
          tpu.vector_store %arg11[%swap3A_151, %swap3A_152], %unpack3A_149 {strides = array<i32>} : memref<128x64xf32, #tpu.memory_space<vmem>>, vector<16xf32>,
          %swap3A_154 = arith.index_cast %add3A_133 : i32 to index
          %swap3A_155 = arith.constant 48 : index
          %swap3A_156 = tpu.vector_load %arg11[%swap3A_154, %swap3A_155] {strides = array<i32>} : memref<128x64xf32, #tpu.memory_space<vmem>>, vector<16xf32>,
          tpu.vector_store %arg11[%swap3A_154, %swap3A_155], %unpack3A_150 {strides = array<i32>} : memref<128x64xf32, #tpu.memory_space<vmem>>, vector<16xf32>,
        }
        %scan3A_128 = arith.constant 128 : i32
        "tpu.region"() ({
          %run_scoped3A_129 = tpu.sem_alloc : memref<!tpu.dma_semaphore, #tpu.memory_space<semaphore_mem>>
          %dma_start3A_130 = arith.constant 0 : i32
          %dma_start3A_131 = tpu.memref_slice %arg9[%add3A_97, %dma_start3A_130] : memref<157x128xi32, #tpu.memory_space<vmem>> -> memref<1x128xi32, #tpu.memory_space<vmem>>
          %dma_start3A_132 = tpu.memref_squeeze %dma_start3A_131 : memref<1x128xi32, #tpu.memory_space<vmem>> -> memref<128xi32, #tpu.memory_space<vmem>>
          %dma_start3A_133 = arith.constant 0 : i32
          %dma_start3A_134 = arith.constant 0 : i32
          %dma_start3A_135 = tpu.memref_slice %arg13[%dma_start3A_133, %dma_start3A_134] : memref<10240x64xf32, #tpu.memory_space<vmem_shared>> -> memref<10240x64xf32, #tpu.memory_space<vmem_shared>>
          tpu.enqueue_indirect_dma source(%arg11 : memref<128x64xf32, #tpu.memory_space<vmem>>) target(%dma_start3A_135 : memref<10240x64xf32, #tpu.memory_space<vmem_shared>>) offsets(%dma_start3A_132 : memref<128xi32, #tpu.memory_space<vmem>>) semaphore(%run_scoped3A_129 : memref<!tpu.dma_semaphore, #tpu.memory_space<semaphore_mem>>) {add = true}
          %dma_wait3A_136 = arith.constant 0 : i32
          %dma_wait3A_137 = tpu.memref_slice %arg9[%add3A_97, %dma_wait3A_136] : memref<157x128xi32, #tpu.memory_space<vmem>> -> memref<1x128xi32, #tpu.memory_space<vmem>>
          %dma_wait3A_138 = tpu.memref_squeeze %dma_wait3A_137 : memref<1x128xi32, #tpu.memory_space<vmem>> -> memref<128xi32, #tpu.memory_space<vmem>>
          %dma_wait3A_139 = arith.constant 0 : i32
          %dma_wait3A_140 = arith.constant 0 : i32
          %dma_wait3A_141 = tpu.memref_slice %arg13[%dma_wait3A_139, %dma_wait3A_140] : memref<10240x64xf32, #tpu.memory_space<vmem_shared>> -> memref<10240x64xf32, #tpu.memory_space<vmem_shared>>
          tpu.wait_indirect_dma semaphore(%run_scoped3A_129 : memref<!tpu.dma_semaphore, #tpu.memory_space<semaphore_mem>>) src(%arg11 : memref<128x64xf32, #tpu.memory_space<vmem>>) dst(%dma_wait3A_141 : memref<10240x64xf32, #tpu.memory_space<vmem_shared>>)
          tpu.yield
        }) : () -> ()
      }
      %scan3A_43 = arith.constant 78 : i32
      %dma_wait3A = arith.constant 156 : i32
      %dma_wait3A_44 = arith.constant 0 : i32
      %dma_wait3A_45 = arith.constant 0 : i32
      %dma_wait3A_46 = arith.constant 0 : i32
      %dma_wait3A_47 = tpu.memref_slice %arg10[%dma_wait3A_44, %dma_wait3A_45, %dma_wait3A_46] : memref<2x128x64xbf16, #tpu.memory_space<vmem>> -> memref<1x128x64xbf16, #tpu.memory_space<vmem>>
      %dma_wait3A_48 = tpu.memref_squeeze %dma_wait3A_47 : memref<1x128x64xbf16, #tpu.memory_space<vmem>> -> memref<128x64xbf16, #tpu.memory_space<vmem>>
      %dma_wait3A_49 = arith.constant 0 : i32
      %dma_wait3A_50 = tpu.memref_slice %arg8[%dma_wait3A, %dma_wait3A_49] : memref<157x128xi32, #tpu.memory_space<vmem>> -> memref<1x128xi32, #tpu.memory_space<vmem>>
      %dma_wait3A_51 = tpu.memref_squeeze %dma_wait3A_50 : memref<1x128xi32, #tpu.memory_space<vmem>> -> memref<128xi32, #tpu.memory_space<vmem>>
      %dma_wait3A_52 = arith.constant 0 : i32
      %dma_wait3A_53 = arith.constant 0 : i32
      %dma_wait3A_54 = tpu.memref_slice %arg3[%dma_wait3A_52, %dma_wait3A_53] : memref<10000x64xbf16, #tpu.memory_space<hbm>> -> memref<10000x64xbf16, #tpu.memory_space<hbm>>
      tpu.wait_indirect_dma semaphore(%arg14 : memref<!tpu.dma_semaphore, #tpu.memory_space<semaphore_mem>>) src(%dma_wait3A_54 : memref<10000x64xbf16, #tpu.memory_space<hbm>>) dst(%dma_wait3A_48 : memref<128x64xbf16, #tpu.memory_space<vmem>>)
      %scan3A_55 = arith.constant 0 : i32
      %scan3A_56 = arith.constant 128 : i32
      %scan3A_57 = arith.addi %scan3A_55, %scan3A_56 : i32
      %scan3A_58 = arith.constant 1 : i32
      scf.for %scan3A_60 = %scan3A_55 to %scan3A_57 step %scan3A_58  : i32 {
        %mul3A_61 = arith.constant 1 : i32
        %mul3A_62 = arith.muli %scan3A_60, %mul3A_61 : i32
        %add3A = arith.constant 0 : i32
        %add3A_63 = arith.addi %add3A, %mul3A_62 : i32
        %get3A = arith.constant 0 : i32
        %get3A_64 = arith.index_cast %get3A : i32 to index
        %get3A_65 = arith.index_cast %add3A_63 : i32 to index
        %get3A_66 = arith.constant 0 : index
        %get3A_67 = tpu.vector_load %arg10[%get3A_64, %get3A_65, %get3A_66] {strides = array<i32>} : memref<2x128x64xbf16, #tpu.memory_space<vmem>>, vector<32xbf16>,
        %unpack3A = tpu.unpack_subelements %get3A_67, 0 {pack_format = #tpu.pack_format<interleaved>} : vector<32xbf16> -> vector<16xf32>
        %unpack3A_68 = tpu.unpack_subelements %get3A_67, 1 {pack_format = #tpu.pack_format<interleaved>} : vector<32xbf16> -> vector<16xf32>
        %swap3A = arith.index_cast %add3A_63 : i32 to index
        %swap3A_69 = arith.constant 0 : index
        %swap3A_70 = tpu.vector_load %arg11[%swap3A, %swap3A_69] {strides = array<i32>} : memref<128x64xf32, #tpu.memory_space<vmem>>, vector<16xf32>,
        tpu.vector_store %arg11[%swap3A, %swap3A_69], %unpack3A {strides = array<i32>} : memref<128x64xf32, #tpu.memory_space<vmem>>, vector<16xf32>,
        %swap3A_71 = arith.index_cast %add3A_63 : i32 to index
        %swap3A_72 = arith.constant 16 : index
        %swap3A_73 = tpu.vector_load %arg11[%swap3A_71, %swap3A_72] {strides = array<i32>} : memref<128x64xf32, #tpu.memory_space<vmem>>, vector<16xf32>,
        tpu.vector_store %arg11[%swap3A_71, %swap3A_72], %unpack3A_68 {strides = array<i32>} : memref<128x64xf32, #tpu.memory_space<vmem>>, vector<16xf32>,
        %get3A_74 = arith.constant 0 : i32
        %get3A_75 = arith.index_cast %get3A_74 : i32 to index
        %get3A_76 = arith.index_cast %add3A_63 : i32 to index
        %get3A_77 = arith.constant 32 : index
        %get3A_78 = tpu.vector_load %arg10[%get3A_75, %get3A_76, %get3A_77] {strides = array<i32>} : memref<2x128x64xbf16, #tpu.memory_space<vmem>>, vector<32xbf16>,
        %unpack3A_79 = tpu.unpack_subelements %get3A_78, 0 {pack_format = #tpu.pack_format<interleaved>} : vector<32xbf16> -> vector<16xf32>
        %unpack3A_80 = tpu.unpack_subelements %get3A_78, 1 {pack_format = #tpu.pack_format<interleaved>} : vector<32xbf16> -> vector<16xf32>
        %swap3A_81 = arith.index_cast %add3A_63 : i32 to index
        %swap3A_82 = arith.constant 32 : index
        %swap3A_83 = tpu.vector_load %arg11[%swap3A_81, %swap3A_82] {strides = array<i32>} : memref<128x64xf32, #tpu.memory_space<vmem>>, vector<16xf32>,
        tpu.vector_store %arg11[%swap3A_81, %swap3A_82], %unpack3A_79 {strides = array<i32>} : memref<128x64xf32, #tpu.memory_space<vmem>>, vector<16xf32>,
        %swap3A_84 = arith.index_cast %add3A_63 : i32 to index
        %swap3A_85 = arith.constant 48 : index
        %swap3A_86 = tpu.vector_load %arg11[%swap3A_84, %swap3A_85] {strides = array<i32>} : memref<128x64xf32, #tpu.memory_space<vmem>>, vector<16xf32>,
        tpu.vector_store %arg11[%swap3A_84, %swap3A_85], %unpack3A_80 {strides = array<i32>} : memref<128x64xf32, #tpu.memory_space<vmem>>, vector<16xf32>,
      }
      %scan3A_59 = arith.constant 128 : i32
      %run_scoped3A = arith.constant 156 : i32
      "tpu.region"() ({
        %run_scoped3A_60 = tpu.sem_alloc : memref<!tpu.dma_semaphore, #tpu.memory_space<semaphore_mem>>
        %dma_start3A_61 = arith.constant 0 : i32
        %dma_start3A_62 = tpu.memref_slice %arg9[%run_scoped3A, %dma_start3A_61] : memref<157x128xi32, #tpu.memory_space<vmem>> -> memref<1x128xi32, #tpu.memory_space<vmem>>
        %dma_start3A_63 = tpu.memref_squeeze %dma_start3A_62 : memref<1x128xi32, #tpu.memory_space<vmem>> -> memref<128xi32, #tpu.memory_space<vmem>>
        %dma_start3A_64 = arith.constant 0 : i32
        %dma_start3A_65 = arith.constant 0 : i32
        %dma_start3A_66 = tpu.memref_slice %arg13[%dma_start3A_64, %dma_start3A_65] : memref<10240x64xf32, #tpu.memory_space<vmem_shared>> -> memref<10240x64xf32, #tpu.memory_space<vmem_shared>>
        tpu.enqueue_indirect_dma source(%arg11 : memref<128x64xf32, #tpu.memory_space<vmem>>) target(%dma_start3A_66 : memref<10240x64xf32, #tpu.memory_space<vmem_shared>>) offsets(%dma_start3A_63 : memref<128xi32, #tpu.memory_space<vmem>>) semaphore(%run_scoped3A_60 : memref<!tpu.dma_semaphore, #tpu.memory_space<semaphore_mem>>) {add = true}
        %dma_wait3A_67 = arith.constant 0 : i32
        %dma_wait3A_68 = tpu.memref_slice %arg9[%run_scoped3A, %dma_wait3A_67] : memref<157x128xi32, #tpu.memory_space<vmem>> -> memref<1x128xi32, #tpu.memory_space<vmem>>
        %dma_wait3A_69 = tpu.memref_squeeze %dma_wait3A_68 : memref<1x128xi32, #tpu.memory_space<vmem>> -> memref<128xi32, #tpu.memory_space<vmem>>
        %dma_wait3A_70 = arith.constant 0 : i32
        %dma_wait3A_71 = arith.constant 0 : i32
        %dma_wait3A_72 = tpu.memref_slice %arg13[%dma_wait3A_70, %dma_wait3A_71] : memref<10240x64xf32, #tpu.memory_space<vmem_shared>> -> memref<10240x64xf32, #tpu.memory_space<vmem_shared>>
        tpu.wait_indirect_dma semaphore(%run_scoped3A_60 : memref<!tpu.dma_semaphore, #tpu.memory_space<semaphore_mem>>) src(%arg11 : memref<128x64xf32, #tpu.memory_space<vmem>>) dst(%dma_wait3A_72 : memref<10240x64xf32, #tpu.memory_space<vmem_shared>>)
        tpu.yield
      }) : () -> ()
    } else {
    }
    %barrier3A_16 = arith.constant 0 : index
    tpu.barrier barrier_id(%barrier3A_16)
    %mul3A = arith.constant 640 : i32
    %mul3A_17 = arith.muli %arg1, %mul3A : i32
    %eq3A_18 = arith.constant 0 : i32
    %eq3A_19 = arith.cmpi eq, %arg0, %eq3A_18 : i32
    %convert_element_type3A_20 = arith.extui %eq3A_19 : i1 to i32
    %cond3A_21 = arith.constant 0 : i32
    %cond3A_22 = arith.cmpi ne, %convert_element_type3A_20, %cond3A_21 : i32
    scf.if %cond3A_22 {
      "tpu.region"() ({
        %run_scoped3A = tpu.sem_alloc : memref<!tpu.dma_semaphore, #tpu.memory_space<semaphore_mem>>
        %dma_start3A = arith.constant 0 : i32
        %dma_start3A_28 = tpu.memref_slice %arg6[%mul3A_17, %dma_start3A] : memref<10240x64xf32, #tpu.memory_space<hbm>> -> memref<640x64xf32, #tpu.memory_space<hbm>>
        %dma_start3A_29 = arith.constant 0 : i32
        %dma_start3A_30 = tpu.memref_slice %arg13[%mul3A_17, %dma_start3A_29] : memref<10240x64xf32, #tpu.memory_space<vmem_shared>> -> memref<640x64xf32, #tpu.memory_space<vmem_shared>>
        tpu.enqueue_dma source(%dma_start3A_30 : memref<640x64xf32, #tpu.memory_space<vmem_shared>>) target(%dma_start3A_28 : memref<640x64xf32, #tpu.memory_space<hbm>>) target_semaphore(%run_scoped3A : memref<!tpu.dma_semaphore, #tpu.memory_space<semaphore_mem>>)
        %dma_wait3A = arith.constant 0 : i32
        %dma_wait3A_31 = tpu.memref_slice %arg6[%mul3A_17, %dma_wait3A] : memref<10240x64xf32, #tpu.memory_space<hbm>> -> memref<640x64xf32, #tpu.memory_space<hbm>>
        %dma_wait3A_32 = arith.constant 0 : i32
        %dma_wait3A_33 = tpu.memref_slice %arg13[%mul3A_17, %dma_wait3A_32] : memref<10240x64xf32, #tpu.memory_space<vmem_shared>> -> memref<640x64xf32, #tpu.memory_space<vmem_shared>>
        tpu.wait_dma2 semaphore(%run_scoped3A : memref<!tpu.dma_semaphore, #tpu.memory_space<semaphore_mem>>) src(%dma_wait3A_33 : memref<640x64xf32, #tpu.memory_space<vmem_shared>>) dst(%dma_wait3A_31 : memref<640x64xf32, #tpu.memory_space<hbm>>)
        tpu.yield
      }) : () -> ()
    } else {
    }
    %eq3A_23 = arith.constant 1 : i32
    %eq3A_24 = arith.cmpi eq, %arg0, %eq3A_23 : i32
    %convert_element_type3A_25 = arith.extui %eq3A_24 : i1 to i32
    %cond3A_26 = arith.constant 0 : i32
    %cond3A_27 = arith.cmpi ne, %convert_element_type3A_25, %cond3A_26 : i32
    scf.if %cond3A_27 {
      "tpu.region"() ({
        %run_scoped3A = tpu.sem_alloc : memref<!tpu.dma_semaphore, #tpu.memory_space<semaphore_mem>>
        %dma_start3A = arith.constant 0 : i32
        %dma_start3A_28 = tpu.memref_slice %arg7[%mul3A_17, %dma_start3A] : memref<10240x64xf32, #tpu.memory_space<hbm>> -> memref<640x64xf32, #tpu.memory_space<hbm>>
        %dma_start3A_29 = arith.constant 0 : i32
        %dma_start3A_30 = tpu.memref_slice %arg13[%mul3A_17, %dma_start3A_29] : memref<10240x64xf32, #tpu.memory_space<vmem_shared>> -> memref<640x64xf32, #tpu.memory_space<vmem_shared>>
        tpu.enqueue_dma source(%dma_start3A_30 : memref<640x64xf32, #tpu.memory_space<vmem_shared>>) target(%dma_start3A_28 : memref<640x64xf32, #tpu.memory_space<hbm>>) target_semaphore(%run_scoped3A : memref<!tpu.dma_semaphore, #tpu.memory_space<semaphore_mem>>)
        %dma_wait3A = arith.constant 0 : i32
        %dma_wait3A_31 = tpu.memref_slice %arg7[%mul3A_17, %dma_wait3A] : memref<10240x64xf32, #tpu.memory_space<hbm>> -> memref<640x64xf32, #tpu.memory_space<hbm>>
        %dma_wait3A_32 = arith.constant 0 : i32
        %dma_wait3A_33 = tpu.memref_slice %arg13[%mul3A_17, %dma_wait3A_32] : memref<10240x64xf32, #tpu.memory_space<vmem_shared>> -> memref<640x64xf32, #tpu.memory_space<vmem_shared>>
        tpu.wait_dma2 semaphore(%run_scoped3A : memref<!tpu.dma_semaphore, #tpu.memory_space<semaphore_mem>>) src(%dma_wait3A_33 : memref<640x64xf32, #tpu.memory_space<vmem_shared>>) dst(%dma_wait3A_31 : memref<640x64xf32, #tpu.memory_space<hbm>>)
        tpu.yield
      }) : () -> ()
    } else {
    }
    return
  }
}

#map = affine_map<(d0, d1) -> (0, 0)>
#map1 = affine_map<(d0, d1) -> (0, 0, 0)>
module attributes {stable_mosaic.version = 14 : i64} {
  func.func @_sc_body(%arg0: i32, %arg1: i32, %arg2: memref<10000x64xbf16, #tpu.memory_space<hbm>>, %arg3: memref<10000x64xbf16, #tpu.memory_space<hbm>>, %arg4: memref<16x157x128xi32, #tpu.memory_space<hbm>>, %arg5: memref<16x157x128xi32, #tpu.memory_space<hbm>>, %arg6: memref<10240x64xf32, #tpu.memory_space<hbm>>, %arg7: memref<10240x64xf32, #tpu.memory_space<hbm>>, %arg8: memref<157x128xi32, #tpu.memory_space<vmem>>, %arg9: memref<157x128xi32, #tpu.memory_space<vmem>>, %arg10: memref<2x128x64xbf16, #tpu.memory_space<vmem>>, %arg11: memref<128x64xf32, #tpu.memory_space<vmem>>, %arg12: memref<128x64xf32, #tpu.memory_space<vmem>>, %arg13: memref<10240x64xf32, #tpu.memory_space<vmem_shared>>, %arg14: memref<!tpu.dma_semaphore, #tpu.memory_space<semaphore_mem>>, %arg15: memref<!tpu.dma_semaphore, #tpu.memory_space<semaphore_mem>>) attributes {dimension_semantics = [#tpu.dimension_semantics<core_parallel>, #tpu.dimension_semantics<subcore_parallel>], iteration_bounds = array<i64: 2, 16>, scalar_prefetch = 0 : i64, scratch_operands = 8 : i64, tpu.core_type = #tpu.core_type<sc_vector_subcore>, window_params = [{transform_indices = #map}, {transform_indices = #map}, {transform_indices = #map1}, {transform_indices = #map1}, {transform_indices = #map}, {transform_indices = #map}]} {
    %scan3A = arith.constant 0 : i32
    %scan3A_0 = arith.constant 128 : i32
    %scan3A_1 = arith.addi %scan3A, %scan3A_0 : i32
    %scan3A_2 = arith.constant 1 : i32
    scf.for %scan3A_28 = %scan3A to %scan3A_1 step %scan3A_2  : i32 {
      %mul3A_29 = arith.constant 1 : i32
      %mul3A_30 = arith.muli %scan3A_28, %mul3A_29 : i32
      %add3A = arith.constant 0 : i32
      %add3A_31 = arith.addi %add3A, %mul3A_30 : i32
      %scan3A_32 = arith.constant 0 : i32
      %scan3A_33 = arith.constant 4 : i32
      %scan3A_34 = arith.addi %scan3A_32, %scan3A_33 : i32
      %scan3A_35 = arith.constant 1 : i32
      scf.for %scan3A_37 = %scan3A_32 to %scan3A_34 step %scan3A_35  : i32 {
        %mul3A_38 = arith.constant 1 : i32
        %mul3A_39 = arith.muli %scan3A_37, %mul3A_38 : i32
        %add3A_40 = arith.constant 0 : i32
        %add3A_41 = arith.addi %add3A_40, %mul3A_39 : i32
        %broadcast_in_dim3A = arith.constant 0.000000e+00 : f32
        %broadcast_in_dim3A_42 = vector.broadcast %broadcast_in_dim3A : f32 to vector<16xf32>
        %mul3A_43 = arith.constant 16 : i32
        %mul3A_44 = arith.muli %add3A_41, %mul3A_43 : i32
        %swap3A = arith.index_cast %add3A_31 : i32 to index
        %swap3A_45 = arith.index_cast %mul3A_44 : i32 to index
        %swap3A_46 = tpu.vector_load %arg12[%swap3A, %swap3A_45] {strides = array<i32>} : memref<128x64xf32, #tpu.memory_space<vmem>>, vector<16xf32>,
        tpu.vector_store %arg12[%swap3A, %swap3A_45], %broadcast_in_dim3A_42 {strides = array<i32>} : memref<128x64xf32, #tpu.memory_space<vmem>>, vector<16xf32>,
      }
      %scan3A_36 = arith.constant 4 : i32
    }
    %scan3A_3 = arith.constant 128 : i32
    %scan3A_4 = arith.constant 0 : i32
    %scan3A_5 = arith.constant 5 : i32
    %scan3A_6 = arith.addi %scan3A_4, %scan3A_5 : i32
    %scan3A_7 = arith.constant 1 : i32
    scf.for %scan3A_28 = %scan3A_4 to %scan3A_6 step %scan3A_7  : i32 {
      %mul3A_29 = arith.constant 1 : i32
      %mul3A_30 = arith.muli %scan3A_28, %mul3A_29 : i32
      %add3A = arith.constant 0 : i32
      %add3A_31 = arith.addi %add3A, %mul3A_30 : i32
      %mul3A_32 = arith.constant 640 : i32
      %mul3A_33 = arith.muli %arg1, %mul3A_32 : i32
      %mul3A_34 = arith.constant 128 : i32
      %mul3A_35 = arith.muli %add3A_31, %mul3A_34 : i32
      %add3A_36 = arith.addi %mul3A_33, %mul3A_35 : i32
      "tpu.region"() ({
        %run_scoped3A = tpu.sem_alloc : memref<!tpu.dma_semaphore, #tpu.memory_space<semaphore_mem>>
        %dma_start3A = arith.constant 0 : i32
        %dma_start3A_37 = tpu.memref_slice %arg13[%add3A_36, %dma_start3A] : memref<10240x64xf32, #tpu.memory_space<vmem_shared>> -> memref<128x64xf32, #tpu.memory_space<vmem_shared>>
        %dma_start3A_38 = arith.constant 0 : i32
        %dma_start3A_39 = tpu.memref_slice %arg13[%add3A_36, %dma_start3A_38] : memref<10240x64xf32, #tpu.memory_space<vmem_shared>> -> memref<128x64xf32, #tpu.memory_space<vmem_shared>>
        tpu.enqueue_dma source(%arg12 : memref<128x64xf32, #tpu.memory_space<vmem>>) target(%dma_start3A_39 : memref<128x64xf32, #tpu.memory_space<vmem_shared>>) target_semaphore(%run_scoped3A : memref<!tpu.dma_semaphore, #tpu.memory_space<semaphore_mem>>)
        %dma_wait3A = arith.constant 0 : i32
        %dma_wait3A_40 = tpu.memref_slice %arg13[%add3A_36, %dma_wait3A] : memref<10240x64xf32, #tpu.memory_space<vmem_shared>> -> memref<128x64xf32, #tpu.memory_space<vmem_shared>>
        %dma_wait3A_41 = arith.constant 0 : i32
        %dma_wait3A_42 = tpu.memref_slice %arg13[%add3A_36, %dma_wait3A_41] : memref<10240x64xf32, #tpu.memory_space<vmem_shared>> -> memref<128x64xf32, #tpu.memory_space<vmem_shared>>
        tpu.wait_dma2 semaphore(%run_scoped3A : memref<!tpu.dma_semaphore, #tpu.memory_space<semaphore_mem>>) src(%arg12 : memref<128x64xf32, #tpu.memory_space<vmem>>) dst(%dma_wait3A_42 : memref<128x64xf32, #tpu.memory_space<vmem_shared>>)
        tpu.yield
      }) : () -> ()
    }
    %scan3A_8 = arith.constant 5 : i32
    %barrier3A = arith.constant 0 : index
    tpu.barrier barrier_id(%barrier3A)
    "tpu.region"() ({
      %run_scoped3A = tpu.sem_alloc : memref<!tpu.dma_semaphore, #tpu.memory_space<semaphore_mem>>
      %dma_start3A = arith.constant 0 : i32
      %dma_start3A_28 = arith.constant 0 : i32
      %dma_start3A_29 = tpu.memref_slice %arg4[%arg1, %dma_start3A, %dma_start3A_28] : memref<16x157x128xi32, #tpu.memory_space<hbm>> -> memref<1x157x128xi32, #tpu.memory_space<hbm>>
      %dma_start3A_30 = tpu.memref_squeeze %dma_start3A_29 : memref<1x157x128xi32, #tpu.memory_space<hbm>> -> memref<157x128xi32, #tpu.memory_space<hbm>>
      %dma_start3A_31 = arith.constant 0 : i32
      %dma_start3A_32 = arith.constant 0 : i32
      %dma_start3A_33 = tpu.memref_slice %arg4[%arg1, %dma_start3A_31, %dma_start3A_32] : memref<16x157x128xi32, #tpu.memory_space<hbm>> -> memref<1x157x128xi32, #tpu.memory_space<hbm>>
      %dma_start3A_34 = tpu.memref_squeeze %dma_start3A_33 : memref<1x157x128xi32, #tpu.memory_space<hbm>> -> memref<157x128xi32, #tpu.memory_space<hbm>>
      tpu.enqueue_dma source(%dma_start3A_34 : memref<157x128xi32, #tpu.memory_space<hbm>>) target(%arg8 : memref<157x128xi32, #tpu.memory_space<vmem>>) target_semaphore(%run_scoped3A : memref<!tpu.dma_semaphore, #tpu.memory_space<semaphore_mem>>)
      %dma_wait3A = arith.constant 0 : i32
      %dma_wait3A_35 = arith.constant 0 : i32
      %dma_wait3A_36 = tpu.memref_slice %arg4[%arg1, %dma_wait3A, %dma_wait3A_35] : memref<16x157x128xi32, #tpu.memory_space<hbm>> -> memref<1x157x128xi32, #tpu.memory_space<hbm>>
      %dma_wait3A_37 = tpu.memref_squeeze %dma_wait3A_36 : memref<1x157x128xi32, #tpu.memory_space<hbm>> -> memref<157x128xi32, #tpu.memory_space<hbm>>
      %dma_wait3A_38 = arith.constant 0 : i32
      %dma_wait3A_39 = arith.constant 0 : i32
      %dma_wait3A_40 = tpu.memref_slice %arg4[%arg1, %dma_wait3A_38, %dma_wait3A_39] : memref<16x157x128xi32, #tpu.memory_space<hbm>> -> memref<1x157x128xi32, #tpu.memory_space<hbm>>
      %dma_wait3A_41 = tpu.memref_squeeze %dma_wait3A_40 : memref<1x157x128xi32, #tpu.memory_space<hbm>> -> memref<157x128xi32, #tpu.memory_space<hbm>>
      tpu.wait_dma2 semaphore(%run_scoped3A : memref<!tpu.dma_semaphore, #tpu.memory_space<semaphore_mem>>) src(%dma_wait3A_41 : memref<157x128xi32, #tpu.memory_space<hbm>>) dst(%arg8 : memref<157x128xi32, #tpu.memory_space<vmem>>)
      tpu.yield
    }) : () -> ()
    "tpu.region"() ({
      %run_scoped3A = tpu.sem_alloc : memref<!tpu.dma_semaphore, #tpu.memory_space<semaphore_mem>>
      %dma_start3A = arith.constant 0 : i32
      %dma_start3A_28 = arith.constant 0 : i32
      %dma_start3A_29 = tpu.memref_slice %arg5[%arg1, %dma_start3A, %dma_start3A_28] : memref<16x157x128xi32, #tpu.memory_space<hbm>> -> memref<1x157x128xi32, #tpu.memory_space<hbm>>
      %dma_start3A_30 = tpu.memref_squeeze %dma_start3A_29 : memref<1x157x128xi32, #tpu.memory_space<hbm>> -> memref<157x128xi32, #tpu.memory_space<hbm>>
      %dma_start3A_31 = arith.constant 0 : i32
      %dma_start3A_32 = arith.constant 0 : i32
      %dma_start3A_33 = tpu.memref_slice %arg5[%arg1, %dma_start3A_31, %dma_start3A_32] : memref<16x157x128xi32, #tpu.memory_space<hbm>> -> memref<1x157x128xi32, #tpu.memory_space<hbm>>
      %dma_start3A_34 = tpu.memref_squeeze %dma_start3A_33 : memref<1x157x128xi32, #tpu.memory_space<hbm>> -> memref<157x128xi32, #tpu.memory_space<hbm>>
      tpu.enqueue_dma source(%dma_start3A_34 : memref<157x128xi32, #tpu.memory_space<hbm>>) target(%arg9 : memref<157x128xi32, #tpu.memory_space<vmem>>) target_semaphore(%run_scoped3A : memref<!tpu.dma_semaphore, #tpu.memory_space<semaphore_mem>>)
      %dma_wait3A = arith.constant 0 : i32
      %dma_wait3A_35 = arith.constant 0 : i32
      %dma_wait3A_36 = tpu.memref_slice %arg5[%arg1, %dma_wait3A, %dma_wait3A_35] : memref<16x157x128xi32, #tpu.memory_space<hbm>> -> memref<1x157x128xi32, #tpu.memory_space<hbm>>
      %dma_wait3A_37 = tpu.memref_squeeze %dma_wait3A_36 : memref<1x157x128xi32, #tpu.memory_space<hbm>> -> memref<157x128xi32, #tpu.memory_space<hbm>>
      %dma_wait3A_38 = arith.constant 0 : i32
      %dma_wait3A_39 = arith.constant 0 : i32
      %dma_wait3A_40 = tpu.memref_slice %arg5[%arg1, %dma_wait3A_38, %dma_wait3A_39] : memref<16x157x128xi32, #tpu.memory_space<hbm>> -> memref<1x157x128xi32, #tpu.memory_space<hbm>>
      %dma_wait3A_41 = tpu.memref_squeeze %dma_wait3A_40 : memref<1x157x128xi32, #tpu.memory_space<hbm>> -> memref<157x128xi32, #tpu.memory_space<hbm>>
      tpu.wait_dma2 semaphore(%run_scoped3A : memref<!tpu.dma_semaphore, #tpu.memory_space<semaphore_mem>>) src(%dma_wait3A_41 : memref<157x128xi32, #tpu.memory_space<hbm>>) dst(%arg9 : memref<157x128xi32, #tpu.memory_space<vmem>>)
      tpu.yield
    }) : () -> ()
    %eq3A = arith.constant 0 : i32
    %eq3A_9 = arith.cmpi eq, %arg0, %eq3A : i32
    %convert_element_type3A = arith.extui %eq3A_9 : i1 to i32
    %cond3A = arith.constant 0 : i32
    %cond3A_10 = arith.cmpi ne, %convert_element_type3A, %cond3A : i32
    scf.if %cond3A_10 {
      %dma_start3A = arith.constant 0 : i32
      %dma_start3A_28 = arith.constant 0 : i32
      %dma_start3A_29 = arith.constant 0 : i32
      %dma_start3A_30 = arith.constant 0 : i32
      %dma_start3A_31 = tpu.memref_slice %arg10[%dma_start3A_28, %dma_start3A_29, %dma_start3A_30] : memref<2x128x64xbf16, #tpu.memory_space<vmem>> -> memref<1x128x64xbf16, #tpu.memory_space<vmem>>
      %dma_start3A_32 = tpu.memref_squeeze %dma_start3A_31 : memref<1x128x64xbf16, #tpu.memory_space<vmem>> -> memref<128x64xbf16, #tpu.memory_space<vmem>>
      %dma_start3A_33 = arith.constant 0 : i32
      %dma_start3A_34 = tpu.memref_slice %arg8[%dma_start3A, %dma_start3A_33] : memref<157x128xi32, #tpu.memory_space<vmem>> -> memref<1x128xi32, #tpu.memory_space<vmem>>
      %dma_start3A_35 = tpu.memref_squeeze %dma_start3A_34 : memref<1x128xi32, #tpu.memory_space<vmem>> -> memref<128xi32, #tpu.memory_space<vmem>>
      %dma_start3A_36 = arith.constant 0 : i32
      %dma_start3A_37 = arith.constant 0 : i32
      %dma_start3A_38 = tpu.memref_slice %arg2[%dma_start3A_36, %dma_start3A_37] : memref<10000x64xbf16, #tpu.memory_space<hbm>> -> memref<10000x64xbf16, #tpu.memory_space<hbm>>
      tpu.enqueue_indirect_dma source(%dma_start3A_38 : memref<10000x64xbf16, #tpu.memory_space<hbm>>) target(%dma_start3A_32 : memref<128x64xbf16, #tpu.memory_space<vmem>>) offsets(%dma_start3A_35 : memref<128xi32, #tpu.memory_space<vmem>>) semaphore(%arg14 : memref<!tpu.dma_semaphore, #tpu.memory_space<semaphore_mem>>)
      %scan3A_39 = arith.constant 0 : i32
      %scan3A_40 = arith.constant 78 : i32
      %scan3A_41 = arith.addi %scan3A_39, %scan3A_40 : i32
      %scan3A_42 = arith.constant 1 : i32
      scf.for %scan3A_60 = %scan3A_39 to %scan3A_41 step %scan3A_42  : i32 {
        %mul3A_61 = arith.constant 2 : i32
        %mul3A_62 = arith.muli %scan3A_60, %mul3A_61 : i32
        %add3A = arith.constant 0 : i32
        %add3A_63 = arith.addi %add3A, %mul3A_62 : i32
        %add3A_64 = arith.constant 0 : i32
        %add3A_65 = arith.addi %add3A_63, %add3A_64 : i32
        %dma_wait3A_66 = arith.constant 0 : i32
        %dma_wait3A_67 = arith.constant 0 : i32
        %dma_wait3A_68 = arith.constant 0 : i32
        %dma_wait3A_69 = tpu.memref_slice %arg10[%dma_wait3A_66, %dma_wait3A_67, %dma_wait3A_68] : memref<2x128x64xbf16, #tpu.memory_space<vmem>> -> memref<1x128x64xbf16, #tpu.memory_space<vmem>>
        %dma_wait3A_70 = tpu.memref_squeeze %dma_wait3A_69 : memref<1x128x64xbf16, #tpu.memory_space<vmem>> -> memref<128x64xbf16, #tpu.memory_space<vmem>>
        %dma_wait3A_71 = arith.constant 0 : i32
        %dma_wait3A_72 = tpu.memref_slice %arg8[%add3A_65, %dma_wait3A_71] : memref<157x128xi32, #tpu.memory_space<vmem>> -> memref<1x128xi32, #tpu.memory_space<vmem>>
        %dma_wait3A_73 = tpu.memref_squeeze %dma_wait3A_72 : memref<1x128xi32, #tpu.memory_space<vmem>> -> memref<128xi32, #tpu.memory_space<vmem>>
        %dma_wait3A_74 = arith.constant 0 : i32
        %dma_wait3A_75 = arith.constant 0 : i32
        %dma_wait3A_76 = tpu.memref_slice %arg2[%dma_wait3A_74, %dma_wait3A_75] : memref<10000x64xbf16, #tpu.memory_space<hbm>> -> memref<10000x64xbf16, #tpu.memory_space<hbm>>
        tpu.wait_indirect_dma semaphore(%arg14 : memref<!tpu.dma_semaphore, #tpu.memory_space<semaphore_mem>>) src(%dma_wait3A_76 : memref<10000x64xbf16, #tpu.memory_space<hbm>>) dst(%dma_wait3A_70 : memref<128x64xbf16, #tpu.memory_space<vmem>>)
        %add3A_77 = arith.constant 2 : i32
        %add3A_78 = arith.addi %add3A_65, %add3A_77 : i32
        %sub3A = arith.constant 1 : i32
        %sub3A_79 = arith.subi %add3A_78, %sub3A : i32
        %dma_start3A_80 = arith.constant 1 : i32
        %dma_start3A_81 = arith.constant 0 : i32
        %dma_start3A_82 = arith.constant 0 : i32
        %dma_start3A_83 = tpu.memref_slice %arg10[%dma_start3A_80, %dma_start3A_81, %dma_start3A_82] : memref<2x128x64xbf16, #tpu.memory_space<vmem>> -> memref<1x128x64xbf16, #tpu.memory_space<vmem>>
        %dma_start3A_84 = tpu.memref_squeeze %dma_start3A_83 : memref<1x128x64xbf16, #tpu.memory_space<vmem>> -> memref<128x64xbf16, #tpu.memory_space<vmem>>
        %dma_start3A_85 = arith.constant 0 : i32
        %dma_start3A_86 = tpu.memref_slice %arg8[%sub3A_79, %dma_start3A_85] : memref<157x128xi32, #tpu.memory_space<vmem>> -> memref<1x128xi32, #tpu.memory_space<vmem>>
        %dma_start3A_87 = tpu.memref_squeeze %dma_start3A_86 : memref<1x128xi32, #tpu.memory_space<vmem>> -> memref<128xi32, #tpu.memory_space<vmem>>
        %dma_start3A_88 = arith.constant 0 : i32
        %dma_start3A_89 = arith.constant 0 : i32
        %dma_start3A_90 = tpu.memref_slice %arg2[%dma_start3A_88, %dma_start3A_89] : memref<10000x64xbf16, #tpu.memory_space<hbm>> -> memref<10000x64xbf16, #tpu.memory_space<hbm>>
        tpu.enqueue_indirect_dma source(%dma_start3A_90 : memref<10000x64xbf16, #tpu.memory_space<hbm>>) target(%dma_start3A_84 : memref<128x64xbf16, #tpu.memory_space<vmem>>) offsets(%dma_start3A_87 : memref<128xi32, #tpu.memory_space<vmem>>) semaphore(%arg15 : memref<!tpu.dma_semaphore, #tpu.memory_space<semaphore_mem>>)
        %scan3A_91 = arith.constant 0 : i32
        %scan3A_92 = arith.constant 128 : i32
        %scan3A_93 = arith.addi %scan3A_91, %scan3A_92 : i32
        %scan3A_94 = arith.constant 1 : i32
        scf.for %scan3A_129 = %scan3A_91 to %scan3A_93 step %scan3A_94  : i32 {
          %mul3A_130 = arith.constant 1 : i32
          %mul3A_131 = arith.muli %scan3A_129, %mul3A_130 : i32
          %add3A_132 = arith.constant 0 : i32
          %add3A_133 = arith.addi %add3A_132, %mul3A_131 : i32
          %get3A = arith.constant 0 : i32
          %get3A_134 = arith.index_cast %get3A : i32 to index
          %get3A_135 = arith.index_cast %add3A_133 : i32 to index
          %get3A_136 = arith.constant 0 : index
          %get3A_137 = tpu.vector_load %arg10[%get3A_134, %get3A_135, %get3A_136] {strides = array<i32>} : memref<2x128x64xbf16, #tpu.memory_space<vmem>>, vector<32xbf16>,
          %unpack3A = tpu.unpack_subelements %get3A_137, 0 {pack_format = #tpu.pack_format<interleaved>} : vector<32xbf16> -> vector<16xf32>
          %unpack3A_138 = tpu.unpack_subelements %get3A_137, 1 {pack_format = #tpu.pack_format<interleaved>} : vector<32xbf16> -> vector<16xf32>
          %swap3A = arith.index_cast %add3A_133 : i32 to index
          %swap3A_139 = arith.constant 0 : index
          %swap3A_140 = tpu.vector_load %arg11[%swap3A, %swap3A_139] {strides = array<i32>} : memref<128x64xf32, #tpu.memory_space<vmem>>, vector<16xf32>,
          tpu.vector_store %arg11[%swap3A, %swap3A_139], %unpack3A {strides = array<i32>} : memref<128x64xf32, #tpu.memory_space<vmem>>, vector<16xf32>,
          %swap3A_141 = arith.index_cast %add3A_133 : i32 to index
          %swap3A_142 = arith.constant 16 : index
          %swap3A_143 = tpu.vector_load %arg11[%swap3A_141, %swap3A_142] {strides = array<i32>} : memref<128x64xf32, #tpu.memory_space<vmem>>, vector<16xf32>,
          tpu.vector_store %arg11[%swap3A_141, %swap3A_142], %unpack3A_138 {strides = array<i32>} : memref<128x64xf32, #tpu.memory_space<vmem>>, vector<16xf32>,
          %get3A_144 = arith.constant 0 : i32
          %get3A_145 = arith.index_cast %get3A_144 : i32 to index
          %get3A_146 = arith.index_cast %add3A_133 : i32 to index
          %get3A_147 = arith.constant 32 : index
          %get3A_148 = tpu.vector_load %arg10[%get3A_145, %get3A_146, %get3A_147] {strides = array<i32>} : memref<2x128x64xbf16, #tpu.memory_space<vmem>>, vector<32xbf16>,
          %unpack3A_149 = tpu.unpack_subelements %get3A_148, 0 {pack_format = #tpu.pack_format<interleaved>} : vector<32xbf16> -> vector<16xf32>
          %unpack3A_150 = tpu.unpack_subelements %get3A_148, 1 {pack_format = #tpu.pack_format<interleaved>} : vector<32xbf16> -> vector<16xf32>
          %swap3A_151 = arith.index_cast %add3A_133 : i32 to index
          %swap3A_152 = arith.constant 32 : index
          %swap3A_153 = tpu.vector_load %arg11[%swap3A_151, %swap3A_152] {strides = array<i32>} : memref<128x64xf32, #tpu.memory_space<vmem>>, vector<16xf32>,
          tpu.vector_store %arg11[%swap3A_151, %swap3A_152], %unpack3A_149 {strides = array<i32>} : memref<128x64xf32, #tpu.memory_space<vmem>>, vector<16xf32>,
          %swap3A_154 = arith.index_cast %add3A_133 : i32 to index
          %swap3A_155 = arith.constant 48 : index
          %swap3A_156 = tpu.vector_load %arg11[%swap3A_154, %swap3A_155] {strides = array<i32>} : memref<128x64xf32, #tpu.memory_space<vmem>>, vector<16xf32>,
          tpu.vector_store %arg11[%swap3A_154, %swap3A_155], %unpack3A_150 {strides = array<i32>} : memref<128x64xf32, #tpu.memory_space<vmem>>, vector<16xf32>,
        }
        %scan3A_95 = arith.constant 128 : i32
        "tpu.region"() ({
          %run_scoped3A_129 = tpu.sem_alloc : memref<!tpu.dma_semaphore, #tpu.memory_space<semaphore_mem>>
          %dma_start3A_130 = arith.constant 0 : i32
          %dma_start3A_131 = tpu.memref_slice %arg9[%add3A_65, %dma_start3A_130] : memref<157x128xi32, #tpu.memory_space<vmem>> -> memref<1x128xi32, #tpu.memory_space<vmem>>
          %dma_start3A_132 = tpu.memref_squeeze %dma_start3A_131 : memref<1x128xi32, #tpu.memory_space<vmem>> -> memref<128xi32, #tpu.memory_space<vmem>>
          %dma_start3A_133 = arith.constant 0 : i32
          %dma_start3A_134 = arith.constant 0 : i32
          %dma_start3A_135 = tpu.memref_slice %arg13[%dma_start3A_133, %dma_start3A_134] : memref<10240x64xf32, #tpu.memory_space<vmem_shared>> -> memref<10240x64xf32, #tpu.memory_space<vmem_shared>>
          tpu.enqueue_indirect_dma source(%arg11 : memref<128x64xf32, #tpu.memory_space<vmem>>) target(%dma_start3A_135 : memref<10240x64xf32, #tpu.memory_space<vmem_shared>>) offsets(%dma_start3A_132 : memref<128xi32, #tpu.memory_space<vmem>>) semaphore(%run_scoped3A_129 : memref<!tpu.dma_semaphore, #tpu.memory_space<semaphore_mem>>) {add = true}
          %dma_wait3A_136 = arith.constant 0 : i32
          %dma_wait3A_137 = tpu.memref_slice %arg9[%add3A_65, %dma_wait3A_136] : memref<157x128xi32, #tpu.memory_space<vmem>> -> memref<1x128xi32, #tpu.memory_space<vmem>>
          %dma_wait3A_138 = tpu.memref_squeeze %dma_wait3A_137 : memref<1x128xi32, #tpu.memory_space<vmem>> -> memref<128xi32, #tpu.memory_space<vmem>>
          %dma_wait3A_139 = arith.constant 0 : i32
          %dma_wait3A_140 = arith.constant 0 : i32
          %dma_wait3A_141 = tpu.memref_slice %arg13[%dma_wait3A_139, %dma_wait3A_140] : memref<10240x64xf32, #tpu.memory_space<vmem_shared>> -> memref<10240x64xf32, #tpu.memory_space<vmem_shared>>
          tpu.wait_indirect_dma semaphore(%run_scoped3A_129 : memref<!tpu.dma_semaphore, #tpu.memory_space<semaphore_mem>>) src(%arg11 : memref<128x64xf32, #tpu.memory_space<vmem>>) dst(%dma_wait3A_141 : memref<10240x64xf32, #tpu.memory_space<vmem_shared>>)
          tpu.yield
        }) : () -> ()
        %add3A_96 = arith.constant 1 : i32
        %add3A_97 = arith.addi %add3A_63, %add3A_96 : i32
        %dma_wait3A_98 = arith.constant 1 : i32
        %dma_wait3A_99 = arith.constant 0 : i32
        %dma_wait3A_100 = arith.constant 0 : i32
        %dma_wait3A_101 = tpu.memref_slice %arg10[%dma_wait3A_98, %dma_wait3A_99, %dma_wait3A_100] : memref<2x128x64xbf16, #tpu.memory_space<vmem>> -> memref<1x128x64xbf16, #tpu.memory_space<vmem>>
        %dma_wait3A_102 = tpu.memref_squeeze %dma_wait3A_101 : memref<1x128x64xbf16, #tpu.memory_space<vmem>> -> memref<128x64xbf16, #tpu.memory_space<vmem>>
        %dma_wait3A_103 = arith.constant 0 : i32
        %dma_wait3A_104 = tpu.memref_slice %arg8[%add3A_97, %dma_wait3A_103] : memref<157x128xi32, #tpu.memory_space<vmem>> -> memref<1x128xi32, #tpu.memory_space<vmem>>
        %dma_wait3A_105 = tpu.memref_squeeze %dma_wait3A_104 : memref<1x128xi32, #tpu.memory_space<vmem>> -> memref<128xi32, #tpu.memory_space<vmem>>
        %dma_wait3A_106 = arith.constant 0 : i32
        %dma_wait3A_107 = arith.constant 0 : i32
        %dma_wait3A_108 = tpu.memref_slice %arg2[%dma_wait3A_106, %dma_wait3A_107] : memref<10000x64xbf16, #tpu.memory_space<hbm>> -> memref<10000x64xbf16, #tpu.memory_space<hbm>>
        tpu.wait_indirect_dma semaphore(%arg15 : memref<!tpu.dma_semaphore, #tpu.memory_space<semaphore_mem>>) src(%dma_wait3A_108 : memref<10000x64xbf16, #tpu.memory_space<hbm>>) dst(%dma_wait3A_102 : memref<128x64xbf16, #tpu.memory_space<vmem>>)
        %add3A_109 = arith.constant 2 : i32
        %add3A_110 = arith.addi %add3A_97, %add3A_109 : i32
        %sub3A_111 = arith.constant 1 : i32
        %sub3A_112 = arith.subi %add3A_110, %sub3A_111 : i32
        %dma_start3A_113 = arith.constant 0 : i32
        %dma_start3A_114 = arith.constant 0 : i32
        %dma_start3A_115 = arith.constant 0 : i32
        %dma_start3A_116 = tpu.memref_slice %arg10[%dma_start3A_113, %dma_start3A_114, %dma_start3A_115] : memref<2x128x64xbf16, #tpu.memory_space<vmem>> -> memref<1x128x64xbf16, #tpu.memory_space<vmem>>
        %dma_start3A_117 = tpu.memref_squeeze %dma_start3A_116 : memref<1x128x64xbf16, #tpu.memory_space<vmem>> -> memref<128x64xbf16, #tpu.memory_space<vmem>>
        %dma_start3A_118 = arith.constant 0 : i32
        %dma_start3A_119 = tpu.memref_slice %arg8[%sub3A_112, %dma_start3A_118] : memref<157x128xi32, #tpu.memory_space<vmem>> -> memref<1x128xi32, #tpu.memory_space<vmem>>
        %dma_start3A_120 = tpu.memref_squeeze %dma_start3A_119 : memref<1x128xi32, #tpu.memory_space<vmem>> -> memref<128xi32, #tpu.memory_space<vmem>>
        %dma_start3A_121 = arith.constant 0 : i32
        %dma_start3A_122 = arith.constant 0 : i32
        %dma_start3A_123 = tpu.memref_slice %arg2[%dma_start3A_121, %dma_start3A_122] : memref<10000x64xbf16, #tpu.memory_space<hbm>> -> memref<10000x64xbf16, #tpu.memory_space<hbm>>
        tpu.enqueue_indirect_dma source(%dma_start3A_123 : memref<10000x64xbf16, #tpu.memory_space<hbm>>) target(%dma_start3A_117 : memref<128x64xbf16, #tpu.memory_space<vmem>>) offsets(%dma_start3A_120 : memref<128xi32, #tpu.memory_space<vmem>>) semaphore(%arg14 : memref<!tpu.dma_semaphore, #tpu.memory_space<semaphore_mem>>)
        %scan3A_124 = arith.constant 0 : i32
        %scan3A_125 = arith.constant 128 : i32
        %scan3A_126 = arith.addi %scan3A_124, %scan3A_125 : i32
        %scan3A_127 = arith.constant 1 : i32
        scf.for %scan3A_129 = %scan3A_124 to %scan3A_126 step %scan3A_127  : i32 {
          %mul3A_130 = arith.constant 1 : i32
          %mul3A_131 = arith.muli %scan3A_129, %mul3A_130 : i32
          %add3A_132 = arith.constant 0 : i32
          %add3A_133 = arith.addi %add3A_132, %mul3A_131 : i32
          %get3A = arith.constant 1 : i32
          %get3A_134 = arith.index_cast %get3A : i32 to index
          %get3A_135 = arith.index_cast %add3A_133 : i32 to index
          %get3A_136 = arith.constant 0 : index
          %get3A_137 = tpu.vector_load %arg10[%get3A_134, %get3A_135, %get3A_136] {strides = array<i32>} : memref<2x128x64xbf16, #tpu.memory_space<vmem>>, vector<32xbf16>,
          %unpack3A = tpu.unpack_subelements %get3A_137, 0 {pack_format = #tpu.pack_format<interleaved>} : vector<32xbf16> -> vector<16xf32>
          %unpack3A_138 = tpu.unpack_subelements %get3A_137, 1 {pack_format = #tpu.pack_format<interleaved>} : vector<32xbf16> -> vector<16xf32>
          %swap3A = arith.index_cast %add3A_133 : i32 to index
          %swap3A_139 = arith.constant 0 : index
          %swap3A_140 = tpu.vector_load %arg11[%swap3A, %swap3A_139] {strides = array<i32>} : memref<128x64xf32, #tpu.memory_space<vmem>>, vector<16xf32>,
          tpu.vector_store %arg11[%swap3A, %swap3A_139], %unpack3A {strides = array<i32>} : memref<128x64xf32, #tpu.memory_space<vmem>>, vector<16xf32>,
          %swap3A_141 = arith.index_cast %add3A_133 : i32 to index
          %swap3A_142 = arith.constant 16 : index
          %swap3A_143 = tpu.vector_load %arg11[%swap3A_141, %swap3A_142] {strides = array<i32>} : memref<128x64xf32, #tpu.memory_space<vmem>>, vector<16xf32>,
          tpu.vector_store %arg11[%swap3A_141, %swap3A_142], %unpack3A_138 {strides = array<i32>} : memref<128x64xf32, #tpu.memory_space<vmem>>, vector<16xf32>,
          %get3A_144 = arith.constant 1 : i32
          %get3A_145 = arith.index_cast %get3A_144 : i32 to index
          %get3A_146 = arith.index_cast %add3A_133 : i32 to index
          %get3A_147 = arith.constant 32 : index
          %get3A_148 = tpu.vector_load %arg10[%get3A_145, %get3A_146, %get3A_147] {strides = array<i32>} : memref<2x128x64xbf16, #tpu.memory_space<vmem>>, vector<32xbf16>,
          %unpack3A_149 = tpu.unpack_subelements %get3A_148, 0 {pack_format = #tpu.pack_format<interleaved>} : vector<32xbf16> -> vector<16xf32>
          %unpack3A_150 = tpu.unpack_subelements %get3A_148, 1 {pack_format = #tpu.pack_format<interleaved>} : vector<32xbf16> -> vector<16xf32>
          %swap3A_151 = arith.index_cast %add3A_133 : i32 to index
          %swap3A_152 = arith.constant 32 : index
          %swap3A_153 = tpu.vector_load %arg11[%swap3A_151, %swap3A_152] {strides = array<i32>} : memref<128x64xf32, #tpu.memory_space<vmem>>, vector<16xf32>,
          tpu.vector_store %arg11[%swap3A_151, %swap3A_152], %unpack3A_149 {strides = array<i32>} : memref<128x64xf32, #tpu.memory_space<vmem>>, vector<16xf32>,
          %swap3A_154 = arith.index_cast %add3A_133 : i32 to index
          %swap3A_155 = arith.constant 48 : index
          %swap3A_156 = tpu.vector_load %arg11[%swap3A_154, %swap3A_155] {strides = array<i32>} : memref<128x64xf32, #tpu.memory_space<vmem>>, vector<16xf32>,
          tpu.vector_store %arg11[%swap3A_154, %swap3A_155], %unpack3A_150 {strides = array<i32>} : memref<128x64xf32, #tpu.memory_space<vmem>>, vector<16xf32>,
        }
        %scan3A_128 = arith.constant 128 : i32
        "tpu.region"() ({
          %run_scoped3A_129 = tpu.sem_alloc : memref<!tpu.dma_semaphore, #tpu.memory_space<semaphore_mem>>
          %dma_start3A_130 = arith.constant 0 : i32
          %dma_start3A_131 = tpu.memref_slice %arg9[%add3A_97, %dma_start3A_130] : memref<157x128xi32, #tpu.memory_space<vmem>> -> memref<1x128xi32, #tpu.memory_space<vmem>>
          %dma_start3A_132 = tpu.memref_squeeze %dma_start3A_131 : memref<1x128xi32, #tpu.memory_space<vmem>> -> memref<128xi32, #tpu.memory_space<vmem>>
          %dma_start3A_133 = arith.constant 0 : i32
          %dma_start3A_134 = arith.constant 0 : i32
          %dma_start3A_135 = tpu.memref_slice %arg13[%dma_start3A_133, %dma_start3A_134] : memref<10240x64xf32, #tpu.memory_space<vmem_shared>> -> memref<10240x64xf32, #tpu.memory_space<vmem_shared>>
          tpu.enqueue_indirect_dma source(%arg11 : memref<128x64xf32, #tpu.memory_space<vmem>>) target(%dma_start3A_135 : memref<10240x64xf32, #tpu.memory_space<vmem_shared>>) offsets(%dma_start3A_132 : memref<128xi32, #tpu.memory_space<vmem>>) semaphore(%run_scoped3A_129 : memref<!tpu.dma_semaphore, #tpu.memory_space<semaphore_mem>>) {add = true}
          %dma_wait3A_136 = arith.constant 0 : i32
          %dma_wait3A_137 = tpu.memref_slice %arg9[%add3A_97, %dma_wait3A_136] : memref<157x128xi32, #tpu.memory_space<vmem>> -> memref<1x128xi32, #tpu.memory_space<vmem>>
          %dma_wait3A_138 = tpu.memref_squeeze %dma_wait3A_137 : memref<1x128xi32, #tpu.memory_space<vmem>> -> memref<128xi32, #tpu.memory_space<vmem>>
          %dma_wait3A_139 = arith.constant 0 : i32
          %dma_wait3A_140 = arith.constant 0 : i32
          %dma_wait3A_141 = tpu.memref_slice %arg13[%dma_wait3A_139, %dma_wait3A_140] : memref<10240x64xf32, #tpu.memory_space<vmem_shared>> -> memref<10240x64xf32, #tpu.memory_space<vmem_shared>>
          tpu.wait_indirect_dma semaphore(%run_scoped3A_129 : memref<!tpu.dma_semaphore, #tpu.memory_space<semaphore_mem>>) src(%arg11 : memref<128x64xf32, #tpu.memory_space<vmem>>) dst(%dma_wait3A_141 : memref<10240x64xf32, #tpu.memory_space<vmem_shared>>)
          tpu.yield
        }) : () -> ()
      }
      %scan3A_43 = arith.constant 78 : i32
      %dma_wait3A = arith.constant 156 : i32
      %dma_wait3A_44 = arith.constant 0 : i32
      %dma_wait3A_45 = arith.constant 0 : i32
      %dma_wait3A_46 = arith.constant 0 : i32
      %dma_wait3A_47 = tpu.memref_slice %arg10[%dma_wait3A_44, %dma_wait3A_45, %dma_wait3A_46] : memref<2x128x64xbf16, #tpu.memory_space<vmem>> -> memref<1x128x64xbf16, #tpu.memory_space<vmem>>
      %dma_wait3A_48 = tpu.memref_squeeze %dma_wait3A_47 : memref<1x128x64xbf16, #tpu.memory_space<vmem>> -> memref<128x64xbf16, #tpu.memory_space<vmem>>
      %dma_wait3A_49 = arith.constant 0 : i32
      %dma_wait3A_50 = tpu.memref_slice %arg8[%dma_wait3A, %dma_wait3A_49] : memref<157x128xi32, #tpu.memory_space<vmem>> -> memref<1x128xi32, #tpu.memory_space<vmem>>
      %dma_wait3A_51 = tpu.memref_squeeze %dma_wait3A_50 : memref<1x128xi32, #tpu.memory_space<vmem>> -> memref<128xi32, #tpu.memory_space<vmem>>
      %dma_wait3A_52 = arith.constant 0 : i32
      %dma_wait3A_53 = arith.constant 0 : i32
      %dma_wait3A_54 = tpu.memref_slice %arg2[%dma_wait3A_52, %dma_wait3A_53] : memref<10000x64xbf16, #tpu.memory_space<hbm>> -> memref<10000x64xbf16, #tpu.memory_space<hbm>>
      tpu.wait_indirect_dma semaphore(%arg14 : memref<!tpu.dma_semaphore, #tpu.memory_space<semaphore_mem>>) src(%dma_wait3A_54 : memref<10000x64xbf16, #tpu.memory_space<hbm>>) dst(%dma_wait3A_48 : memref<128x64xbf16, #tpu.memory_space<vmem>>)
      %scan3A_55 = arith.constant 0 : i32
      %scan3A_56 = arith.constant 128 : i32
      %scan3A_57 = arith.addi %scan3A_55, %scan3A_56 : i32
      %scan3A_58 = arith.constant 1 : i32
      scf.for %scan3A_60 = %scan3A_55 to %scan3A_57 step %scan3A_58  : i32 {
        %mul3A_61 = arith.constant 1 : i32
        %mul3A_62 = arith.muli %scan3A_60, %mul3A_61 : i32
        %add3A = arith.constant 0 : i32
        %add3A_63 = arith.addi %add3A, %mul3A_62 : i32
        %get3A = arith.constant 0 : i32
        %get3A_64 = arith.index_cast %get3A : i32 to index
        %get3A_65 = arith.index_cast %add3A_63 : i32 to index
        %get3A_66 = arith.constant 0 : index
        %get3A_67 = tpu.vector_load %arg10[%get3A_64, %get3A_65, %get3A_66] {strides = array<i32>} : memref<2x128x64xbf16, #tpu.memory_space<vmem>>, vector<32xbf16>,
        %unpack3A = tpu.unpack_subelements %get3A_67, 0 {pack_format = #tpu.pack_format<interleaved>} : vector<32xbf16> -> vector<16xf32>
        %unpack3A_68 = tpu.unpack_subelements %get3A_67, 1 {pack_format = #tpu.pack_format<interleaved>} : vector<32xbf16> -> vector<16xf32>
        %swap3A = arith.index_cast %add3A_63 : i32 to index
        %swap3A_69 = arith.constant 0 : index
        %swap3A_70 = tpu.vector_load %arg11[%swap3A, %swap3A_69] {strides = array<i32>} : memref<128x64xf32, #tpu.memory_space<vmem>>, vector<16xf32>,
        tpu.vector_store %arg11[%swap3A, %swap3A_69], %unpack3A {strides = array<i32>} : memref<128x64xf32, #tpu.memory_space<vmem>>, vector<16xf32>,
        %swap3A_71 = arith.index_cast %add3A_63 : i32 to index
        %swap3A_72 = arith.constant 16 : index
        %swap3A_73 = tpu.vector_load %arg11[%swap3A_71, %swap3A_72] {strides = array<i32>} : memref<128x64xf32, #tpu.memory_space<vmem>>, vector<16xf32>,
        tpu.vector_store %arg11[%swap3A_71, %swap3A_72], %unpack3A_68 {strides = array<i32>} : memref<128x64xf32, #tpu.memory_space<vmem>>, vector<16xf32>,
        %get3A_74 = arith.constant 0 : i32
        %get3A_75 = arith.index_cast %get3A_74 : i32 to index
        %get3A_76 = arith.index_cast %add3A_63 : i32 to index
        %get3A_77 = arith.constant 32 : index
        %get3A_78 = tpu.vector_load %arg10[%get3A_75, %get3A_76, %get3A_77] {strides = array<i32>} : memref<2x128x64xbf16, #tpu.memory_space<vmem>>, vector<32xbf16>,
        %unpack3A_79 = tpu.unpack_subelements %get3A_78, 0 {pack_format = #tpu.pack_format<interleaved>} : vector<32xbf16> -> vector<16xf32>
        %unpack3A_80 = tpu.unpack_subelements %get3A_78, 1 {pack_format = #tpu.pack_format<interleaved>} : vector<32xbf16> -> vector<16xf32>
        %swap3A_81 = arith.index_cast %add3A_63 : i32 to index
        %swap3A_82 = arith.constant 32 : index
        %swap3A_83 = tpu.vector_load %arg11[%swap3A_81, %swap3A_82] {strides = array<i32>} : memref<128x64xf32, #tpu.memory_space<vmem>>, vector<16xf32>,
        tpu.vector_store %arg11[%swap3A_81, %swap3A_82], %unpack3A_79 {strides = array<i32>} : memref<128x64xf32, #tpu.memory_space<vmem>>, vector<16xf32>,
        %swap3A_84 = arith.index_cast %add3A_63 : i32 to index
        %swap3A_85 = arith.constant 48 : index
        %swap3A_86 = tpu.vector_load %arg11[%swap3A_84, %swap3A_85] {strides = array<i32>} : memref<128x64xf32, #tpu.memory_space<vmem>>, vector<16xf32>,
        tpu.vector_store %arg11[%swap3A_84, %swap3A_85], %unpack3A_80 {strides = array<i32>} : memref<128x64xf32, #tpu.memory_space<vmem>>, vector<16xf32>,
      }
      %scan3A_59 = arith.constant 128 : i32
      %run_scoped3A = arith.constant 156 : i32
      "tpu.region"() ({
        %run_scoped3A_60 = tpu.sem_alloc : memref<!tpu.dma_semaphore, #tpu.memory_space<semaphore_mem>>
        %dma_start3A_61 = arith.constant 0 : i32
        %dma_start3A_62 = tpu.memref_slice %arg9[%run_scoped3A, %dma_start3A_61] : memref<157x128xi32, #tpu.memory_space<vmem>> -> memref<1x128xi32, #tpu.memory_space<vmem>>
        %dma_start3A_63 = tpu.memref_squeeze %dma_start3A_62 : memref<1x128xi32, #tpu.memory_space<vmem>> -> memref<128xi32, #tpu.memory_space<vmem>>
        %dma_start3A_64 = arith.constant 0 : i32
        %dma_start3A_65 = arith.constant 0 : i32
        %dma_start3A_66 = tpu.memref_slice %arg13[%dma_start3A_64, %dma_start3A_65] : memref<10240x64xf32, #tpu.memory_space<vmem_shared>> -> memref<10240x64xf32, #tpu.memory_space<vmem_shared>>
        tpu.enqueue_indirect_dma source(%arg11 : memref<128x64xf32, #tpu.memory_space<vmem>>) target(%dma_start3A_66 : memref<10240x64xf32, #tpu.memory_space<vmem_shared>>) offsets(%dma_start3A_63 : memref<128xi32, #tpu.memory_space<vmem>>) semaphore(%run_scoped3A_60 : memref<!tpu.dma_semaphore, #tpu.memory_space<semaphore_mem>>) {add = true}
        %dma_wait3A_67 = arith.constant 0 : i32
        %dma_wait3A_68 = tpu.memref_slice %arg9[%run_scoped3A, %dma_wait3A_67] : memref<157x128xi32, #tpu.memory_space<vmem>> -> memref<1x128xi32, #tpu.memory_space<vmem>>
        %dma_wait3A_69 = tpu.memref_squeeze %dma_wait3A_68 : memref<1x128xi32, #tpu.memory_space<vmem>> -> memref<128xi32, #tpu.memory_space<vmem>>
        %dma_wait3A_70 = arith.constant 0 : i32
        %dma_wait3A_71 = arith.constant 0 : i32
        %dma_wait3A_72 = tpu.memref_slice %arg13[%dma_wait3A_70, %dma_wait3A_71] : memref<10240x64xf32, #tpu.memory_space<vmem_shared>> -> memref<10240x64xf32, #tpu.memory_space<vmem_shared>>
        tpu.wait_indirect_dma semaphore(%run_scoped3A_60 : memref<!tpu.dma_semaphore, #tpu.memory_space<semaphore_mem>>) src(%arg11 : memref<128x64xf32, #tpu.memory_space<vmem>>) dst(%dma_wait3A_72 : memref<10240x64xf32, #tpu.memory_space<vmem_shared>>)
        tpu.yield
      }) : () -> ()
    } else {
    }
    %eq3A_11 = arith.constant 1 : i32
    %eq3A_12 = arith.cmpi eq, %arg0, %eq3A_11 : i32
    %convert_element_type3A_13 = arith.extui %eq3A_12 : i1 to i32
    %cond3A_14 = arith.constant 0 : i32
    %cond3A_15 = arith.cmpi ne, %convert_element_type3A_13, %cond3A_14 : i32
    scf.if %cond3A_15 {
      %dma_start3A = arith.constant 0 : i32
      %dma_start3A_28 = arith.constant 0 : i32
      %dma_start3A_29 = arith.constant 0 : i32
      %dma_start3A_30 = arith.constant 0 : i32
      %dma_start3A_31 = tpu.memref_slice %arg10[%dma_start3A_28, %dma_start3A_29, %dma_start3A_30] : memref<2x128x64xbf16, #tpu.memory_space<vmem>> -> memref<1x128x64xbf16, #tpu.memory_space<vmem>>
      %dma_start3A_32 = tpu.memref_squeeze %dma_start3A_31 : memref<1x128x64xbf16, #tpu.memory_space<vmem>> -> memref<128x64xbf16, #tpu.memory_space<vmem>>
      %dma_start3A_33 = arith.constant 0 : i32
      %dma_start3A_34 = tpu.memref_slice %arg8[%dma_start3A, %dma_start3A_33] : memref<157x128xi32, #tpu.memory_space<vmem>> -> memref<1x128xi32, #tpu.memory_space<vmem>>
      %dma_start3A_35 = tpu.memref_squeeze %dma_start3A_34 : memref<1x128xi32, #tpu.memory_space<vmem>> -> memref<128xi32, #tpu.memory_space<vmem>>
      %dma_start3A_36 = arith.constant 0 : i32
      %dma_start3A_37 = arith.constant 0 : i32
      %dma_start3A_38 = tpu.memref_slice %arg3[%dma_start3A_36, %dma_start3A_37] : memref<10000x64xbf16, #tpu.memory_space<hbm>> -> memref<10000x64xbf16, #tpu.memory_space<hbm>>
      tpu.enqueue_indirect_dma source(%dma_start3A_38 : memref<10000x64xbf16, #tpu.memory_space<hbm>>) target(%dma_start3A_32 : memref<128x64xbf16, #tpu.memory_space<vmem>>) offsets(%dma_start3A_35 : memref<128xi32, #tpu.memory_space<vmem>>) semaphore(%arg14 : memref<!tpu.dma_semaphore, #tpu.memory_space<semaphore_mem>>)
      %scan3A_39 = arith.constant 0 : i32
      %scan3A_40 = arith.constant 78 : i32
      %scan3A_41 = arith.addi %scan3A_39, %scan3A_40 : i32
      %scan3A_42 = arith.constant 1 : i32
      scf.for %scan3A_60 = %scan3A_39 to %scan3A_41 step %scan3A_42  : i32 {
        %mul3A_61 = arith.constant 2 : i32
        %mul3A_62 = arith.muli %scan3A_60, %mul3A_61 : i32
        %add3A = arith.constant 0 : i32
        %add3A_63 = arith.addi %add3A, %mul3A_62 : i32
        %add3A_64 = arith.constant 0 : i32
        %add3A_65 = arith.addi %add3A_63, %add3A_64 : i32
        %dma_wait3A_66 = arith.constant 0 : i32
        %dma_wait3A_67 = arith.constant 0 : i32
        %dma_wait3A_68 = arith.constant 0 : i32
        %dma_wait3A_69 = tpu.memref_slice %arg10[%dma_wait3A_66, %dma_wait3A_67, %dma_wait3A_68] : memref<2x128x64xbf16, #tpu.memory_space<vmem>> -> memref<1x128x64xbf16, #tpu.memory_space<vmem>>
        %dma_wait3A_70 = tpu.memref_squeeze %dma_wait3A_69 : memref<1x128x64xbf16, #tpu.memory_space<vmem>> -> memref<128x64xbf16, #tpu.memory_space<vmem>>
        %dma_wait3A_71 = arith.constant 0 : i32
        %dma_wait3A_72 = tpu.memref_slice %arg8[%add3A_65, %dma_wait3A_71] : memref<157x128xi32, #tpu.memory_space<vmem>> -> memref<1x128xi32, #tpu.memory_space<vmem>>
        %dma_wait3A_73 = tpu.memref_squeeze %dma_wait3A_72 : memref<1x128xi32, #tpu.memory_space<vmem>> -> memref<128xi32, #tpu.memory_space<vmem>>
        %dma_wait3A_74 = arith.constant 0 : i32
        %dma_wait3A_75 = arith.constant 0 : i32
        %dma_wait3A_76 = tpu.memref_slice %arg3[%dma_wait3A_74, %dma_wait3A_75] : memref<10000x64xbf16, #tpu.memory_space<hbm>> -> memref<10000x64xbf16, #tpu.memory_space<hbm>>
        tpu.wait_indirect_dma semaphore(%arg14 : memref<!tpu.dma_semaphore, #tpu.memory_space<semaphore_mem>>) src(%dma_wait3A_76 : memref<10000x64xbf16, #tpu.memory_space<hbm>>) dst(%dma_wait3A_70 : memref<128x64xbf16, #tpu.memory_space<vmem>>)
        %add3A_77 = arith.constant 2 : i32
        %add3A_78 = arith.addi %add3A_65, %add3A_77 : i32
        %sub3A = arith.constant 1 : i32
        %sub3A_79 = arith.subi %add3A_78, %sub3A : i32
        %dma_start3A_80 = arith.constant 1 : i32
        %dma_start3A_81 = arith.constant 0 : i32
        %dma_start3A_82 = arith.constant 0 : i32
        %dma_start3A_83 = tpu.memref_slice %arg10[%dma_start3A_80, %dma_start3A_81, %dma_start3A_82] : memref<2x128x64xbf16, #tpu.memory_space<vmem>> -> memref<1x128x64xbf16, #tpu.memory_space<vmem>>
        %dma_start3A_84 = tpu.memref_squeeze %dma_start3A_83 : memref<1x128x64xbf16, #tpu.memory_space<vmem>> -> memref<128x64xbf16, #tpu.memory_space<vmem>>
        %dma_start3A_85 = arith.constant 0 : i32
        %dma_start3A_86 = tpu.memref_slice %arg8[%sub3A_79, %dma_start3A_85] : memref<157x128xi32, #tpu.memory_space<vmem>> -> memref<1x128xi32, #tpu.memory_space<vmem>>
        %dma_start3A_87 = tpu.memref_squeeze %dma_start3A_86 : memref<1x128xi32, #tpu.memory_space<vmem>> -> memref<128xi32, #tpu.memory_space<vmem>>
        %dma_start3A_88 = arith.constant 0 : i32
        %dma_start3A_89 = arith.constant 0 : i32
        %dma_start3A_90 = tpu.memref_slice %arg3[%dma_start3A_88, %dma_start3A_89] : memref<10000x64xbf16, #tpu.memory_space<hbm>> -> memref<10000x64xbf16, #tpu.memory_space<hbm>>
        tpu.enqueue_indirect_dma source(%dma_start3A_90 : memref<10000x64xbf16, #tpu.memory_space<hbm>>) target(%dma_start3A_84 : memref<128x64xbf16, #tpu.memory_space<vmem>>) offsets(%dma_start3A_87 : memref<128xi32, #tpu.memory_space<vmem>>) semaphore(%arg15 : memref<!tpu.dma_semaphore, #tpu.memory_space<semaphore_mem>>)
        %scan3A_91 = arith.constant 0 : i32
        %scan3A_92 = arith.constant 128 : i32
        %scan3A_93 = arith.addi %scan3A_91, %scan3A_92 : i32
        %scan3A_94 = arith.constant 1 : i32
        scf.for %scan3A_129 = %scan3A_91 to %scan3A_93 step %scan3A_94  : i32 {
          %mul3A_130 = arith.constant 1 : i32
          %mul3A_131 = arith.muli %scan3A_129, %mul3A_130 : i32
          %add3A_132 = arith.constant 0 : i32
          %add3A_133 = arith.addi %add3A_132, %mul3A_131 : i32
          %get3A = arith.constant 0 : i32
          %get3A_134 = arith.index_cast %get3A : i32 to index
          %get3A_135 = arith.index_cast %add3A_133 : i32 to index
          %get3A_136 = arith.constant 0 : index
          %get3A_137 = tpu.vector_load %arg10[%get3A_134, %get3A_135, %get3A_136] {strides = array<i32>} : memref<2x128x64xbf16, #tpu.memory_space<vmem>>, vector<32xbf16>,
          %unpack3A = tpu.unpack_subelements %get3A_137, 0 {pack_format = #tpu.pack_format<interleaved>} : vector<32xbf16> -> vector<16xf32>
          %unpack3A_138 = tpu.unpack_subelements %get3A_137, 1 {pack_format = #tpu.pack_format<interleaved>} : vector<32xbf16> -> vector<16xf32>
          %swap3A = arith.index_cast %add3A_133 : i32 to index
          %swap3A_139 = arith.constant 0 : index
          %swap3A_140 = tpu.vector_load %arg11[%swap3A, %swap3A_139] {strides = array<i32>} : memref<128x64xf32, #tpu.memory_space<vmem>>, vector<16xf32>,
          tpu.vector_store %arg11[%swap3A, %swap3A_139], %unpack3A {strides = array<i32>} : memref<128x64xf32, #tpu.memory_space<vmem>>, vector<16xf32>,
          %swap3A_141 = arith.index_cast %add3A_133 : i32 to index
          %swap3A_142 = arith.constant 16 : index
          %swap3A_143 = tpu.vector_load %arg11[%swap3A_141, %swap3A_142] {strides = array<i32>} : memref<128x64xf32, #tpu.memory_space<vmem>>, vector<16xf32>,
          tpu.vector_store %arg11[%swap3A_141, %swap3A_142], %unpack3A_138 {strides = array<i32>} : memref<128x64xf32, #tpu.memory_space<vmem>>, vector<16xf32>,
          %get3A_144 = arith.constant 0 : i32
          %get3A_145 = arith.index_cast %get3A_144 : i32 to index
          %get3A_146 = arith.index_cast %add3A_133 : i32 to index
          %get3A_147 = arith.constant 32 : index
          %get3A_148 = tpu.vector_load %arg10[%get3A_145, %get3A_146, %get3A_147] {strides = array<i32>} : memref<2x128x64xbf16, #tpu.memory_space<vmem>>, vector<32xbf16>,
          %unpack3A_149 = tpu.unpack_subelements %get3A_148, 0 {pack_format = #tpu.pack_format<interleaved>} : vector<32xbf16> -> vector<16xf32>
          %unpack3A_150 = tpu.unpack_subelements %get3A_148, 1 {pack_format = #tpu.pack_format<interleaved>} : vector<32xbf16> -> vector<16xf32>
          %swap3A_151 = arith.index_cast %add3A_133 : i32 to index
          %swap3A_152 = arith.constant 32 : index
          %swap3A_153 = tpu.vector_load %arg11[%swap3A_151, %swap3A_152] {strides = array<i32>} : memref<128x64xf32, #tpu.memory_space<vmem>>, vector<16xf32>,
          tpu.vector_store %arg11[%swap3A_151, %swap3A_152], %unpack3A_149 {strides = array<i32>} : memref<128x64xf32, #tpu.memory_space<vmem>>, vector<16xf32>,
          %swap3A_154 = arith.index_cast %add3A_133 : i32 to index
          %swap3A_155 = arith.constant 48 : index
          %swap3A_156 = tpu.vector_load %arg11[%swap3A_154, %swap3A_155] {strides = array<i32>} : memref<128x64xf32, #tpu.memory_space<vmem>>, vector<16xf32>,
          tpu.vector_store %arg11[%swap3A_154, %swap3A_155], %unpack3A_150 {strides = array<i32>} : memref<128x64xf32, #tpu.memory_space<vmem>>, vector<16xf32>,
        }
        %scan3A_95 = arith.constant 128 : i32
        "tpu.region"() ({
          %run_scoped3A_129 = tpu.sem_alloc : memref<!tpu.dma_semaphore, #tpu.memory_space<semaphore_mem>>
          %dma_start3A_130 = arith.constant 0 : i32
          %dma_start3A_131 = tpu.memref_slice %arg9[%add3A_65, %dma_start3A_130] : memref<157x128xi32, #tpu.memory_space<vmem>> -> memref<1x128xi32, #tpu.memory_space<vmem>>
          %dma_start3A_132 = tpu.memref_squeeze %dma_start3A_131 : memref<1x128xi32, #tpu.memory_space<vmem>> -> memref<128xi32, #tpu.memory_space<vmem>>
          %dma_start3A_133 = arith.constant 0 : i32
          %dma_start3A_134 = arith.constant 0 : i32
          %dma_start3A_135 = tpu.memref_slice %arg13[%dma_start3A_133, %dma_start3A_134] : memref<10240x64xf32, #tpu.memory_space<vmem_shared>> -> memref<10240x64xf32, #tpu.memory_space<vmem_shared>>
          tpu.enqueue_indirect_dma source(%arg11 : memref<128x64xf32, #tpu.memory_space<vmem>>) target(%dma_start3A_135 : memref<10240x64xf32, #tpu.memory_space<vmem_shared>>) offsets(%dma_start3A_132 : memref<128xi32, #tpu.memory_space<vmem>>) semaphore(%run_scoped3A_129 : memref<!tpu.dma_semaphore, #tpu.memory_space<semaphore_mem>>) {add = true}
          %dma_wait3A_136 = arith.constant 0 : i32
          %dma_wait3A_137 = tpu.memref_slice %arg9[%add3A_65, %dma_wait3A_136] : memref<157x128xi32, #tpu.memory_space<vmem>> -> memref<1x128xi32, #tpu.memory_space<vmem>>
          %dma_wait3A_138 = tpu.memref_squeeze %dma_wait3A_137 : memref<1x128xi32, #tpu.memory_space<vmem>> -> memref<128xi32, #tpu.memory_space<vmem>>
          %dma_wait3A_139 = arith.constant 0 : i32
          %dma_wait3A_140 = arith.constant 0 : i32
          %dma_wait3A_141 = tpu.memref_slice %arg13[%dma_wait3A_139, %dma_wait3A_140] : memref<10240x64xf32, #tpu.memory_space<vmem_shared>> -> memref<10240x64xf32, #tpu.memory_space<vmem_shared>>
          tpu.wait_indirect_dma semaphore(%run_scoped3A_129 : memref<!tpu.dma_semaphore, #tpu.memory_space<semaphore_mem>>) src(%arg11 : memref<128x64xf32, #tpu.memory_space<vmem>>) dst(%dma_wait3A_141 : memref<10240x64xf32, #tpu.memory_space<vmem_shared>>)
          tpu.yield
        }) : () -> ()
        %add3A_96 = arith.constant 1 : i32
        %add3A_97 = arith.addi %add3A_63, %add3A_96 : i32
        %dma_wait3A_98 = arith.constant 1 : i32
        %dma_wait3A_99 = arith.constant 0 : i32
        %dma_wait3A_100 = arith.constant 0 : i32
        %dma_wait3A_101 = tpu.memref_slice %arg10[%dma_wait3A_98, %dma_wait3A_99, %dma_wait3A_100] : memref<2x128x64xbf16, #tpu.memory_space<vmem>> -> memref<1x128x64xbf16, #tpu.memory_space<vmem>>
        %dma_wait3A_102 = tpu.memref_squeeze %dma_wait3A_101 : memref<1x128x64xbf16, #tpu.memory_space<vmem>> -> memref<128x64xbf16, #tpu.memory_space<vmem>>
        %dma_wait3A_103 = arith.constant 0 : i32
        %dma_wait3A_104 = tpu.memref_slice %arg8[%add3A_97, %dma_wait3A_103] : memref<157x128xi32, #tpu.memory_space<vmem>> -> memref<1x128xi32, #tpu.memory_space<vmem>>
        %dma_wait3A_105 = tpu.memref_squeeze %dma_wait3A_104 : memref<1x128xi32, #tpu.memory_space<vmem>> -> memref<128xi32, #tpu.memory_space<vmem>>
        %dma_wait3A_106 = arith.constant 0 : i32
        %dma_wait3A_107 = arith.constant 0 : i32
        %dma_wait3A_108 = tpu.memref_slice %arg3[%dma_wait3A_106, %dma_wait3A_107] : memref<10000x64xbf16, #tpu.memory_space<hbm>> -> memref<10000x64xbf16, #tpu.memory_space<hbm>>
        tpu.wait_indirect_dma semaphore(%arg15 : memref<!tpu.dma_semaphore, #tpu.memory_space<semaphore_mem>>) src(%dma_wait3A_108 : memref<10000x64xbf16, #tpu.memory_space<hbm>>) dst(%dma_wait3A_102 : memref<128x64xbf16, #tpu.memory_space<vmem>>)
        %add3A_109 = arith.constant 2 : i32
        %add3A_110 = arith.addi %add3A_97, %add3A_109 : i32
        %sub3A_111 = arith.constant 1 : i32
        %sub3A_112 = arith.subi %add3A_110, %sub3A_111 : i32
        %dma_start3A_113 = arith.constant 0 : i32
        %dma_start3A_114 = arith.constant 0 : i32
        %dma_start3A_115 = arith.constant 0 : i32
        %dma_start3A_116 = tpu.memref_slice %arg10[%dma_start3A_113, %dma_start3A_114, %dma_start3A_115] : memref<2x128x64xbf16, #tpu.memory_space<vmem>> -> memref<1x128x64xbf16, #tpu.memory_space<vmem>>
        %dma_start3A_117 = tpu.memref_squeeze %dma_start3A_116 : memref<1x128x64xbf16, #tpu.memory_space<vmem>> -> memref<128x64xbf16, #tpu.memory_space<vmem>>
        %dma_start3A_118 = arith.constant 0 : i32
        %dma_start3A_119 = tpu.memref_slice %arg8[%sub3A_112, %dma_start3A_118] : memref<157x128xi32, #tpu.memory_space<vmem>> -> memref<1x128xi32, #tpu.memory_space<vmem>>
        %dma_start3A_120 = tpu.memref_squeeze %dma_start3A_119 : memref<1x128xi32, #tpu.memory_space<vmem>> -> memref<128xi32, #tpu.memory_space<vmem>>
        %dma_start3A_121 = arith.constant 0 : i32
        %dma_start3A_122 = arith.constant 0 : i32
        %dma_start3A_123 = tpu.memref_slice %arg3[%dma_start3A_121, %dma_start3A_122] : memref<10000x64xbf16, #tpu.memory_space<hbm>> -> memref<10000x64xbf16, #tpu.memory_space<hbm>>
        tpu.enqueue_indirect_dma source(%dma_start3A_123 : memref<10000x64xbf16, #tpu.memory_space<hbm>>) target(%dma_start3A_117 : memref<128x64xbf16, #tpu.memory_space<vmem>>) offsets(%dma_start3A_120 : memref<128xi32, #tpu.memory_space<vmem>>) semaphore(%arg14 : memref<!tpu.dma_semaphore, #tpu.memory_space<semaphore_mem>>)
        %scan3A_124 = arith.constant 0 : i32
        %scan3A_125 = arith.constant 128 : i32
        %scan3A_126 = arith.addi %scan3A_124, %scan3A_125 : i32
        %scan3A_127 = arith.constant 1 : i32
        scf.for %scan3A_129 = %scan3A_124 to %scan3A_126 step %scan3A_127  : i32 {
          %mul3A_130 = arith.constant 1 : i32
          %mul3A_131 = arith.muli %scan3A_129, %mul3A_130 : i32
          %add3A_132 = arith.constant 0 : i32
          %add3A_133 = arith.addi %add3A_132, %mul3A_131 : i32
          %get3A = arith.constant 1 : i32
          %get3A_134 = arith.index_cast %get3A : i32 to index
          %get3A_135 = arith.index_cast %add3A_133 : i32 to index
          %get3A_136 = arith.constant 0 : index
          %get3A_137 = tpu.vector_load %arg10[%get3A_134, %get3A_135, %get3A_136] {strides = array<i32>} : memref<2x128x64xbf16, #tpu.memory_space<vmem>>, vector<32xbf16>,
          %unpack3A = tpu.unpack_subelements %get3A_137, 0 {pack_format = #tpu.pack_format<interleaved>} : vector<32xbf16> -> vector<16xf32>
          %unpack3A_138 = tpu.unpack_subelements %get3A_137, 1 {pack_format = #tpu.pack_format<interleaved>} : vector<32xbf16> -> vector<16xf32>
          %swap3A = arith.index_cast %add3A_133 : i32 to index
          %swap3A_139 = arith.constant 0 : index
          %swap3A_140 = tpu.vector_load %arg11[%swap3A, %swap3A_139] {strides = array<i32>} : memref<128x64xf32, #tpu.memory_space<vmem>>, vector<16xf32>,
          tpu.vector_store %arg11[%swap3A, %swap3A_139], %unpack3A {strides = array<i32>} : memref<128x64xf32, #tpu.memory_space<vmem>>, vector<16xf32>,
          %swap3A_141 = arith.index_cast %add3A_133 : i32 to index
          %swap3A_142 = arith.constant 16 : index
          %swap3A_143 = tpu.vector_load %arg11[%swap3A_141, %swap3A_142] {strides = array<i32>} : memref<128x64xf32, #tpu.memory_space<vmem>>, vector<16xf32>,
          tpu.vector_store %arg11[%swap3A_141, %swap3A_142], %unpack3A_138 {strides = array<i32>} : memref<128x64xf32, #tpu.memory_space<vmem>>, vector<16xf32>,
          %get3A_144 = arith.constant 1 : i32
          %get3A_145 = arith.index_cast %get3A_144 : i32 to index
          %get3A_146 = arith.index_cast %add3A_133 : i32 to index
          %get3A_147 = arith.constant 32 : index
          %get3A_148 = tpu.vector_load %arg10[%get3A_145, %get3A_146, %get3A_147] {strides = array<i32>} : memref<2x128x64xbf16, #tpu.memory_space<vmem>>, vector<32xbf16>,
          %unpack3A_149 = tpu.unpack_subelements %get3A_148, 0 {pack_format = #tpu.pack_format<interleaved>} : vector<32xbf16> -> vector<16xf32>
          %unpack3A_150 = tpu.unpack_subelements %get3A_148, 1 {pack_format = #tpu.pack_format<interleaved>} : vector<32xbf16> -> vector<16xf32>
          %swap3A_151 = arith.index_cast %add3A_133 : i32 to index
          %swap3A_152 = arith.constant 32 : index
          %swap3A_153 = tpu.vector_load %arg11[%swap3A_151, %swap3A_152] {strides = array<i32>} : memref<128x64xf32, #tpu.memory_space<vmem>>, vector<16xf32>,
          tpu.vector_store %arg11[%swap3A_151, %swap3A_152], %unpack3A_149 {strides = array<i32>} : memref<128x64xf32, #tpu.memory_space<vmem>>, vector<16xf32>,
          %swap3A_154 = arith.index_cast %add3A_133 : i32 to index
          %swap3A_155 = arith.constant 48 : index
          %swap3A_156 = tpu.vector_load %arg11[%swap3A_154, %swap3A_155] {strides = array<i32>} : memref<128x64xf32, #tpu.memory_space<vmem>>, vector<16xf32>,
          tpu.vector_store %arg11[%swap3A_154, %swap3A_155], %unpack3A_150 {strides = array<i32>} : memref<128x64xf32, #tpu.memory_space<vmem>>, vector<16xf32>,
        }
        %scan3A_128 = arith.constant 128 : i32
        "tpu.region"() ({
          %run_scoped3A_129 = tpu.sem_alloc : memref<!tpu.dma_semaphore, #tpu.memory_space<semaphore_mem>>
          %dma_start3A_130 = arith.constant 0 : i32
          %dma_start3A_131 = tpu.memref_slice %arg9[%add3A_97, %dma_start3A_130] : memref<157x128xi32, #tpu.memory_space<vmem>> -> memref<1x128xi32, #tpu.memory_space<vmem>>
          %dma_start3A_132 = tpu.memref_squeeze %dma_start3A_131 : memref<1x128xi32, #tpu.memory_space<vmem>> -> memref<128xi32, #tpu.memory_space<vmem>>
          %dma_start3A_133 = arith.constant 0 : i32
          %dma_start3A_134 = arith.constant 0 : i32
          %dma_start3A_135 = tpu.memref_slice %arg13[%dma_start3A_133, %dma_start3A_134] : memref<10240x64xf32, #tpu.memory_space<vmem_shared>> -> memref<10240x64xf32, #tpu.memory_space<vmem_shared>>
          tpu.enqueue_indirect_dma source(%arg11 : memref<128x64xf32, #tpu.memory_space<vmem>>) target(%dma_start3A_135 : memref<10240x64xf32, #tpu.memory_space<vmem_shared>>) offsets(%dma_start3A_132 : memref<128xi32, #tpu.memory_space<vmem>>) semaphore(%run_scoped3A_129 : memref<!tpu.dma_semaphore, #tpu.memory_space<semaphore_mem>>) {add = true}
          %dma_wait3A_136 = arith.constant 0 : i32
          %dma_wait3A_137 = tpu.memref_slice %arg9[%add3A_97, %dma_wait3A_136] : memref<157x128xi32, #tpu.memory_space<vmem>> -> memref<1x128xi32, #tpu.memory_space<vmem>>
          %dma_wait3A_138 = tpu.memref_squeeze %dma_wait3A_137 : memref<1x128xi32, #tpu.memory_space<vmem>> -> memref<128xi32, #tpu.memory_space<vmem>>
          %dma_wait3A_139 = arith.constant 0 : i32
          %dma_wait3A_140 = arith.constant 0 : i32
          %dma_wait3A_141 = tpu.memref_slice %arg13[%dma_wait3A_139, %dma_wait3A_140] : memref<10240x64xf32, #tpu.memory_space<vmem_shared>> -> memref<10240x64xf32, #tpu.memory_space<vmem_shared>>
          tpu.wait_indirect_dma semaphore(%run_scoped3A_129 : memref<!tpu.dma_semaphore, #tpu.memory_space<semaphore_mem>>) src(%arg11 : memref<128x64xf32, #tpu.memory_space<vmem>>) dst(%dma_wait3A_141 : memref<10240x64xf32, #tpu.memory_space<vmem_shared>>)
          tpu.yield
        }) : () -> ()
      }
      %scan3A_43 = arith.constant 78 : i32
      %dma_wait3A = arith.constant 156 : i32
      %dma_wait3A_44 = arith.constant 0 : i32
      %dma_wait3A_45 = arith.constant 0 : i32
      %dma_wait3A_46 = arith.constant 0 : i32
      %dma_wait3A_47 = tpu.memref_slice %arg10[%dma_wait3A_44, %dma_wait3A_45, %dma_wait3A_46] : memref<2x128x64xbf16, #tpu.memory_space<vmem>> -> memref<1x128x64xbf16, #tpu.memory_space<vmem>>
      %dma_wait3A_48 = tpu.memref_squeeze %dma_wait3A_47 : memref<1x128x64xbf16, #tpu.memory_space<vmem>> -> memref<128x64xbf16, #tpu.memory_space<vmem>>
      %dma_wait3A_49 = arith.constant 0 : i32
      %dma_wait3A_50 = tpu.memref_slice %arg8[%dma_wait3A, %dma_wait3A_49] : memref<157x128xi32, #tpu.memory_space<vmem>> -> memref<1x128xi32, #tpu.memory_space<vmem>>
      %dma_wait3A_51 = tpu.memref_squeeze %dma_wait3A_50 : memref<1x128xi32, #tpu.memory_space<vmem>> -> memref<128xi32, #tpu.memory_space<vmem>>
      %dma_wait3A_52 = arith.constant 0 : i32
      %dma_wait3A_53 = arith.constant 0 : i32
      %dma_wait3A_54 = tpu.memref_slice %arg3[%dma_wait3A_52, %dma_wait3A_53] : memref<10000x64xbf16, #tpu.memory_space<hbm>> -> memref<10000x64xbf16, #tpu.memory_space<hbm>>
      tpu.wait_indirect_dma semaphore(%arg14 : memref<!tpu.dma_semaphore, #tpu.memory_space<semaphore_mem>>) src(%dma_wait3A_54 : memref<10000x64xbf16, #tpu.memory_space<hbm>>) dst(%dma_wait3A_48 : memref<128x64xbf16, #tpu.memory_space<vmem>>)
      %scan3A_55 = arith.constant 0 : i32
      %scan3A_56 = arith.constant 128 : i32
      %scan3A_57 = arith.addi %scan3A_55, %scan3A_56 : i32
      %scan3A_58 = arith.constant 1 : i32
      scf.for %scan3A_60 = %scan3A_55 to %scan3A_57 step %scan3A_58  : i32 {
        %mul3A_61 = arith.constant 1 : i32
        %mul3A_62 = arith.muli %scan3A_60, %mul3A_61 : i32
        %add3A = arith.constant 0 : i32
        %add3A_63 = arith.addi %add3A, %mul3A_62 : i32
        %get3A = arith.constant 0 : i32
        %get3A_64 = arith.index_cast %get3A : i32 to index
        %get3A_65 = arith.index_cast %add3A_63 : i32 to index
        %get3A_66 = arith.constant 0 : index
        %get3A_67 = tpu.vector_load %arg10[%get3A_64, %get3A_65, %get3A_66] {strides = array<i32>} : memref<2x128x64xbf16, #tpu.memory_space<vmem>>, vector<32xbf16>,
        %unpack3A = tpu.unpack_subelements %get3A_67, 0 {pack_format = #tpu.pack_format<interleaved>} : vector<32xbf16> -> vector<16xf32>
        %unpack3A_68 = tpu.unpack_subelements %get3A_67, 1 {pack_format = #tpu.pack_format<interleaved>} : vector<32xbf16> -> vector<16xf32>
        %swap3A = arith.index_cast %add3A_63 : i32 to index
        %swap3A_69 = arith.constant 0 : index
        %swap3A_70 = tpu.vector_load %arg11[%swap3A, %swap3A_69] {strides = array<i32>} : memref<128x64xf32, #tpu.memory_space<vmem>>, vector<16xf32>,
        tpu.vector_store %arg11[%swap3A, %swap3A_69], %unpack3A {strides = array<i32>} : memref<128x64xf32, #tpu.memory_space<vmem>>, vector<16xf32>,
        %swap3A_71 = arith.index_cast %add3A_63 : i32 to index
        %swap3A_72 = arith.constant 16 : index
        %swap3A_73 = tpu.vector_load %arg11[%swap3A_71, %swap3A_72] {strides = array<i32>} : memref<128x64xf32, #tpu.memory_space<vmem>>, vector<16xf32>,
        tpu.vector_store %arg11[%swap3A_71, %swap3A_72], %unpack3A_68 {strides = array<i32>} : memref<128x64xf32, #tpu.memory_space<vmem>>, vector<16xf32>,
        %get3A_74 = arith.constant 0 : i32
        %get3A_75 = arith.index_cast %get3A_74 : i32 to index
        %get3A_76 = arith.index_cast %add3A_63 : i32 to index
        %get3A_77 = arith.constant 32 : index
        %get3A_78 = tpu.vector_load %arg10[%get3A_75, %get3A_76, %get3A_77] {strides = array<i32>} : memref<2x128x64xbf16, #tpu.memory_space<vmem>>, vector<32xbf16>,
        %unpack3A_79 = tpu.unpack_subelements %get3A_78, 0 {pack_format = #tpu.pack_format<interleaved>} : vector<32xbf16> -> vector<16xf32>
        %unpack3A_80 = tpu.unpack_subelements %get3A_78, 1 {pack_format = #tpu.pack_format<interleaved>} : vector<32xbf16> -> vector<16xf32>
        %swap3A_81 = arith.index_cast %add3A_63 : i32 to index
        %swap3A_82 = arith.constant 32 : index
        %swap3A_83 = tpu.vector_load %arg11[%swap3A_81, %swap3A_82] {strides = array<i32>} : memref<128x64xf32, #tpu.memory_space<vmem>>, vector<16xf32>,
        tpu.vector_store %arg11[%swap3A_81, %swap3A_82], %unpack3A_79 {strides = array<i32>} : memref<128x64xf32, #tpu.memory_space<vmem>>, vector<16xf32>,
        %swap3A_84 = arith.index_cast %add3A_63 : i32 to index
        %swap3A_85 = arith.constant 48 : index
        %swap3A_86 = tpu.vector_load %arg11[%swap3A_84, %swap3A_85] {strides = array<i32>} : memref<128x64xf32, #tpu.memory_space<vmem>>, vector<16xf32>,
        tpu.vector_store %arg11[%swap3A_84, %swap3A_85], %unpack3A_80 {strides = array<i32>} : memref<128x64xf32, #tpu.memory_space<vmem>>, vector<16xf32>,
      }
      %scan3A_59 = arith.constant 128 : i32
      %run_scoped3A = arith.constant 156 : i32
      "tpu.region"() ({
        %run_scoped3A_60 = tpu.sem_alloc : memref<!tpu.dma_semaphore, #tpu.memory_space<semaphore_mem>>
        %dma_start3A_61 = arith.constant 0 : i32
        %dma_start3A_62 = tpu.memref_slice %arg9[%run_scoped3A, %dma_start3A_61] : memref<157x128xi32, #tpu.memory_space<vmem>> -> memref<1x128xi32, #tpu.memory_space<vmem>>
        %dma_start3A_63 = tpu.memref_squeeze %dma_start3A_62 : memref<1x128xi32, #tpu.memory_space<vmem>> -> memref<128xi32, #tpu.memory_space<vmem>>
        %dma_start3A_64 = arith.constant 0 : i32
        %dma_start3A_65 = arith.constant 0 : i32
        %dma_start3A_66 = tpu.memref_slice %arg13[%dma_start3A_64, %dma_start3A_65] : memref<10240x64xf32, #tpu.memory_space<vmem_shared>> -> memref<10240x64xf32, #tpu.memory_space<vmem_shared>>
        tpu.enqueue_indirect_dma source(%arg11 : memref<128x64xf32, #tpu.memory_space<vmem>>) target(%dma_start3A_66 : memref<10240x64xf32, #tpu.memory_space<vmem_shared>>) offsets(%dma_start3A_63 : memref<128xi32, #tpu.memory_space<vmem>>) semaphore(%run_scoped3A_60 : memref<!tpu.dma_semaphore, #tpu.memory_space<semaphore_mem>>) {add = true}
        %dma_wait3A_67 = arith.constant 0 : i32
        %dma_wait3A_68 = tpu.memref_slice %arg9[%run_scoped3A, %dma_wait3A_67] : memref<157x128xi32, #tpu.memory_space<vmem>> -> memref<1x128xi32, #tpu.memory_space<vmem>>
        %dma_wait3A_69 = tpu.memref_squeeze %dma_wait3A_68 : memref<1x128xi32, #tpu.memory_space<vmem>> -> memref<128xi32, #tpu.memory_space<vmem>>
        %dma_wait3A_70 = arith.constant 0 : i32
        %dma_wait3A_71 = arith.constant 0 : i32
        %dma_wait3A_72 = tpu.memref_slice %arg13[%dma_wait3A_70, %dma_wait3A_71] : memref<10240x64xf32, #tpu.memory_space<vmem_shared>> -> memref<10240x64xf32, #tpu.memory_space<vmem_shared>>
        tpu.wait_indirect_dma semaphore(%run_scoped3A_60 : memref<!tpu.dma_semaphore, #tpu.memory_space<semaphore_mem>>) src(%arg11 : memref<128x64xf32, #tpu.memory_space<vmem>>) dst(%dma_wait3A_72 : memref<10240x64xf32, #tpu.memory_space<vmem_shared>>)
        tpu.yield
      }) : () -> ()
    } else {
    }
    %barrier3A_16 = arith.constant 0 : index
    tpu.barrier barrier_id(%barrier3A_16)
    %mul3A = arith.constant 640 : i32
    %mul3A_17 = arith.muli %arg1, %mul3A : i32
    %eq3A_18 = arith.constant 0 : i32
    %eq3A_19 = arith.cmpi eq, %arg0, %eq3A_18 : i32
    %convert_element_type3A_20 = arith.extui %eq3A_19 : i1 to i32
    %cond3A_21 = arith.constant 0 : i32
    %cond3A_22 = arith.cmpi ne, %convert_element_type3A_20, %cond3A_21 : i32
    scf.if %cond3A_22 {
      "tpu.region"() ({
        %run_scoped3A = tpu.sem_alloc : memref<!tpu.dma_semaphore, #tpu.memory_space<semaphore_mem>>
        %dma_start3A = arith.constant 0 : i32
        %dma_start3A_28 = tpu.memref_slice %arg6[%mul3A_17, %dma_start3A] : memref<10240x64xf32, #tpu.memory_space<hbm>> -> memref<640x64xf32, #tpu.memory_space<hbm>>
        %dma_start3A_29 = arith.constant 0 : i32
        %dma_start3A_30 = tpu.memref_slice %arg13[%mul3A_17, %dma_start3A_29] : memref<10240x64xf32, #tpu.memory_space<vmem_shared>> -> memref<640x64xf32, #tpu.memory_space<vmem_shared>>
        tpu.enqueue_dma source(%dma_start3A_30 : memref<640x64xf32, #tpu.memory_space<vmem_shared>>) target(%dma_start3A_28 : memref<640x64xf32, #tpu.memory_space<hbm>>) target_semaphore(%run_scoped3A : memref<!tpu.dma_semaphore, #tpu.memory_space<semaphore_mem>>)
        %dma_wait3A = arith.constant 0 : i32
        %dma_wait3A_31 = tpu.memref_slice %arg6[%mul3A_17, %dma_wait3A] : memref<10240x64xf32, #tpu.memory_space<hbm>> -> memref<640x64xf32, #tpu.memory_space<hbm>>
        %dma_wait3A_32 = arith.constant 0 : i32
        %dma_wait3A_33 = tpu.memref_slice %arg13[%mul3A_17, %dma_wait3A_32] : memref<10240x64xf32, #tpu.memory_space<vmem_shared>> -> memref<640x64xf32, #tpu.memory_space<vmem_shared>>
        tpu.wait_dma2 semaphore(%run_scoped3A : memref<!tpu.dma_semaphore, #tpu.memory_space<semaphore_mem>>) src(%dma_wait3A_33 : memref<640x64xf32, #tpu.memory_space<vmem_shared>>) dst(%dma_wait3A_31 : memref<640x64xf32, #tpu.memory_space<hbm>>)
        tpu.yield
      }) : () -> ()
    } else {
    }
    %eq3A_23 = arith.constant 1 : i32
    %eq3A_24 = arith.cmpi eq, %arg0, %eq3A_23 : i32
    %convert_element_type3A_25 = arith.extui %eq3A_24 : i1 to i32
    %cond3A_26 = arith.constant 0 : i32
    %cond3A_27 = arith.cmpi ne, %convert_element_type3A_25, %cond3A_26 : i32
    scf.if %cond3A_27 {
      "tpu.region"() ({
        %run_scoped3A = tpu.sem_alloc : memref<!tpu.dma_semaphore, #tpu.memory_space<semaphore_mem>>
        %dma_start3A = arith.constant 0 : i32
        %dma_start3A_28 = tpu.memref_slice %arg7[%mul3A_17, %dma_start3A] : memref<10240x64xf32, #tpu.memory_space<hbm>> -> memref<640x64xf32, #tpu.memory_space<hbm>>
        %dma_start3A_29 = arith.constant 0 : i32
        %dma_start3A_30 = tpu.memref_slice %arg13[%mul3A_17, %dma_start3A_29] : memref<10240x64xf32, #tpu.memory_space<vmem_shared>> -> memref<640x64xf32, #tpu.memory_space<vmem_shared>>
        tpu.enqueue_dma source(%dma_start3A_30 : memref<640x64xf32, #tpu.memory_space<vmem_shared>>) target(%dma_start3A_28 : memref<640x64xf32, #tpu.memory_space<hbm>>) target_semaphore(%run_scoped3A : memref<!tpu.dma_semaphore, #tpu.memory_space<semaphore_mem>>)
        %dma_wait3A = arith.constant 0 : i32
        %dma_wait3A_31 = tpu.memref_slice %arg7[%mul3A_17, %dma_wait3A] : memref<10240x64xf32, #tpu.memory_space<hbm>> -> memref<640x64xf32, #tpu.memory_space<hbm>>
        %dma_wait3A_32 = arith.constant 0 : i32
        %dma_wait3A_33 = tpu.memref_slice %arg13[%mul3A_17, %dma_wait3A_32] : memref<10240x64xf32, #tpu.memory_space<vmem_shared>> -> memref<640x64xf32, #tpu.memory_space<vmem_shared>>
        tpu.wait_dma2 semaphore(%run_scoped3A : memref<!tpu.dma_semaphore, #tpu.memory_space<semaphore_mem>>) src(%dma_wait3A_33 : memref<640x64xf32, #tpu.memory_space<vmem_shared>>) dst(%dma_wait3A_31 : memref<640x64xf32, #tpu.memory_space<hbm>>)
        tpu.yield
      }) : () -> ()
    } else {
    }
    return
  }
}

#map = affine_map<(d0, d1) -> (0, 0)>
#map1 = affine_map<(d0, d1) -> (0, 0, 0)>
module attributes {stable_mosaic.version = 14 : i64} {
  func.func @_sc_body(%arg0: i32, %arg1: i32, %arg2: memref<10000x64xbf16, #tpu.memory_space<hbm>>, %arg3: memref<10000x64xbf16, #tpu.memory_space<hbm>>, %arg4: memref<16x157x128xi32, #tpu.memory_space<hbm>>, %arg5: memref<16x157x128xi32, #tpu.memory_space<hbm>>, %arg6: memref<10240x64xf32, #tpu.memory_space<hbm>>, %arg7: memref<10240x64xf32, #tpu.memory_space<hbm>>, %arg8: memref<157x128xi32, #tpu.memory_space<vmem>>, %arg9: memref<157x128xi32, #tpu.memory_space<vmem>>, %arg10: memref<2x128x64xbf16, #tpu.memory_space<vmem>>, %arg11: memref<128x64xf32, #tpu.memory_space<vmem>>, %arg12: memref<128x64xf32, #tpu.memory_space<vmem>>, %arg13: memref<10240x64xf32, #tpu.memory_space<vmem_shared>>, %arg14: memref<!tpu.dma_semaphore, #tpu.memory_space<semaphore_mem>>, %arg15: memref<!tpu.dma_semaphore, #tpu.memory_space<semaphore_mem>>) attributes {dimension_semantics = [#tpu.dimension_semantics<core_parallel>, #tpu.dimension_semantics<subcore_parallel>], iteration_bounds = array<i64: 2, 16>, scalar_prefetch = 0 : i64, scratch_operands = 8 : i64, tpu.core_type = #tpu.core_type<sc_vector_subcore>, window_params = [{transform_indices = #map}, {transform_indices = #map}, {transform_indices = #map1}, {transform_indices = #map1}, {transform_indices = #map}, {transform_indices = #map}]} {
    %scan3A = arith.constant 0 : i32
    %scan3A_0 = arith.constant 128 : i32
    %scan3A_1 = arith.addi %scan3A, %scan3A_0 : i32
    %scan3A_2 = arith.constant 1 : i32
    scf.for %scan3A_28 = %scan3A to %scan3A_1 step %scan3A_2  : i32 {
      %mul3A_29 = arith.constant 1 : i32
      %mul3A_30 = arith.muli %scan3A_28, %mul3A_29 : i32
      %add3A = arith.constant 0 : i32
      %add3A_31 = arith.addi %add3A, %mul3A_30 : i32
      %scan3A_32 = arith.constant 0 : i32
      %scan3A_33 = arith.constant 4 : i32
      %scan3A_34 = arith.addi %scan3A_32, %scan3A_33 : i32
      %scan3A_35 = arith.constant 1 : i32
      scf.for %scan3A_37 = %scan3A_32 to %scan3A_34 step %scan3A_35  : i32 {
        %mul3A_38 = arith.constant 1 : i32
        %mul3A_39 = arith.muli %scan3A_37, %mul3A_38 : i32
        %add3A_40 = arith.constant 0 : i32
        %add3A_41 = arith.addi %add3A_40, %mul3A_39 : i32
        %broadcast_in_dim3A = arith.constant 0.000000e+00 : f32
        %broadcast_in_dim3A_42 = vector.broadcast %broadcast_in_dim3A : f32 to vector<16xf32>
        %mul3A_43 = arith.constant 16 : i32
        %mul3A_44 = arith.muli %add3A_41, %mul3A_43 : i32
        %swap3A = arith.index_cast %add3A_31 : i32 to index
        %swap3A_45 = arith.index_cast %mul3A_44 : i32 to index
        %swap3A_46 = tpu.vector_load %arg12[%swap3A, %swap3A_45] {strides = array<i32>} : memref<128x64xf32, #tpu.memory_space<vmem>>, vector<16xf32>,
        tpu.vector_store %arg12[%swap3A, %swap3A_45], %broadcast_in_dim3A_42 {strides = array<i32>} : memref<128x64xf32, #tpu.memory_space<vmem>>, vector<16xf32>,
      }
      %scan3A_36 = arith.constant 4 : i32
    }
    %scan3A_3 = arith.constant 128 : i32
    %scan3A_4 = arith.constant 0 : i32
    %scan3A_5 = arith.constant 5 : i32
    %scan3A_6 = arith.addi %scan3A_4, %scan3A_5 : i32
    %scan3A_7 = arith.constant 1 : i32
    scf.for %scan3A_28 = %scan3A_4 to %scan3A_6 step %scan3A_7  : i32 {
      %mul3A_29 = arith.constant 1 : i32
      %mul3A_30 = arith.muli %scan3A_28, %mul3A_29 : i32
      %add3A = arith.constant 0 : i32
      %add3A_31 = arith.addi %add3A, %mul3A_30 : i32
      %mul3A_32 = arith.constant 640 : i32
      %mul3A_33 = arith.muli %arg1, %mul3A_32 : i32
      %mul3A_34 = arith.constant 128 : i32
      %mul3A_35 = arith.muli %add3A_31, %mul3A_34 : i32
      %add3A_36 = arith.addi %mul3A_33, %mul3A_35 : i32
      "tpu.region"() ({
        %run_scoped3A = tpu.sem_alloc : memref<!tpu.dma_semaphore, #tpu.memory_space<semaphore_mem>>
        %dma_start3A = arith.constant 0 : i32
        %dma_start3A_37 = tpu.memref_slice %arg13[%add3A_36, %dma_start3A] : memref<10240x64xf32, #tpu.memory_space<vmem_shared>> -> memref<128x64xf32, #tpu.memory_space<vmem_shared>>
        %dma_start3A_38 = arith.constant 0 : i32
        %dma_start3A_39 = tpu.memref_slice %arg13[%add3A_36, %dma_start3A_38] : memref<10240x64xf32, #tpu.memory_space<vmem_shared>> -> memref<128x64xf32, #tpu.memory_space<vmem_shared>>
        tpu.enqueue_dma source(%arg12 : memref<128x64xf32, #tpu.memory_space<vmem>>) target(%dma_start3A_39 : memref<128x64xf32, #tpu.memory_space<vmem_shared>>) target_semaphore(%run_scoped3A : memref<!tpu.dma_semaphore, #tpu.memory_space<semaphore_mem>>)
        %dma_wait3A = arith.constant 0 : i32
        %dma_wait3A_40 = tpu.memref_slice %arg13[%add3A_36, %dma_wait3A] : memref<10240x64xf32, #tpu.memory_space<vmem_shared>> -> memref<128x64xf32, #tpu.memory_space<vmem_shared>>
        %dma_wait3A_41 = arith.constant 0 : i32
        %dma_wait3A_42 = tpu.memref_slice %arg13[%add3A_36, %dma_wait3A_41] : memref<10240x64xf32, #tpu.memory_space<vmem_shared>> -> memref<128x64xf32, #tpu.memory_space<vmem_shared>>
        tpu.wait_dma2 semaphore(%run_scoped3A : memref<!tpu.dma_semaphore, #tpu.memory_space<semaphore_mem>>) src(%arg12 : memref<128x64xf32, #tpu.memory_space<vmem>>) dst(%dma_wait3A_42 : memref<128x64xf32, #tpu.memory_space<vmem_shared>>)
        tpu.yield
      }) : () -> ()
    }
    %scan3A_8 = arith.constant 5 : i32
    %barrier3A = arith.constant 0 : index
    tpu.barrier barrier_id(%barrier3A)
    "tpu.region"() ({
      %run_scoped3A = tpu.sem_alloc : memref<!tpu.dma_semaphore, #tpu.memory_space<semaphore_mem>>
      %dma_start3A = arith.constant 0 : i32
      %dma_start3A_28 = arith.constant 0 : i32
      %dma_start3A_29 = tpu.memref_slice %arg4[%arg1, %dma_start3A, %dma_start3A_28] : memref<16x157x128xi32, #tpu.memory_space<hbm>> -> memref<1x157x128xi32, #tpu.memory_space<hbm>>
      %dma_start3A_30 = tpu.memref_squeeze %dma_start3A_29 : memref<1x157x128xi32, #tpu.memory_space<hbm>> -> memref<157x128xi32, #tpu.memory_space<hbm>>
      %dma_start3A_31 = arith.constant 0 : i32
      %dma_start3A_32 = arith.constant 0 : i32
      %dma_start3A_33 = tpu.memref_slice %arg4[%arg1, %dma_start3A_31, %dma_start3A_32] : memref<16x157x128xi32, #tpu.memory_space<hbm>> -> memref<1x157x128xi32, #tpu.memory_space<hbm>>
      %dma_start3A_34 = tpu.memref_squeeze %dma_start3A_33 : memref<1x157x128xi32, #tpu.memory_space<hbm>> -> memref<157x128xi32, #tpu.memory_space<hbm>>
      tpu.enqueue_dma source(%dma_start3A_34 : memref<157x128xi32, #tpu.memory_space<hbm>>) target(%arg8 : memref<157x128xi32, #tpu.memory_space<vmem>>) target_semaphore(%run_scoped3A : memref<!tpu.dma_semaphore, #tpu.memory_space<semaphore_mem>>)
      %dma_wait3A = arith.constant 0 : i32
      %dma_wait3A_35 = arith.constant 0 : i32
      %dma_wait3A_36 = tpu.memref_slice %arg4[%arg1, %dma_wait3A, %dma_wait3A_35] : memref<16x157x128xi32, #tpu.memory_space<hbm>> -> memref<1x157x128xi32, #tpu.memory_space<hbm>>
      %dma_wait3A_37 = tpu.memref_squeeze %dma_wait3A_36 : memref<1x157x128xi32, #tpu.memory_space<hbm>> -> memref<157x128xi32, #tpu.memory_space<hbm>>
      %dma_wait3A_38 = arith.constant 0 : i32
      %dma_wait3A_39 = arith.constant 0 : i32
      %dma_wait3A_40 = tpu.memref_slice %arg4[%arg1, %dma_wait3A_38, %dma_wait3A_39] : memref<16x157x128xi32, #tpu.memory_space<hbm>> -> memref<1x157x128xi32, #tpu.memory_space<hbm>>
      %dma_wait3A_41 = tpu.memref_squeeze %dma_wait3A_40 : memref<1x157x128xi32, #tpu.memory_space<hbm>> -> memref<157x128xi32, #tpu.memory_space<hbm>>
      tpu.wait_dma2 semaphore(%run_scoped3A : memref<!tpu.dma_semaphore, #tpu.memory_space<semaphore_mem>>) src(%dma_wait3A_41 : memref<157x128xi32, #tpu.memory_space<hbm>>) dst(%arg8 : memref<157x128xi32, #tpu.memory_space<vmem>>)
      tpu.yield
    }) : () -> ()
    "tpu.region"() ({
      %run_scoped3A = tpu.sem_alloc : memref<!tpu.dma_semaphore, #tpu.memory_space<semaphore_mem>>
      %dma_start3A = arith.constant 0 : i32
      %dma_start3A_28 = arith.constant 0 : i32
      %dma_start3A_29 = tpu.memref_slice %arg5[%arg1, %dma_start3A, %dma_start3A_28] : memref<16x157x128xi32, #tpu.memory_space<hbm>> -> memref<1x157x128xi32, #tpu.memory_space<hbm>>
      %dma_start3A_30 = tpu.memref_squeeze %dma_start3A_29 : memref<1x157x128xi32, #tpu.memory_space<hbm>> -> memref<157x128xi32, #tpu.memory_space<hbm>>
      %dma_start3A_31 = arith.constant 0 : i32
      %dma_start3A_32 = arith.constant 0 : i32
      %dma_start3A_33 = tpu.memref_slice %arg5[%arg1, %dma_start3A_31, %dma_start3A_32] : memref<16x157x128xi32, #tpu.memory_space<hbm>> -> memref<1x157x128xi32, #tpu.memory_space<hbm>>
      %dma_start3A_34 = tpu.memref_squeeze %dma_start3A_33 : memref<1x157x128xi32, #tpu.memory_space<hbm>> -> memref<157x128xi32, #tpu.memory_space<hbm>>
      tpu.enqueue_dma source(%dma_start3A_34 : memref<157x128xi32, #tpu.memory_space<hbm>>) target(%arg9 : memref<157x128xi32, #tpu.memory_space<vmem>>) target_semaphore(%run_scoped3A : memref<!tpu.dma_semaphore, #tpu.memory_space<semaphore_mem>>)
      %dma_wait3A = arith.constant 0 : i32
      %dma_wait3A_35 = arith.constant 0 : i32
      %dma_wait3A_36 = tpu.memref_slice %arg5[%arg1, %dma_wait3A, %dma_wait3A_35] : memref<16x157x128xi32, #tpu.memory_space<hbm>> -> memref<1x157x128xi32, #tpu.memory_space<hbm>>
      %dma_wait3A_37 = tpu.memref_squeeze %dma_wait3A_36 : memref<1x157x128xi32, #tpu.memory_space<hbm>> -> memref<157x128xi32, #tpu.memory_space<hbm>>
      %dma_wait3A_38 = arith.constant 0 : i32
      %dma_wait3A_39 = arith.constant 0 : i32
      %dma_wait3A_40 = tpu.memref_slice %arg5[%arg1, %dma_wait3A_38, %dma_wait3A_39] : memref<16x157x128xi32, #tpu.memory_space<hbm>> -> memref<1x157x128xi32, #tpu.memory_space<hbm>>
      %dma_wait3A_41 = tpu.memref_squeeze %dma_wait3A_40 : memref<1x157x128xi32, #tpu.memory_space<hbm>> -> memref<157x128xi32, #tpu.memory_space<hbm>>
      tpu.wait_dma2 semaphore(%run_scoped3A : memref<!tpu.dma_semaphore, #tpu.memory_space<semaphore_mem>>) src(%dma_wait3A_41 : memref<157x128xi32, #tpu.memory_space<hbm>>) dst(%arg9 : memref<157x128xi32, #tpu.memory_space<vmem>>)
      tpu.yield
    }) : () -> ()
    %eq3A = arith.constant 0 : i32
    %eq3A_9 = arith.cmpi eq, %arg0, %eq3A : i32
    %convert_element_type3A = arith.extui %eq3A_9 : i1 to i32
    %cond3A = arith.constant 0 : i32
    %cond3A_10 = arith.cmpi ne, %convert_element_type3A, %cond3A : i32
    scf.if %cond3A_10 {
      %dma_start3A = arith.constant 0 : i32
      %dma_start3A_28 = arith.constant 0 : i32
      %dma_start3A_29 = arith.constant 0 : i32
      %dma_start3A_30 = arith.constant 0 : i32
      %dma_start3A_31 = tpu.memref_slice %arg10[%dma_start3A_28, %dma_start3A_29, %dma_start3A_30] : memref<2x128x64xbf16, #tpu.memory_space<vmem>> -> memref<1x128x64xbf16, #tpu.memory_space<vmem>>
      %dma_start3A_32 = tpu.memref_squeeze %dma_start3A_31 : memref<1x128x64xbf16, #tpu.memory_space<vmem>> -> memref<128x64xbf16, #tpu.memory_space<vmem>>
      %dma_start3A_33 = arith.constant 0 : i32
      %dma_start3A_34 = tpu.memref_slice %arg8[%dma_start3A, %dma_start3A_33] : memref<157x128xi32, #tpu.memory_space<vmem>> -> memref<1x128xi32, #tpu.memory_space<vmem>>
      %dma_start3A_35 = tpu.memref_squeeze %dma_start3A_34 : memref<1x128xi32, #tpu.memory_space<vmem>> -> memref<128xi32, #tpu.memory_space<vmem>>
      %dma_start3A_36 = arith.constant 0 : i32
      %dma_start3A_37 = arith.constant 0 : i32
      %dma_start3A_38 = tpu.memref_slice %arg2[%dma_start3A_36, %dma_start3A_37] : memref<10000x64xbf16, #tpu.memory_space<hbm>> -> memref<10000x64xbf16, #tpu.memory_space<hbm>>
      tpu.enqueue_indirect_dma source(%dma_start3A_38 : memref<10000x64xbf16, #tpu.memory_space<hbm>>) target(%dma_start3A_32 : memref<128x64xbf16, #tpu.memory_space<vmem>>) offsets(%dma_start3A_35 : memref<128xi32, #tpu.memory_space<vmem>>) semaphore(%arg14 : memref<!tpu.dma_semaphore, #tpu.memory_space<semaphore_mem>>)
      %scan3A_39 = arith.constant 0 : i32
      %scan3A_40 = arith.constant 78 : i32
      %scan3A_41 = arith.addi %scan3A_39, %scan3A_40 : i32
      %scan3A_42 = arith.constant 1 : i32
      scf.for %scan3A_60 = %scan3A_39 to %scan3A_41 step %scan3A_42  : i32 {
        %mul3A_61 = arith.constant 2 : i32
        %mul3A_62 = arith.muli %scan3A_60, %mul3A_61 : i32
        %add3A = arith.constant 0 : i32
        %add3A_63 = arith.addi %add3A, %mul3A_62 : i32
        %add3A_64 = arith.constant 0 : i32
        %add3A_65 = arith.addi %add3A_63, %add3A_64 : i32
        %dma_wait3A_66 = arith.constant 0 : i32
        %dma_wait3A_67 = arith.constant 0 : i32
        %dma_wait3A_68 = arith.constant 0 : i32
        %dma_wait3A_69 = tpu.memref_slice %arg10[%dma_wait3A_66, %dma_wait3A_67, %dma_wait3A_68] : memref<2x128x64xbf16, #tpu.memory_space<vmem>> -> memref<1x128x64xbf16, #tpu.memory_space<vmem>>
        %dma_wait3A_70 = tpu.memref_squeeze %dma_wait3A_69 : memref<1x128x64xbf16, #tpu.memory_space<vmem>> -> memref<128x64xbf16, #tpu.memory_space<vmem>>
        %dma_wait3A_71 = arith.constant 0 : i32
        %dma_wait3A_72 = tpu.memref_slice %arg8[%add3A_65, %dma_wait3A_71] : memref<157x128xi32, #tpu.memory_space<vmem>> -> memref<1x128xi32, #tpu.memory_space<vmem>>
        %dma_wait3A_73 = tpu.memref_squeeze %dma_wait3A_72 : memref<1x128xi32, #tpu.memory_space<vmem>> -> memref<128xi32, #tpu.memory_space<vmem>>
        %dma_wait3A_74 = arith.constant 0 : i32
        %dma_wait3A_75 = arith.constant 0 : i32
        %dma_wait3A_76 = tpu.memref_slice %arg2[%dma_wait3A_74, %dma_wait3A_75] : memref<10000x64xbf16, #tpu.memory_space<hbm>> -> memref<10000x64xbf16, #tpu.memory_space<hbm>>
        tpu.wait_indirect_dma semaphore(%arg14 : memref<!tpu.dma_semaphore, #tpu.memory_space<semaphore_mem>>) src(%dma_wait3A_76 : memref<10000x64xbf16, #tpu.memory_space<hbm>>) dst(%dma_wait3A_70 : memref<128x64xbf16, #tpu.memory_space<vmem>>)
        %add3A_77 = arith.constant 2 : i32
        %add3A_78 = arith.addi %add3A_65, %add3A_77 : i32
        %sub3A = arith.constant 1 : i32
        %sub3A_79 = arith.subi %add3A_78, %sub3A : i32
        %dma_start3A_80 = arith.constant 1 : i32
        %dma_start3A_81 = arith.constant 0 : i32
        %dma_start3A_82 = arith.constant 0 : i32
        %dma_start3A_83 = tpu.memref_slice %arg10[%dma_start3A_80, %dma_start3A_81, %dma_start3A_82] : memref<2x128x64xbf16, #tpu.memory_space<vmem>> -> memref<1x128x64xbf16, #tpu.memory_space<vmem>>
        %dma_start3A_84 = tpu.memref_squeeze %dma_start3A_83 : memref<1x128x64xbf16, #tpu.memory_space<vmem>> -> memref<128x64xbf16, #tpu.memory_space<vmem>>
        %dma_start3A_85 = arith.constant 0 : i32
        %dma_start3A_86 = tpu.memref_slice %arg8[%sub3A_79, %dma_start3A_85] : memref<157x128xi32, #tpu.memory_space<vmem>> -> memref<1x128xi32, #tpu.memory_space<vmem>>
        %dma_start3A_87 = tpu.memref_squeeze %dma_start3A_86 : memref<1x128xi32, #tpu.memory_space<vmem>> -> memref<128xi32, #tpu.memory_space<vmem>>
        %dma_start3A_88 = arith.constant 0 : i32
        %dma_start3A_89 = arith.constant 0 : i32
        %dma_start3A_90 = tpu.memref_slice %arg2[%dma_start3A_88, %dma_start3A_89] : memref<10000x64xbf16, #tpu.memory_space<hbm>> -> memref<10000x64xbf16, #tpu.memory_space<hbm>>
        tpu.enqueue_indirect_dma source(%dma_start3A_90 : memref<10000x64xbf16, #tpu.memory_space<hbm>>) target(%dma_start3A_84 : memref<128x64xbf16, #tpu.memory_space<vmem>>) offsets(%dma_start3A_87 : memref<128xi32, #tpu.memory_space<vmem>>) semaphore(%arg15 : memref<!tpu.dma_semaphore, #tpu.memory_space<semaphore_mem>>)
        %scan3A_91 = arith.constant 0 : i32
        %scan3A_92 = arith.constant 128 : i32
        %scan3A_93 = arith.addi %scan3A_91, %scan3A_92 : i32
        %scan3A_94 = arith.constant 1 : i32
        scf.for %scan3A_129 = %scan3A_91 to %scan3A_93 step %scan3A_94  : i32 {
          %mul3A_130 = arith.constant 1 : i32
          %mul3A_131 = arith.muli %scan3A_129, %mul3A_130 : i32
          %add3A_132 = arith.constant 0 : i32
          %add3A_133 = arith.addi %add3A_132, %mul3A_131 : i32
          %get3A = arith.constant 0 : i32
          %get3A_134 = arith.index_cast %get3A : i32 to index
          %get3A_135 = arith.index_cast %add3A_133 : i32 to index
          %get3A_136 = arith.constant 0 : index
          %get3A_137 = tpu.vector_load %arg10[%get3A_134, %get3A_135, %get3A_136] {strides = array<i32>} : memref<2x128x64xbf16, #tpu.memory_space<vmem>>, vector<32xbf16>,
          %unpack3A = tpu.unpack_subelements %get3A_137, 0 {pack_format = #tpu.pack_format<interleaved>} : vector<32xbf16> -> vector<16xf32>
          %unpack3A_138 = tpu.unpack_subelements %get3A_137, 1 {pack_format = #tpu.pack_format<interleaved>} : vector<32xbf16> -> vector<16xf32>
          %swap3A = arith.index_cast %add3A_133 : i32 to index
          %swap3A_139 = arith.constant 0 : index
          %swap3A_140 = tpu.vector_load %arg11[%swap3A, %swap3A_139] {strides = array<i32>} : memref<128x64xf32, #tpu.memory_space<vmem>>, vector<16xf32>,
          tpu.vector_store %arg11[%swap3A, %swap3A_139], %unpack3A {strides = array<i32>} : memref<128x64xf32, #tpu.memory_space<vmem>>, vector<16xf32>,
          %swap3A_141 = arith.index_cast %add3A_133 : i32 to index
          %swap3A_142 = arith.constant 16 : index
          %swap3A_143 = tpu.vector_load %arg11[%swap3A_141, %swap3A_142] {strides = array<i32>} : memref<128x64xf32, #tpu.memory_space<vmem>>, vector<16xf32>,
          tpu.vector_store %arg11[%swap3A_141, %swap3A_142], %unpack3A_138 {strides = array<i32>} : memref<128x64xf32, #tpu.memory_space<vmem>>, vector<16xf32>,
          %get3A_144 = arith.constant 0 : i32
          %get3A_145 = arith.index_cast %get3A_144 : i32 to index
          %get3A_146 = arith.index_cast %add3A_133 : i32 to index
          %get3A_147 = arith.constant 32 : index
          %get3A_148 = tpu.vector_load %arg10[%get3A_145, %get3A_146, %get3A_147] {strides = array<i32>} : memref<2x128x64xbf16, #tpu.memory_space<vmem>>, vector<32xbf16>,
          %unpack3A_149 = tpu.unpack_subelements %get3A_148, 0 {pack_format = #tpu.pack_format<interleaved>} : vector<32xbf16> -> vector<16xf32>
          %unpack3A_150 = tpu.unpack_subelements %get3A_148, 1 {pack_format = #tpu.pack_format<interleaved>} : vector<32xbf16> -> vector<16xf32>
          %swap3A_151 = arith.index_cast %add3A_133 : i32 to index
          %swap3A_152 = arith.constant 32 : index
          %swap3A_153 = tpu.vector_load %arg11[%swap3A_151, %swap3A_152] {strides = array<i32>} : memref<128x64xf32, #tpu.memory_space<vmem>>, vector<16xf32>,
          tpu.vector_store %arg11[%swap3A_151, %swap3A_152], %unpack3A_149 {strides = array<i32>} : memref<128x64xf32, #tpu.memory_space<vmem>>, vector<16xf32>,
          %swap3A_154 = arith.index_cast %add3A_133 : i32 to index
          %swap3A_155 = arith.constant 48 : index
          %swap3A_156 = tpu.vector_load %arg11[%swap3A_154, %swap3A_155] {strides = array<i32>} : memref<128x64xf32, #tpu.memory_space<vmem>>, vector<16xf32>,
          tpu.vector_store %arg11[%swap3A_154, %swap3A_155], %unpack3A_150 {strides = array<i32>} : memref<128x64xf32, #tpu.memory_space<vmem>>, vector<16xf32>,
        }
        %scan3A_95 = arith.constant 128 : i32
        "tpu.region"() ({
          %run_scoped3A_129 = tpu.sem_alloc : memref<!tpu.dma_semaphore, #tpu.memory_space<semaphore_mem>>
          %dma_start3A_130 = arith.constant 0 : i32
          %dma_start3A_131 = tpu.memref_slice %arg9[%add3A_65, %dma_start3A_130] : memref<157x128xi32, #tpu.memory_space<vmem>> -> memref<1x128xi32, #tpu.memory_space<vmem>>
          %dma_start3A_132 = tpu.memref_squeeze %dma_start3A_131 : memref<1x128xi32, #tpu.memory_space<vmem>> -> memref<128xi32, #tpu.memory_space<vmem>>
          %dma_start3A_133 = arith.constant 0 : i32
          %dma_start3A_134 = arith.constant 0 : i32
          %dma_start3A_135 = tpu.memref_slice %arg13[%dma_start3A_133, %dma_start3A_134] : memref<10240x64xf32, #tpu.memory_space<vmem_shared>> -> memref<10240x64xf32, #tpu.memory_space<vmem_shared>>
          tpu.enqueue_indirect_dma source(%arg11 : memref<128x64xf32, #tpu.memory_space<vmem>>) target(%dma_start3A_135 : memref<10240x64xf32, #tpu.memory_space<vmem_shared>>) offsets(%dma_start3A_132 : memref<128xi32, #tpu.memory_space<vmem>>) semaphore(%run_scoped3A_129 : memref<!tpu.dma_semaphore, #tpu.memory_space<semaphore_mem>>) {add = true}
          %dma_wait3A_136 = arith.constant 0 : i32
          %dma_wait3A_137 = tpu.memref_slice %arg9[%add3A_65, %dma_wait3A_136] : memref<157x128xi32, #tpu.memory_space<vmem>> -> memref<1x128xi32, #tpu.memory_space<vmem>>
          %dma_wait3A_138 = tpu.memref_squeeze %dma_wait3A_137 : memref<1x128xi32, #tpu.memory_space<vmem>> -> memref<128xi32, #tpu.memory_space<vmem>>
          %dma_wait3A_139 = arith.constant 0 : i32
          %dma_wait3A_140 = arith.constant 0 : i32
          %dma_wait3A_141 = tpu.memref_slice %arg13[%dma_wait3A_139, %dma_wait3A_140] : memref<10240x64xf32, #tpu.memory_space<vmem_shared>> -> memref<10240x64xf32, #tpu.memory_space<vmem_shared>>
          tpu.wait_indirect_dma semaphore(%run_scoped3A_129 : memref<!tpu.dma_semaphore, #tpu.memory_space<semaphore_mem>>) src(%arg11 : memref<128x64xf32, #tpu.memory_space<vmem>>) dst(%dma_wait3A_141 : memref<10240x64xf32, #tpu.memory_space<vmem_shared>>)
          tpu.yield
        }) : () -> ()
        %add3A_96 = arith.constant 1 : i32
        %add3A_97 = arith.addi %add3A_63, %add3A_96 : i32
        %dma_wait3A_98 = arith.constant 1 : i32
        %dma_wait3A_99 = arith.constant 0 : i32
        %dma_wait3A_100 = arith.constant 0 : i32
        %dma_wait3A_101 = tpu.memref_slice %arg10[%dma_wait3A_98, %dma_wait3A_99, %dma_wait3A_100] : memref<2x128x64xbf16, #tpu.memory_space<vmem>> -> memref<1x128x64xbf16, #tpu.memory_space<vmem>>
        %dma_wait3A_102 = tpu.memref_squeeze %dma_wait3A_101 : memref<1x128x64xbf16, #tpu.memory_space<vmem>> -> memref<128x64xbf16, #tpu.memory_space<vmem>>
        %dma_wait3A_103 = arith.constant 0 : i32
        %dma_wait3A_104 = tpu.memref_slice %arg8[%add3A_97, %dma_wait3A_103] : memref<157x128xi32, #tpu.memory_space<vmem>> -> memref<1x128xi32, #tpu.memory_space<vmem>>
        %dma_wait3A_105 = tpu.memref_squeeze %dma_wait3A_104 : memref<1x128xi32, #tpu.memory_space<vmem>> -> memref<128xi32, #tpu.memory_space<vmem>>
        %dma_wait3A_106 = arith.constant 0 : i32
        %dma_wait3A_107 = arith.constant 0 : i32
        %dma_wait3A_108 = tpu.memref_slice %arg2[%dma_wait3A_106, %dma_wait3A_107] : memref<10000x64xbf16, #tpu.memory_space<hbm>> -> memref<10000x64xbf16, #tpu.memory_space<hbm>>
        tpu.wait_indirect_dma semaphore(%arg15 : memref<!tpu.dma_semaphore, #tpu.memory_space<semaphore_mem>>) src(%dma_wait3A_108 : memref<10000x64xbf16, #tpu.memory_space<hbm>>) dst(%dma_wait3A_102 : memref<128x64xbf16, #tpu.memory_space<vmem>>)
        %add3A_109 = arith.constant 2 : i32
        %add3A_110 = arith.addi %add3A_97, %add3A_109 : i32
        %sub3A_111 = arith.constant 1 : i32
        %sub3A_112 = arith.subi %add3A_110, %sub3A_111 : i32
        %dma_start3A_113 = arith.constant 0 : i32
        %dma_start3A_114 = arith.constant 0 : i32
        %dma_start3A_115 = arith.constant 0 : i32
        %dma_start3A_116 = tpu.memref_slice %arg10[%dma_start3A_113, %dma_start3A_114, %dma_start3A_115] : memref<2x128x64xbf16, #tpu.memory_space<vmem>> -> memref<1x128x64xbf16, #tpu.memory_space<vmem>>
        %dma_start3A_117 = tpu.memref_squeeze %dma_start3A_116 : memref<1x128x64xbf16, #tpu.memory_space<vmem>> -> memref<128x64xbf16, #tpu.memory_space<vmem>>
        %dma_start3A_118 = arith.constant 0 : i32
        %dma_start3A_119 = tpu.memref_slice %arg8[%sub3A_112, %dma_start3A_118] : memref<157x128xi32, #tpu.memory_space<vmem>> -> memref<1x128xi32, #tpu.memory_space<vmem>>
        %dma_start3A_120 = tpu.memref_squeeze %dma_start3A_119 : memref<1x128xi32, #tpu.memory_space<vmem>> -> memref<128xi32, #tpu.memory_space<vmem>>
        %dma_start3A_121 = arith.constant 0 : i32
        %dma_start3A_122 = arith.constant 0 : i32
        %dma_start3A_123 = tpu.memref_slice %arg2[%dma_start3A_121, %dma_start3A_122] : memref<10000x64xbf16, #tpu.memory_space<hbm>> -> memref<10000x64xbf16, #tpu.memory_space<hbm>>
        tpu.enqueue_indirect_dma source(%dma_start3A_123 : memref<10000x64xbf16, #tpu.memory_space<hbm>>) target(%dma_start3A_117 : memref<128x64xbf16, #tpu.memory_space<vmem>>) offsets(%dma_start3A_120 : memref<128xi32, #tpu.memory_space<vmem>>) semaphore(%arg14 : memref<!tpu.dma_semaphore, #tpu.memory_space<semaphore_mem>>)
        %scan3A_124 = arith.constant 0 : i32
        %scan3A_125 = arith.constant 128 : i32
        %scan3A_126 = arith.addi %scan3A_124, %scan3A_125 : i32
        %scan3A_127 = arith.constant 1 : i32
        scf.for %scan3A_129 = %scan3A_124 to %scan3A_126 step %scan3A_127  : i32 {
          %mul3A_130 = arith.constant 1 : i32
          %mul3A_131 = arith.muli %scan3A_129, %mul3A_130 : i32
          %add3A_132 = arith.constant 0 : i32
          %add3A_133 = arith.addi %add3A_132, %mul3A_131 : i32
          %get3A = arith.constant 1 : i32
          %get3A_134 = arith.index_cast %get3A : i32 to index
          %get3A_135 = arith.index_cast %add3A_133 : i32 to index
          %get3A_136 = arith.constant 0 : index
          %get3A_137 = tpu.vector_load %arg10[%get3A_134, %get3A_135, %get3A_136] {strides = array<i32>} : memref<2x128x64xbf16, #tpu.memory_space<vmem>>, vector<32xbf16>,
          %unpack3A = tpu.unpack_subelements %get3A_137, 0 {pack_format = #tpu.pack_format<interleaved>} : vector<32xbf16> -> vector<16xf32>
          %unpack3A_138 = tpu.unpack_subelements %get3A_137, 1 {pack_format = #tpu.pack_format<interleaved>} : vector<32xbf16> -> vector<16xf32>
          %swap3A = arith.index_cast %add3A_133 : i32 to index
          %swap3A_139 = arith.constant 0 : index
          %swap3A_140 = tpu.vector_load %arg11[%swap3A, %swap3A_139] {strides = array<i32>} : memref<128x64xf32, #tpu.memory_space<vmem>>, vector<16xf32>,
          tpu.vector_store %arg11[%swap3A, %swap3A_139], %unpack3A {strides = array<i32>} : memref<128x64xf32, #tpu.memory_space<vmem>>, vector<16xf32>,
          %swap3A_141 = arith.index_cast %add3A_133 : i32 to index
          %swap3A_142 = arith.constant 16 : index
          %swap3A_143 = tpu.vector_load %arg11[%swap3A_141, %swap3A_142] {strides = array<i32>} : memref<128x64xf32, #tpu.memory_space<vmem>>, vector<16xf32>,
          tpu.vector_store %arg11[%swap3A_141, %swap3A_142], %unpack3A_138 {strides = array<i32>} : memref<128x64xf32, #tpu.memory_space<vmem>>, vector<16xf32>,
          %get3A_144 = arith.constant 1 : i32
          %get3A_145 = arith.index_cast %get3A_144 : i32 to index
          %get3A_146 = arith.index_cast %add3A_133 : i32 to index
          %get3A_147 = arith.constant 32 : index
          %get3A_148 = tpu.vector_load %arg10[%get3A_145, %get3A_146, %get3A_147] {strides = array<i32>} : memref<2x128x64xbf16, #tpu.memory_space<vmem>>, vector<32xbf16>,
          %unpack3A_149 = tpu.unpack_subelements %get3A_148, 0 {pack_format = #tpu.pack_format<interleaved>} : vector<32xbf16> -> vector<16xf32>
          %unpack3A_150 = tpu.unpack_subelements %get3A_148, 1 {pack_format = #tpu.pack_format<interleaved>} : vector<32xbf16> -> vector<16xf32>
          %swap3A_151 = arith.index_cast %add3A_133 : i32 to index
          %swap3A_152 = arith.constant 32 : index
          %swap3A_153 = tpu.vector_load %arg11[%swap3A_151, %swap3A_152] {strides = array<i32>} : memref<128x64xf32, #tpu.memory_space<vmem>>, vector<16xf32>,
          tpu.vector_store %arg11[%swap3A_151, %swap3A_152], %unpack3A_149 {strides = array<i32>} : memref<128x64xf32, #tpu.memory_space<vmem>>, vector<16xf32>,
          %swap3A_154 = arith.index_cast %add3A_133 : i32 to index
          %swap3A_155 = arith.constant 48 : index
          %swap3A_156 = tpu.vector_load %arg11[%swap3A_154, %swap3A_155] {strides = array<i32>} : memref<128x64xf32, #tpu.memory_space<vmem>>, vector<16xf32>,
          tpu.vector_store %arg11[%swap3A_154, %swap3A_155], %unpack3A_150 {strides = array<i32>} : memref<128x64xf32, #tpu.memory_space<vmem>>, vector<16xf32>,
        }
        %scan3A_128 = arith.constant 128 : i32
        "tpu.region"() ({
          %run_scoped3A_129 = tpu.sem_alloc : memref<!tpu.dma_semaphore, #tpu.memory_space<semaphore_mem>>
          %dma_start3A_130 = arith.constant 0 : i32
          %dma_start3A_131 = tpu.memref_slice %arg9[%add3A_97, %dma_start3A_130] : memref<157x128xi32, #tpu.memory_space<vmem>> -> memref<1x128xi32, #tpu.memory_space<vmem>>
          %dma_start3A_132 = tpu.memref_squeeze %dma_start3A_131 : memref<1x128xi32, #tpu.memory_space<vmem>> -> memref<128xi32, #tpu.memory_space<vmem>>
          %dma_start3A_133 = arith.constant 0 : i32
          %dma_start3A_134 = arith.constant 0 : i32
          %dma_start3A_135 = tpu.memref_slice %arg13[%dma_start3A_133, %dma_start3A_134] : memref<10240x64xf32, #tpu.memory_space<vmem_shared>> -> memref<10240x64xf32, #tpu.memory_space<vmem_shared>>
          tpu.enqueue_indirect_dma source(%arg11 : memref<128x64xf32, #tpu.memory_space<vmem>>) target(%dma_start3A_135 : memref<10240x64xf32, #tpu.memory_space<vmem_shared>>) offsets(%dma_start3A_132 : memref<128xi32, #tpu.memory_space<vmem>>) semaphore(%run_scoped3A_129 : memref<!tpu.dma_semaphore, #tpu.memory_space<semaphore_mem>>) {add = true}
          %dma_wait3A_136 = arith.constant 0 : i32
          %dma_wait3A_137 = tpu.memref_slice %arg9[%add3A_97, %dma_wait3A_136] : memref<157x128xi32, #tpu.memory_space<vmem>> -> memref<1x128xi32, #tpu.memory_space<vmem>>
          %dma_wait3A_138 = tpu.memref_squeeze %dma_wait3A_137 : memref<1x128xi32, #tpu.memory_space<vmem>> -> memref<128xi32, #tpu.memory_space<vmem>>
          %dma_wait3A_139 = arith.constant 0 : i32
          %dma_wait3A_140 = arith.constant 0 : i32
          %dma_wait3A_141 = tpu.memref_slice %arg13[%dma_wait3A_139, %dma_wait3A_140] : memref<10240x64xf32, #tpu.memory_space<vmem_shared>> -> memref<10240x64xf32, #tpu.memory_space<vmem_shared>>
          tpu.wait_indirect_dma semaphore(%run_scoped3A_129 : memref<!tpu.dma_semaphore, #tpu.memory_space<semaphore_mem>>) src(%arg11 : memref<128x64xf32, #tpu.memory_space<vmem>>) dst(%dma_wait3A_141 : memref<10240x64xf32, #tpu.memory_space<vmem_shared>>)
          tpu.yield
        }) : () -> ()
      }
      %scan3A_43 = arith.constant 78 : i32
      %dma_wait3A = arith.constant 156 : i32
      %dma_wait3A_44 = arith.constant 0 : i32
      %dma_wait3A_45 = arith.constant 0 : i32
      %dma_wait3A_46 = arith.constant 0 : i32
      %dma_wait3A_47 = tpu.memref_slice %arg10[%dma_wait3A_44, %dma_wait3A_45, %dma_wait3A_46] : memref<2x128x64xbf16, #tpu.memory_space<vmem>> -> memref<1x128x64xbf16, #tpu.memory_space<vmem>>
      %dma_wait3A_48 = tpu.memref_squeeze %dma_wait3A_47 : memref<1x128x64xbf16, #tpu.memory_space<vmem>> -> memref<128x64xbf16, #tpu.memory_space<vmem>>
      %dma_wait3A_49 = arith.constant 0 : i32
      %dma_wait3A_50 = tpu.memref_slice %arg8[%dma_wait3A, %dma_wait3A_49] : memref<157x128xi32, #tpu.memory_space<vmem>> -> memref<1x128xi32, #tpu.memory_space<vmem>>
      %dma_wait3A_51 = tpu.memref_squeeze %dma_wait3A_50 : memref<1x128xi32, #tpu.memory_space<vmem>> -> memref<128xi32, #tpu.memory_space<vmem>>
      %dma_wait3A_52 = arith.constant 0 : i32
      %dma_wait3A_53 = arith.constant 0 : i32
      %dma_wait3A_54 = tpu.memref_slice %arg2[%dma_wait3A_52, %dma_wait3A_53] : memref<10000x64xbf16, #tpu.memory_space<hbm>> -> memref<10000x64xbf16, #tpu.memory_space<hbm>>
      tpu.wait_indirect_dma semaphore(%arg14 : memref<!tpu.dma_semaphore, #tpu.memory_space<semaphore_mem>>) src(%dma_wait3A_54 : memref<10000x64xbf16, #tpu.memory_space<hbm>>) dst(%dma_wait3A_48 : memref<128x64xbf16, #tpu.memory_space<vmem>>)
      %scan3A_55 = arith.constant 0 : i32
      %scan3A_56 = arith.constant 128 : i32
      %scan3A_57 = arith.addi %scan3A_55, %scan3A_56 : i32
      %scan3A_58 = arith.constant 1 : i32
      scf.for %scan3A_60 = %scan3A_55 to %scan3A_57 step %scan3A_58  : i32 {
        %mul3A_61 = arith.constant 1 : i32
        %mul3A_62 = arith.muli %scan3A_60, %mul3A_61 : i32
        %add3A = arith.constant 0 : i32
        %add3A_63 = arith.addi %add3A, %mul3A_62 : i32
        %get3A = arith.constant 0 : i32
        %get3A_64 = arith.index_cast %get3A : i32 to index
        %get3A_65 = arith.index_cast %add3A_63 : i32 to index
        %get3A_66 = arith.constant 0 : index
        %get3A_67 = tpu.vector_load %arg10[%get3A_64, %get3A_65, %get3A_66] {strides = array<i32>} : memref<2x128x64xbf16, #tpu.memory_space<vmem>>, vector<32xbf16>,
        %unpack3A = tpu.unpack_subelements %get3A_67, 0 {pack_format = #tpu.pack_format<interleaved>} : vector<32xbf16> -> vector<16xf32>
        %unpack3A_68 = tpu.unpack_subelements %get3A_67, 1 {pack_format = #tpu.pack_format<interleaved>} : vector<32xbf16> -> vector<16xf32>
        %swap3A = arith.index_cast %add3A_63 : i32 to index
        %swap3A_69 = arith.constant 0 : index
        %swap3A_70 = tpu.vector_load %arg11[%swap3A, %swap3A_69] {strides = array<i32>} : memref<128x64xf32, #tpu.memory_space<vmem>>, vector<16xf32>,
        tpu.vector_store %arg11[%swap3A, %swap3A_69], %unpack3A {strides = array<i32>} : memref<128x64xf32, #tpu.memory_space<vmem>>, vector<16xf32>,
        %swap3A_71 = arith.index_cast %add3A_63 : i32 to index
        %swap3A_72 = arith.constant 16 : index
        %swap3A_73 = tpu.vector_load %arg11[%swap3A_71, %swap3A_72] {strides = array<i32>} : memref<128x64xf32, #tpu.memory_space<vmem>>, vector<16xf32>,
        tpu.vector_store %arg11[%swap3A_71, %swap3A_72], %unpack3A_68 {strides = array<i32>} : memref<128x64xf32, #tpu.memory_space<vmem>>, vector<16xf32>,
        %get3A_74 = arith.constant 0 : i32
        %get3A_75 = arith.index_cast %get3A_74 : i32 to index
        %get3A_76 = arith.index_cast %add3A_63 : i32 to index
        %get3A_77 = arith.constant 32 : index
        %get3A_78 = tpu.vector_load %arg10[%get3A_75, %get3A_76, %get3A_77] {strides = array<i32>} : memref<2x128x64xbf16, #tpu.memory_space<vmem>>, vector<32xbf16>,
        %unpack3A_79 = tpu.unpack_subelements %get3A_78, 0 {pack_format = #tpu.pack_format<interleaved>} : vector<32xbf16> -> vector<16xf32>
        %unpack3A_80 = tpu.unpack_subelements %get3A_78, 1 {pack_format = #tpu.pack_format<interleaved>} : vector<32xbf16> -> vector<16xf32>
        %swap3A_81 = arith.index_cast %add3A_63 : i32 to index
        %swap3A_82 = arith.constant 32 : index
        %swap3A_83 = tpu.vector_load %arg11[%swap3A_81, %swap3A_82] {strides = array<i32>} : memref<128x64xf32, #tpu.memory_space<vmem>>, vector<16xf32>,
        tpu.vector_store %arg11[%swap3A_81, %swap3A_82], %unpack3A_79 {strides = array<i32>} : memref<128x64xf32, #tpu.memory_space<vmem>>, vector<16xf32>,
        %swap3A_84 = arith.index_cast %add3A_63 : i32 to index
        %swap3A_85 = arith.constant 48 : index
        %swap3A_86 = tpu.vector_load %arg11[%swap3A_84, %swap3A_85] {strides = array<i32>} : memref<128x64xf32, #tpu.memory_space<vmem>>, vector<16xf32>,
        tpu.vector_store %arg11[%swap3A_84, %swap3A_85], %unpack3A_80 {strides = array<i32>} : memref<128x64xf32, #tpu.memory_space<vmem>>, vector<16xf32>,
      }
      %scan3A_59 = arith.constant 128 : i32
      %run_scoped3A = arith.constant 156 : i32
      "tpu.region"() ({
        %run_scoped3A_60 = tpu.sem_alloc : memref<!tpu.dma_semaphore, #tpu.memory_space<semaphore_mem>>
        %dma_start3A_61 = arith.constant 0 : i32
        %dma_start3A_62 = tpu.memref_slice %arg9[%run_scoped3A, %dma_start3A_61] : memref<157x128xi32, #tpu.memory_space<vmem>> -> memref<1x128xi32, #tpu.memory_space<vmem>>
        %dma_start3A_63 = tpu.memref_squeeze %dma_start3A_62 : memref<1x128xi32, #tpu.memory_space<vmem>> -> memref<128xi32, #tpu.memory_space<vmem>>
        %dma_start3A_64 = arith.constant 0 : i32
        %dma_start3A_65 = arith.constant 0 : i32
        %dma_start3A_66 = tpu.memref_slice %arg13[%dma_start3A_64, %dma_start3A_65] : memref<10240x64xf32, #tpu.memory_space<vmem_shared>> -> memref<10240x64xf32, #tpu.memory_space<vmem_shared>>
        tpu.enqueue_indirect_dma source(%arg11 : memref<128x64xf32, #tpu.memory_space<vmem>>) target(%dma_start3A_66 : memref<10240x64xf32, #tpu.memory_space<vmem_shared>>) offsets(%dma_start3A_63 : memref<128xi32, #tpu.memory_space<vmem>>) semaphore(%run_scoped3A_60 : memref<!tpu.dma_semaphore, #tpu.memory_space<semaphore_mem>>) {add = true}
        %dma_wait3A_67 = arith.constant 0 : i32
        %dma_wait3A_68 = tpu.memref_slice %arg9[%run_scoped3A, %dma_wait3A_67] : memref<157x128xi32, #tpu.memory_space<vmem>> -> memref<1x128xi32, #tpu.memory_space<vmem>>
        %dma_wait3A_69 = tpu.memref_squeeze %dma_wait3A_68 : memref<1x128xi32, #tpu.memory_space<vmem>> -> memref<128xi32, #tpu.memory_space<vmem>>
        %dma_wait3A_70 = arith.constant 0 : i32
        %dma_wait3A_71 = arith.constant 0 : i32
        %dma_wait3A_72 = tpu.memref_slice %arg13[%dma_wait3A_70, %dma_wait3A_71] : memref<10240x64xf32, #tpu.memory_space<vmem_shared>> -> memref<10240x64xf32, #tpu.memory_space<vmem_shared>>
        tpu.wait_indirect_dma semaphore(%run_scoped3A_60 : memref<!tpu.dma_semaphore, #tpu.memory_space<semaphore_mem>>) src(%arg11 : memref<128x64xf32, #tpu.memory_space<vmem>>) dst(%dma_wait3A_72 : memref<10240x64xf32, #tpu.memory_space<vmem_shared>>)
        tpu.yield
      }) : () -> ()
    } else {
    }
    %eq3A_11 = arith.constant 1 : i32
    %eq3A_12 = arith.cmpi eq, %arg0, %eq3A_11 : i32
    %convert_element_type3A_13 = arith.extui %eq3A_12 : i1 to i32
    %cond3A_14 = arith.constant 0 : i32
    %cond3A_15 = arith.cmpi ne, %convert_element_type3A_13, %cond3A_14 : i32
    scf.if %cond3A_15 {
      %dma_start3A = arith.constant 0 : i32
      %dma_start3A_28 = arith.constant 0 : i32
      %dma_start3A_29 = arith.constant 0 : i32
      %dma_start3A_30 = arith.constant 0 : i32
      %dma_start3A_31 = tpu.memref_slice %arg10[%dma_start3A_28, %dma_start3A_29, %dma_start3A_30] : memref<2x128x64xbf16, #tpu.memory_space<vmem>> -> memref<1x128x64xbf16, #tpu.memory_space<vmem>>
      %dma_start3A_32 = tpu.memref_squeeze %dma_start3A_31 : memref<1x128x64xbf16, #tpu.memory_space<vmem>> -> memref<128x64xbf16, #tpu.memory_space<vmem>>
      %dma_start3A_33 = arith.constant 0 : i32
      %dma_start3A_34 = tpu.memref_slice %arg8[%dma_start3A, %dma_start3A_33] : memref<157x128xi32, #tpu.memory_space<vmem>> -> memref<1x128xi32, #tpu.memory_space<vmem>>
      %dma_start3A_35 = tpu.memref_squeeze %dma_start3A_34 : memref<1x128xi32, #tpu.memory_space<vmem>> -> memref<128xi32, #tpu.memory_space<vmem>>
      %dma_start3A_36 = arith.constant 0 : i32
      %dma_start3A_37 = arith.constant 0 : i32
      %dma_start3A_38 = tpu.memref_slice %arg3[%dma_start3A_36, %dma_start3A_37] : memref<10000x64xbf16, #tpu.memory_space<hbm>> -> memref<10000x64xbf16, #tpu.memory_space<hbm>>
      tpu.enqueue_indirect_dma source(%dma_start3A_38 : memref<10000x64xbf16, #tpu.memory_space<hbm>>) target(%dma_start3A_32 : memref<128x64xbf16, #tpu.memory_space<vmem>>) offsets(%dma_start3A_35 : memref<128xi32, #tpu.memory_space<vmem>>) semaphore(%arg14 : memref<!tpu.dma_semaphore, #tpu.memory_space<semaphore_mem>>)
      %scan3A_39 = arith.constant 0 : i32
      %scan3A_40 = arith.constant 78 : i32
      %scan3A_41 = arith.addi %scan3A_39, %scan3A_40 : i32
      %scan3A_42 = arith.constant 1 : i32
      scf.for %scan3A_60 = %scan3A_39 to %scan3A_41 step %scan3A_42  : i32 {
        %mul3A_61 = arith.constant 2 : i32
        %mul3A_62 = arith.muli %scan3A_60, %mul3A_61 : i32
        %add3A = arith.constant 0 : i32
        %add3A_63 = arith.addi %add3A, %mul3A_62 : i32
        %add3A_64 = arith.constant 0 : i32
        %add3A_65 = arith.addi %add3A_63, %add3A_64 : i32
        %dma_wait3A_66 = arith.constant 0 : i32
        %dma_wait3A_67 = arith.constant 0 : i32
        %dma_wait3A_68 = arith.constant 0 : i32
        %dma_wait3A_69 = tpu.memref_slice %arg10[%dma_wait3A_66, %dma_wait3A_67, %dma_wait3A_68] : memref<2x128x64xbf16, #tpu.memory_space<vmem>> -> memref<1x128x64xbf16, #tpu.memory_space<vmem>>
        %dma_wait3A_70 = tpu.memref_squeeze %dma_wait3A_69 : memref<1x128x64xbf16, #tpu.memory_space<vmem>> -> memref<128x64xbf16, #tpu.memory_space<vmem>>
        %dma_wait3A_71 = arith.constant 0 : i32
        %dma_wait3A_72 = tpu.memref_slice %arg8[%add3A_65, %dma_wait3A_71] : memref<157x128xi32, #tpu.memory_space<vmem>> -> memref<1x128xi32, #tpu.memory_space<vmem>>
        %dma_wait3A_73 = tpu.memref_squeeze %dma_wait3A_72 : memref<1x128xi32, #tpu.memory_space<vmem>> -> memref<128xi32, #tpu.memory_space<vmem>>
        %dma_wait3A_74 = arith.constant 0 : i32
        %dma_wait3A_75 = arith.constant 0 : i32
        %dma_wait3A_76 = tpu.memref_slice %arg3[%dma_wait3A_74, %dma_wait3A_75] : memref<10000x64xbf16, #tpu.memory_space<hbm>> -> memref<10000x64xbf16, #tpu.memory_space<hbm>>
        tpu.wait_indirect_dma semaphore(%arg14 : memref<!tpu.dma_semaphore, #tpu.memory_space<semaphore_mem>>) src(%dma_wait3A_76 : memref<10000x64xbf16, #tpu.memory_space<hbm>>) dst(%dma_wait3A_70 : memref<128x64xbf16, #tpu.memory_space<vmem>>)
        %add3A_77 = arith.constant 2 : i32
        %add3A_78 = arith.addi %add3A_65, %add3A_77 : i32
        %sub3A = arith.constant 1 : i32
        %sub3A_79 = arith.subi %add3A_78, %sub3A : i32
        %dma_start3A_80 = arith.constant 1 : i32
        %dma_start3A_81 = arith.constant 0 : i32
        %dma_start3A_82 = arith.constant 0 : i32
        %dma_start3A_83 = tpu.memref_slice %arg10[%dma_start3A_80, %dma_start3A_81, %dma_start3A_82] : memref<2x128x64xbf16, #tpu.memory_space<vmem>> -> memref<1x128x64xbf16, #tpu.memory_space<vmem>>
        %dma_start3A_84 = tpu.memref_squeeze %dma_start3A_83 : memref<1x128x64xbf16, #tpu.memory_space<vmem>> -> memref<128x64xbf16, #tpu.memory_space<vmem>>
        %dma_start3A_85 = arith.constant 0 : i32
        %dma_start3A_86 = tpu.memref_slice %arg8[%sub3A_79, %dma_start3A_85] : memref<157x128xi32, #tpu.memory_space<vmem>> -> memref<1x128xi32, #tpu.memory_space<vmem>>
        %dma_start3A_87 = tpu.memref_squeeze %dma_start3A_86 : memref<1x128xi32, #tpu.memory_space<vmem>> -> memref<128xi32, #tpu.memory_space<vmem>>
        %dma_start3A_88 = arith.constant 0 : i32
        %dma_start3A_89 = arith.constant 0 : i32
        %dma_start3A_90 = tpu.memref_slice %arg3[%dma_start3A_88, %dma_start3A_89] : memref<10000x64xbf16, #tpu.memory_space<hbm>> -> memref<10000x64xbf16, #tpu.memory_space<hbm>>
        tpu.enqueue_indirect_dma source(%dma_start3A_90 : memref<10000x64xbf16, #tpu.memory_space<hbm>>) target(%dma_start3A_84 : memref<128x64xbf16, #tpu.memory_space<vmem>>) offsets(%dma_start3A_87 : memref<128xi32, #tpu.memory_space<vmem>>) semaphore(%arg15 : memref<!tpu.dma_semaphore, #tpu.memory_space<semaphore_mem>>)
        %scan3A_91 = arith.constant 0 : i32
        %scan3A_92 = arith.constant 128 : i32
        %scan3A_93 = arith.addi %scan3A_91, %scan3A_92 : i32
        %scan3A_94 = arith.constant 1 : i32
        scf.for %scan3A_129 = %scan3A_91 to %scan3A_93 step %scan3A_94  : i32 {
          %mul3A_130 = arith.constant 1 : i32
          %mul3A_131 = arith.muli %scan3A_129, %mul3A_130 : i32
          %add3A_132 = arith.constant 0 : i32
          %add3A_133 = arith.addi %add3A_132, %mul3A_131 : i32
          %get3A = arith.constant 0 : i32
          %get3A_134 = arith.index_cast %get3A : i32 to index
          %get3A_135 = arith.index_cast %add3A_133 : i32 to index
          %get3A_136 = arith.constant 0 : index
          %get3A_137 = tpu.vector_load %arg10[%get3A_134, %get3A_135, %get3A_136] {strides = array<i32>} : memref<2x128x64xbf16, #tpu.memory_space<vmem>>, vector<32xbf16>,
          %unpack3A = tpu.unpack_subelements %get3A_137, 0 {pack_format = #tpu.pack_format<interleaved>} : vector<32xbf16> -> vector<16xf32>
          %unpack3A_138 = tpu.unpack_subelements %get3A_137, 1 {pack_format = #tpu.pack_format<interleaved>} : vector<32xbf16> -> vector<16xf32>
          %swap3A = arith.index_cast %add3A_133 : i32 to index
          %swap3A_139 = arith.constant 0 : index
          %swap3A_140 = tpu.vector_load %arg11[%swap3A, %swap3A_139] {strides = array<i32>} : memref<128x64xf32, #tpu.memory_space<vmem>>, vector<16xf32>,
          tpu.vector_store %arg11[%swap3A, %swap3A_139], %unpack3A {strides = array<i32>} : memref<128x64xf32, #tpu.memory_space<vmem>>, vector<16xf32>,
          %swap3A_141 = arith.index_cast %add3A_133 : i32 to index
          %swap3A_142 = arith.constant 16 : index
          %swap3A_143 = tpu.vector_load %arg11[%swap3A_141, %swap3A_142] {strides = array<i32>} : memref<128x64xf32, #tpu.memory_space<vmem>>, vector<16xf32>,
          tpu.vector_store %arg11[%swap3A_141, %swap3A_142], %unpack3A_138 {strides = array<i32>} : memref<128x64xf32, #tpu.memory_space<vmem>>, vector<16xf32>,
          %get3A_144 = arith.constant 0 : i32
          %get3A_145 = arith.index_cast %get3A_144 : i32 to index
          %get3A_146 = arith.index_cast %add3A_133 : i32 to index
          %get3A_147 = arith.constant 32 : index
          %get3A_148 = tpu.vector_load %arg10[%get3A_145, %get3A_146, %get3A_147] {strides = array<i32>} : memref<2x128x64xbf16, #tpu.memory_space<vmem>>, vector<32xbf16>,
          %unpack3A_149 = tpu.unpack_subelements %get3A_148, 0 {pack_format = #tpu.pack_format<interleaved>} : vector<32xbf16> -> vector<16xf32>
          %unpack3A_150 = tpu.unpack_subelements %get3A_148, 1 {pack_format = #tpu.pack_format<interleaved>} : vector<32xbf16> -> vector<16xf32>
          %swap3A_151 = arith.index_cast %add3A_133 : i32 to index
          %swap3A_152 = arith.constant 32 : index
          %swap3A_153 = tpu.vector_load %arg11[%swap3A_151, %swap3A_152] {strides = array<i32>} : memref<128x64xf32, #tpu.memory_space<vmem>>, vector<16xf32>,
          tpu.vector_store %arg11[%swap3A_151, %swap3A_152], %unpack3A_149 {strides = array<i32>} : memref<128x64xf32, #tpu.memory_space<vmem>>, vector<16xf32>,
          %swap3A_154 = arith.index_cast %add3A_133 : i32 to index
          %swap3A_155 = arith.constant 48 : index
          %swap3A_156 = tpu.vector_load %arg11[%swap3A_154, %swap3A_155] {strides = array<i32>} : memref<128x64xf32, #tpu.memory_space<vmem>>, vector<16xf32>,
          tpu.vector_store %arg11[%swap3A_154, %swap3A_155], %unpack3A_150 {strides = array<i32>} : memref<128x64xf32, #tpu.memory_space<vmem>>, vector<16xf32>,
        }
        %scan3A_95 = arith.constant 128 : i32
        "tpu.region"() ({
          %run_scoped3A_129 = tpu.sem_alloc : memref<!tpu.dma_semaphore, #tpu.memory_space<semaphore_mem>>
          %dma_start3A_130 = arith.constant 0 : i32
          %dma_start3A_131 = tpu.memref_slice %arg9[%add3A_65, %dma_start3A_130] : memref<157x128xi32, #tpu.memory_space<vmem>> -> memref<1x128xi32, #tpu.memory_space<vmem>>
          %dma_start3A_132 = tpu.memref_squeeze %dma_start3A_131 : memref<1x128xi32, #tpu.memory_space<vmem>> -> memref<128xi32, #tpu.memory_space<vmem>>
          %dma_start3A_133 = arith.constant 0 : i32
          %dma_start3A_134 = arith.constant 0 : i32
          %dma_start3A_135 = tpu.memref_slice %arg13[%dma_start3A_133, %dma_start3A_134] : memref<10240x64xf32, #tpu.memory_space<vmem_shared>> -> memref<10240x64xf32, #tpu.memory_space<vmem_shared>>
          tpu.enqueue_indirect_dma source(%arg11 : memref<128x64xf32, #tpu.memory_space<vmem>>) target(%dma_start3A_135 : memref<10240x64xf32, #tpu.memory_space<vmem_shared>>) offsets(%dma_start3A_132 : memref<128xi32, #tpu.memory_space<vmem>>) semaphore(%run_scoped3A_129 : memref<!tpu.dma_semaphore, #tpu.memory_space<semaphore_mem>>) {add = true}
          %dma_wait3A_136 = arith.constant 0 : i32
          %dma_wait3A_137 = tpu.memref_slice %arg9[%add3A_65, %dma_wait3A_136] : memref<157x128xi32, #tpu.memory_space<vmem>> -> memref<1x128xi32, #tpu.memory_space<vmem>>
          %dma_wait3A_138 = tpu.memref_squeeze %dma_wait3A_137 : memref<1x128xi32, #tpu.memory_space<vmem>> -> memref<128xi32, #tpu.memory_space<vmem>>
          %dma_wait3A_139 = arith.constant 0 : i32
          %dma_wait3A_140 = arith.constant 0 : i32
          %dma_wait3A_141 = tpu.memref_slice %arg13[%dma_wait3A_139, %dma_wait3A_140] : memref<10240x64xf32, #tpu.memory_space<vmem_shared>> -> memref<10240x64xf32, #tpu.memory_space<vmem_shared>>
          tpu.wait_indirect_dma semaphore(%run_scoped3A_129 : memref<!tpu.dma_semaphore, #tpu.memory_space<semaphore_mem>>) src(%arg11 : memref<128x64xf32, #tpu.memory_space<vmem>>) dst(%dma_wait3A_141 : memref<10240x64xf32, #tpu.memory_space<vmem_shared>>)
          tpu.yield
        }) : () -> ()
        %add3A_96 = arith.constant 1 : i32
        %add3A_97 = arith.addi %add3A_63, %add3A_96 : i32
        %dma_wait3A_98 = arith.constant 1 : i32
        %dma_wait3A_99 = arith.constant 0 : i32
        %dma_wait3A_100 = arith.constant 0 : i32
        %dma_wait3A_101 = tpu.memref_slice %arg10[%dma_wait3A_98, %dma_wait3A_99, %dma_wait3A_100] : memref<2x128x64xbf16, #tpu.memory_space<vmem>> -> memref<1x128x64xbf16, #tpu.memory_space<vmem>>
        %dma_wait3A_102 = tpu.memref_squeeze %dma_wait3A_101 : memref<1x128x64xbf16, #tpu.memory_space<vmem>> -> memref<128x64xbf16, #tpu.memory_space<vmem>>
        %dma_wait3A_103 = arith.constant 0 : i32
        %dma_wait3A_104 = tpu.memref_slice %arg8[%add3A_97, %dma_wait3A_103] : memref<157x128xi32, #tpu.memory_space<vmem>> -> memref<1x128xi32, #tpu.memory_space<vmem>>
        %dma_wait3A_105 = tpu.memref_squeeze %dma_wait3A_104 : memref<1x128xi32, #tpu.memory_space<vmem>> -> memref<128xi32, #tpu.memory_space<vmem>>
        %dma_wait3A_106 = arith.constant 0 : i32
        %dma_wait3A_107 = arith.constant 0 : i32
        %dma_wait3A_108 = tpu.memref_slice %arg3[%dma_wait3A_106, %dma_wait3A_107] : memref<10000x64xbf16, #tpu.memory_space<hbm>> -> memref<10000x64xbf16, #tpu.memory_space<hbm>>
        tpu.wait_indirect_dma semaphore(%arg15 : memref<!tpu.dma_semaphore, #tpu.memory_space<semaphore_mem>>) src(%dma_wait3A_108 : memref<10000x64xbf16, #tpu.memory_space<hbm>>) dst(%dma_wait3A_102 : memref<128x64xbf16, #tpu.memory_space<vmem>>)
        %add3A_109 = arith.constant 2 : i32
        %add3A_110 = arith.addi %add3A_97, %add3A_109 : i32
        %sub3A_111 = arith.constant 1 : i32
        %sub3A_112 = arith.subi %add3A_110, %sub3A_111 : i32
        %dma_start3A_113 = arith.constant 0 : i32
        %dma_start3A_114 = arith.constant 0 : i32
        %dma_start3A_115 = arith.constant 0 : i32
        %dma_start3A_116 = tpu.memref_slice %arg10[%dma_start3A_113, %dma_start3A_114, %dma_start3A_115] : memref<2x128x64xbf16, #tpu.memory_space<vmem>> -> memref<1x128x64xbf16, #tpu.memory_space<vmem>>
        %dma_start3A_117 = tpu.memref_squeeze %dma_start3A_116 : memref<1x128x64xbf16, #tpu.memory_space<vmem>> -> memref<128x64xbf16, #tpu.memory_space<vmem>>
        %dma_start3A_118 = arith.constant 0 : i32
        %dma_start3A_119 = tpu.memref_slice %arg8[%sub3A_112, %dma_start3A_118] : memref<157x128xi32, #tpu.memory_space<vmem>> -> memref<1x128xi32, #tpu.memory_space<vmem>>
        %dma_start3A_120 = tpu.memref_squeeze %dma_start3A_119 : memref<1x128xi32, #tpu.memory_space<vmem>> -> memref<128xi32, #tpu.memory_space<vmem>>
        %dma_start3A_121 = arith.constant 0 : i32
        %dma_start3A_122 = arith.constant 0 : i32
        %dma_start3A_123 = tpu.memref_slice %arg3[%dma_start3A_121, %dma_start3A_122] : memref<10000x64xbf16, #tpu.memory_space<hbm>> -> memref<10000x64xbf16, #tpu.memory_space<hbm>>
        tpu.enqueue_indirect_dma source(%dma_start3A_123 : memref<10000x64xbf16, #tpu.memory_space<hbm>>) target(%dma_start3A_117 : memref<128x64xbf16, #tpu.memory_space<vmem>>) offsets(%dma_start3A_120 : memref<128xi32, #tpu.memory_space<vmem>>) semaphore(%arg14 : memref<!tpu.dma_semaphore, #tpu.memory_space<semaphore_mem>>)
        %scan3A_124 = arith.constant 0 : i32
        %scan3A_125 = arith.constant 128 : i32
        %scan3A_126 = arith.addi %scan3A_124, %scan3A_125 : i32
        %scan3A_127 = arith.constant 1 : i32
        scf.for %scan3A_129 = %scan3A_124 to %scan3A_126 step %scan3A_127  : i32 {
          %mul3A_130 = arith.constant 1 : i32
          %mul3A_131 = arith.muli %scan3A_129, %mul3A_130 : i32
          %add3A_132 = arith.constant 0 : i32
          %add3A_133 = arith.addi %add3A_132, %mul3A_131 : i32
          %get3A = arith.constant 1 : i32
          %get3A_134 = arith.index_cast %get3A : i32 to index
          %get3A_135 = arith.index_cast %add3A_133 : i32 to index
          %get3A_136 = arith.constant 0 : index
          %get3A_137 = tpu.vector_load %arg10[%get3A_134, %get3A_135, %get3A_136] {strides = array<i32>} : memref<2x128x64xbf16, #tpu.memory_space<vmem>>, vector<32xbf16>,
          %unpack3A = tpu.unpack_subelements %get3A_137, 0 {pack_format = #tpu.pack_format<interleaved>} : vector<32xbf16> -> vector<16xf32>
          %unpack3A_138 = tpu.unpack_subelements %get3A_137, 1 {pack_format = #tpu.pack_format<interleaved>} : vector<32xbf16> -> vector<16xf32>
          %swap3A = arith.index_cast %add3A_133 : i32 to index
          %swap3A_139 = arith.constant 0 : index
          %swap3A_140 = tpu.vector_load %arg11[%swap3A, %swap3A_139] {strides = array<i32>} : memref<128x64xf32, #tpu.memory_space<vmem>>, vector<16xf32>,
          tpu.vector_store %arg11[%swap3A, %swap3A_139], %unpack3A {strides = array<i32>} : memref<128x64xf32, #tpu.memory_space<vmem>>, vector<16xf32>,
          %swap3A_141 = arith.index_cast %add3A_133 : i32 to index
          %swap3A_142 = arith.constant 16 : index
          %swap3A_143 = tpu.vector_load %arg11[%swap3A_141, %swap3A_142] {strides = array<i32>} : memref<128x64xf32, #tpu.memory_space<vmem>>, vector<16xf32>,
          tpu.vector_store %arg11[%swap3A_141, %swap3A_142], %unpack3A_138 {strides = array<i32>} : memref<128x64xf32, #tpu.memory_space<vmem>>, vector<16xf32>,
          %get3A_144 = arith.constant 1 : i32
          %get3A_145 = arith.index_cast %get3A_144 : i32 to index
          %get3A_146 = arith.index_cast %add3A_133 : i32 to index
          %get3A_147 = arith.constant 32 : index
          %get3A_148 = tpu.vector_load %arg10[%get3A_145, %get3A_146, %get3A_147] {strides = array<i32>} : memref<2x128x64xbf16, #tpu.memory_space<vmem>>, vector<32xbf16>,
          %unpack3A_149 = tpu.unpack_subelements %get3A_148, 0 {pack_format = #tpu.pack_format<interleaved>} : vector<32xbf16> -> vector<16xf32>
          %unpack3A_150 = tpu.unpack_subelements %get3A_148, 1 {pack_format = #tpu.pack_format<interleaved>} : vector<32xbf16> -> vector<16xf32>
          %swap3A_151 = arith.index_cast %add3A_133 : i32 to index
          %swap3A_152 = arith.constant 32 : index
          %swap3A_153 = tpu.vector_load %arg11[%swap3A_151, %swap3A_152] {strides = array<i32>} : memref<128x64xf32, #tpu.memory_space<vmem>>, vector<16xf32>,
          tpu.vector_store %arg11[%swap3A_151, %swap3A_152], %unpack3A_149 {strides = array<i32>} : memref<128x64xf32, #tpu.memory_space<vmem>>, vector<16xf32>,
          %swap3A_154 = arith.index_cast %add3A_133 : i32 to index
          %swap3A_155 = arith.constant 48 : index
          %swap3A_156 = tpu.vector_load %arg11[%swap3A_154, %swap3A_155] {strides = array<i32>} : memref<128x64xf32, #tpu.memory_space<vmem>>, vector<16xf32>,
          tpu.vector_store %arg11[%swap3A_154, %swap3A_155], %unpack3A_150 {strides = array<i32>} : memref<128x64xf32, #tpu.memory_space<vmem>>, vector<16xf32>,
        }
        %scan3A_128 = arith.constant 128 : i32
        "tpu.region"() ({
          %run_scoped3A_129 = tpu.sem_alloc : memref<!tpu.dma_semaphore, #tpu.memory_space<semaphore_mem>>
          %dma_start3A_130 = arith.constant 0 : i32
          %dma_start3A_131 = tpu.memref_slice %arg9[%add3A_97, %dma_start3A_130] : memref<157x128xi32, #tpu.memory_space<vmem>> -> memref<1x128xi32, #tpu.memory_space<vmem>>
          %dma_start3A_132 = tpu.memref_squeeze %dma_start3A_131 : memref<1x128xi32, #tpu.memory_space<vmem>> -> memref<128xi32, #tpu.memory_space<vmem>>
          %dma_start3A_133 = arith.constant 0 : i32
          %dma_start3A_134 = arith.constant 0 : i32
          %dma_start3A_135 = tpu.memref_slice %arg13[%dma_start3A_133, %dma_start3A_134] : memref<10240x64xf32, #tpu.memory_space<vmem_shared>> -> memref<10240x64xf32, #tpu.memory_space<vmem_shared>>
          tpu.enqueue_indirect_dma source(%arg11 : memref<128x64xf32, #tpu.memory_space<vmem>>) target(%dma_start3A_135 : memref<10240x64xf32, #tpu.memory_space<vmem_shared>>) offsets(%dma_start3A_132 : memref<128xi32, #tpu.memory_space<vmem>>) semaphore(%run_scoped3A_129 : memref<!tpu.dma_semaphore, #tpu.memory_space<semaphore_mem>>) {add = true}
          %dma_wait3A_136 = arith.constant 0 : i32
          %dma_wait3A_137 = tpu.memref_slice %arg9[%add3A_97, %dma_wait3A_136] : memref<157x128xi32, #tpu.memory_space<vmem>> -> memref<1x128xi32, #tpu.memory_space<vmem>>
          %dma_wait3A_138 = tpu.memref_squeeze %dma_wait3A_137 : memref<1x128xi32, #tpu.memory_space<vmem>> -> memref<128xi32, #tpu.memory_space<vmem>>
          %dma_wait3A_139 = arith.constant 0 : i32
          %dma_wait3A_140 = arith.constant 0 : i32
          %dma_wait3A_141 = tpu.memref_slice %arg13[%dma_wait3A_139, %dma_wait3A_140] : memref<10240x64xf32, #tpu.memory_space<vmem_shared>> -> memref<10240x64xf32, #tpu.memory_space<vmem_shared>>
          tpu.wait_indirect_dma semaphore(%run_scoped3A_129 : memref<!tpu.dma_semaphore, #tpu.memory_space<semaphore_mem>>) src(%arg11 : memref<128x64xf32, #tpu.memory_space<vmem>>) dst(%dma_wait3A_141 : memref<10240x64xf32, #tpu.memory_space<vmem_shared>>)
          tpu.yield
        }) : () -> ()
      }
      %scan3A_43 = arith.constant 78 : i32
      %dma_wait3A = arith.constant 156 : i32
      %dma_wait3A_44 = arith.constant 0 : i32
      %dma_wait3A_45 = arith.constant 0 : i32
      %dma_wait3A_46 = arith.constant 0 : i32
      %dma_wait3A_47 = tpu.memref_slice %arg10[%dma_wait3A_44, %dma_wait3A_45, %dma_wait3A_46] : memref<2x128x64xbf16, #tpu.memory_space<vmem>> -> memref<1x128x64xbf16, #tpu.memory_space<vmem>>
      %dma_wait3A_48 = tpu.memref_squeeze %dma_wait3A_47 : memref<1x128x64xbf16, #tpu.memory_space<vmem>> -> memref<128x64xbf16, #tpu.memory_space<vmem>>
      %dma_wait3A_49 = arith.constant 0 : i32
      %dma_wait3A_50 = tpu.memref_slice %arg8[%dma_wait3A, %dma_wait3A_49] : memref<157x128xi32, #tpu.memory_space<vmem>> -> memref<1x128xi32, #tpu.memory_space<vmem>>
      %dma_wait3A_51 = tpu.memref_squeeze %dma_wait3A_50 : memref<1x128xi32, #tpu.memory_space<vmem>> -> memref<128xi32, #tpu.memory_space<vmem>>
      %dma_wait3A_52 = arith.constant 0 : i32
      %dma_wait3A_53 = arith.constant 0 : i32
      %dma_wait3A_54 = tpu.memref_slice %arg3[%dma_wait3A_52, %dma_wait3A_53] : memref<10000x64xbf16, #tpu.memory_space<hbm>> -> memref<10000x64xbf16, #tpu.memory_space<hbm>>
      tpu.wait_indirect_dma semaphore(%arg14 : memref<!tpu.dma_semaphore, #tpu.memory_space<semaphore_mem>>) src(%dma_wait3A_54 : memref<10000x64xbf16, #tpu.memory_space<hbm>>) dst(%dma_wait3A_48 : memref<128x64xbf16, #tpu.memory_space<vmem>>)
      %scan3A_55 = arith.constant 0 : i32
      %scan3A_56 = arith.constant 128 : i32
      %scan3A_57 = arith.addi %scan3A_55, %scan3A_56 : i32
      %scan3A_58 = arith.constant 1 : i32
      scf.for %scan3A_60 = %scan3A_55 to %scan3A_57 step %scan3A_58  : i32 {
        %mul3A_61 = arith.constant 1 : i32
        %mul3A_62 = arith.muli %scan3A_60, %mul3A_61 : i32
        %add3A = arith.constant 0 : i32
        %add3A_63 = arith.addi %add3A, %mul3A_62 : i32
        %get3A = arith.constant 0 : i32
        %get3A_64 = arith.index_cast %get3A : i32 to index
        %get3A_65 = arith.index_cast %add3A_63 : i32 to index
        %get3A_66 = arith.constant 0 : index
        %get3A_67 = tpu.vector_load %arg10[%get3A_64, %get3A_65, %get3A_66] {strides = array<i32>} : memref<2x128x64xbf16, #tpu.memory_space<vmem>>, vector<32xbf16>,
        %unpack3A = tpu.unpack_subelements %get3A_67, 0 {pack_format = #tpu.pack_format<interleaved>} : vector<32xbf16> -> vector<16xf32>
        %unpack3A_68 = tpu.unpack_subelements %get3A_67, 1 {pack_format = #tpu.pack_format<interleaved>} : vector<32xbf16> -> vector<16xf32>
        %swap3A = arith.index_cast %add3A_63 : i32 to index
        %swap3A_69 = arith.constant 0 : index
        %swap3A_70 = tpu.vector_load %arg11[%swap3A, %swap3A_69] {strides = array<i32>} : memref<128x64xf32, #tpu.memory_space<vmem>>, vector<16xf32>,
        tpu.vector_store %arg11[%swap3A, %swap3A_69], %unpack3A {strides = array<i32>} : memref<128x64xf32, #tpu.memory_space<vmem>>, vector<16xf32>,
        %swap3A_71 = arith.index_cast %add3A_63 : i32 to index
        %swap3A_72 = arith.constant 16 : index
        %swap3A_73 = tpu.vector_load %arg11[%swap3A_71, %swap3A_72] {strides = array<i32>} : memref<128x64xf32, #tpu.memory_space<vmem>>, vector<16xf32>,
        tpu.vector_store %arg11[%swap3A_71, %swap3A_72], %unpack3A_68 {strides = array<i32>} : memref<128x64xf32, #tpu.memory_space<vmem>>, vector<16xf32>,
        %get3A_74 = arith.constant 0 : i32
        %get3A_75 = arith.index_cast %get3A_74 : i32 to index
        %get3A_76 = arith.index_cast %add3A_63 : i32 to index
        %get3A_77 = arith.constant 32 : index
        %get3A_78 = tpu.vector_load %arg10[%get3A_75, %get3A_76, %get3A_77] {strides = array<i32>} : memref<2x128x64xbf16, #tpu.memory_space<vmem>>, vector<32xbf16>,
        %unpack3A_79 = tpu.unpack_subelements %get3A_78, 0 {pack_format = #tpu.pack_format<interleaved>} : vector<32xbf16> -> vector<16xf32>
        %unpack3A_80 = tpu.unpack_subelements %get3A_78, 1 {pack_format = #tpu.pack_format<interleaved>} : vector<32xbf16> -> vector<16xf32>
        %swap3A_81 = arith.index_cast %add3A_63 : i32 to index
        %swap3A_82 = arith.constant 32 : index
        %swap3A_83 = tpu.vector_load %arg11[%swap3A_81, %swap3A_82] {strides = array<i32>} : memref<128x64xf32, #tpu.memory_space<vmem>>, vector<16xf32>,
        tpu.vector_store %arg11[%swap3A_81, %swap3A_82], %unpack3A_79 {strides = array<i32>} : memref<128x64xf32, #tpu.memory_space<vmem>>, vector<16xf32>,
        %swap3A_84 = arith.index_cast %add3A_63 : i32 to index
        %swap3A_85 = arith.constant 48 : index
        %swap3A_86 = tpu.vector_load %arg11[%swap3A_84, %swap3A_85] {strides = array<i32>} : memref<128x64xf32, #tpu.memory_space<vmem>>, vector<16xf32>,
        tpu.vector_store %arg11[%swap3A_84, %swap3A_85], %unpack3A_80 {strides = array<i32>} : memref<128x64xf32, #tpu.memory_space<vmem>>, vector<16xf32>,
      }
      %scan3A_59 = arith.constant 128 : i32
      %run_scoped3A = arith.constant 156 : i32
      "tpu.region"() ({
        %run_scoped3A_60 = tpu.sem_alloc : memref<!tpu.dma_semaphore, #tpu.memory_space<semaphore_mem>>
        %dma_start3A_61 = arith.constant 0 : i32
        %dma_start3A_62 = tpu.memref_slice %arg9[%run_scoped3A, %dma_start3A_61] : memref<157x128xi32, #tpu.memory_space<vmem>> -> memref<1x128xi32, #tpu.memory_space<vmem>>
        %dma_start3A_63 = tpu.memref_squeeze %dma_start3A_62 : memref<1x128xi32, #tpu.memory_space<vmem>> -> memref<128xi32, #tpu.memory_space<vmem>>
        %dma_start3A_64 = arith.constant 0 : i32
        %dma_start3A_65 = arith.constant 0 : i32
        %dma_start3A_66 = tpu.memref_slice %arg13[%dma_start3A_64, %dma_start3A_65] : memref<10240x64xf32, #tpu.memory_space<vmem_shared>> -> memref<10240x64xf32, #tpu.memory_space<vmem_shared>>
        tpu.enqueue_indirect_dma source(%arg11 : memref<128x64xf32, #tpu.memory_space<vmem>>) target(%dma_start3A_66 : memref<10240x64xf32, #tpu.memory_space<vmem_shared>>) offsets(%dma_start3A_63 : memref<128xi32, #tpu.memory_space<vmem>>) semaphore(%run_scoped3A_60 : memref<!tpu.dma_semaphore, #tpu.memory_space<semaphore_mem>>) {add = true}
        %dma_wait3A_67 = arith.constant 0 : i32
        %dma_wait3A_68 = tpu.memref_slice %arg9[%run_scoped3A, %dma_wait3A_67] : memref<157x128xi32, #tpu.memory_space<vmem>> -> memref<1x128xi32, #tpu.memory_space<vmem>>
        %dma_wait3A_69 = tpu.memref_squeeze %dma_wait3A_68 : memref<1x128xi32, #tpu.memory_space<vmem>> -> memref<128xi32, #tpu.memory_space<vmem>>
        %dma_wait3A_70 = arith.constant 0 : i32
        %dma_wait3A_71 = arith.constant 0 : i32
        %dma_wait3A_72 = tpu.memref_slice %arg13[%dma_wait3A_70, %dma_wait3A_71] : memref<10240x64xf32, #tpu.memory_space<vmem_shared>> -> memref<10240x64xf32, #tpu.memory_space<vmem_shared>>
        tpu.wait_indirect_dma semaphore(%run_scoped3A_60 : memref<!tpu.dma_semaphore, #tpu.memory_space<semaphore_mem>>) src(%arg11 : memref<128x64xf32, #tpu.memory_space<vmem>>) dst(%dma_wait3A_72 : memref<10240x64xf32, #tpu.memory_space<vmem_shared>>)
        tpu.yield
      }) : () -> ()
    } else {
    }
    %barrier3A_16 = arith.constant 0 : index
    tpu.barrier barrier_id(%barrier3A_16)
    %mul3A = arith.constant 640 : i32
    %mul3A_17 = arith.muli %arg1, %mul3A : i32
    %eq3A_18 = arith.constant 0 : i32
    %eq3A_19 = arith.cmpi eq, %arg0, %eq3A_18 : i32
    %convert_element_type3A_20 = arith.extui %eq3A_19 : i1 to i32
    %cond3A_21 = arith.constant 0 : i32
    %cond3A_22 = arith.cmpi ne, %convert_element_type3A_20, %cond3A_21 : i32
    scf.if %cond3A_22 {
      "tpu.region"() ({
        %run_scoped3A = tpu.sem_alloc : memref<!tpu.dma_semaphore, #tpu.memory_space<semaphore_mem>>
        %dma_start3A = arith.constant 0 : i32
        %dma_start3A_28 = tpu.memref_slice %arg6[%mul3A_17, %dma_start3A] : memref<10240x64xf32, #tpu.memory_space<hbm>> -> memref<640x64xf32, #tpu.memory_space<hbm>>
        %dma_start3A_29 = arith.constant 0 : i32
        %dma_start3A_30 = tpu.memref_slice %arg13[%mul3A_17, %dma_start3A_29] : memref<10240x64xf32, #tpu.memory_space<vmem_shared>> -> memref<640x64xf32, #tpu.memory_space<vmem_shared>>
        tpu.enqueue_dma source(%dma_start3A_30 : memref<640x64xf32, #tpu.memory_space<vmem_shared>>) target(%dma_start3A_28 : memref<640x64xf32, #tpu.memory_space<hbm>>) target_semaphore(%run_scoped3A : memref<!tpu.dma_semaphore, #tpu.memory_space<semaphore_mem>>)
        %dma_wait3A = arith.constant 0 : i32
        %dma_wait3A_31 = tpu.memref_slice %arg6[%mul3A_17, %dma_wait3A] : memref<10240x64xf32, #tpu.memory_space<hbm>> -> memref<640x64xf32, #tpu.memory_space<hbm>>
        %dma_wait3A_32 = arith.constant 0 : i32
        %dma_wait3A_33 = tpu.memref_slice %arg13[%mul3A_17, %dma_wait3A_32] : memref<10240x64xf32, #tpu.memory_space<vmem_shared>> -> memref<640x64xf32, #tpu.memory_space<vmem_shared>>
        tpu.wait_dma2 semaphore(%run_scoped3A : memref<!tpu.dma_semaphore, #tpu.memory_space<semaphore_mem>>) src(%dma_wait3A_33 : memref<640x64xf32, #tpu.memory_space<vmem_shared>>) dst(%dma_wait3A_31 : memref<640x64xf32, #tpu.memory_space<hbm>>)
        tpu.yield
      }) : () -> ()
    } else {
    }
    %eq3A_23 = arith.constant 1 : i32
    %eq3A_24 = arith.cmpi eq, %arg0, %eq3A_23 : i32
    %convert_element_type3A_25 = arith.extui %eq3A_24 : i1 to i32
    %cond3A_26 = arith.constant 0 : i32
    %cond3A_27 = arith.cmpi ne, %convert_element_type3A_25, %cond3A_26 : i32
    scf.if %cond3A_27 {
      "tpu.region"() ({
        %run_scoped3A = tpu.sem_alloc : memref<!tpu.dma_semaphore, #tpu.memory_space<semaphore_mem>>
        %dma_start3A = arith.constant 0 : i32
        %dma_start3A_28 = tpu.memref_slice %arg7[%mul3A_17, %dma_start3A] : memref<10240x64xf32, #tpu.memory_space<hbm>> -> memref<640x64xf32, #tpu.memory_space<hbm>>
        %dma_start3A_29 = arith.constant 0 : i32
        %dma_start3A_30 = tpu.memref_slice %arg13[%mul3A_17, %dma_start3A_29] : memref<10240x64xf32, #tpu.memory_space<vmem_shared>> -> memref<640x64xf32, #tpu.memory_space<vmem_shared>>
        tpu.enqueue_dma source(%dma_start3A_30 : memref<640x64xf32, #tpu.memory_space<vmem_shared>>) target(%dma_start3A_28 : memref<640x64xf32, #tpu.memory_space<hbm>>) target_semaphore(%run_scoped3A : memref<!tpu.dma_semaphore, #tpu.memory_space<semaphore_mem>>)
        %dma_wait3A = arith.constant 0 : i32
        %dma_wait3A_31 = tpu.memref_slice %arg7[%mul3A_17, %dma_wait3A] : memref<10240x64xf32, #tpu.memory_space<hbm>> -> memref<640x64xf32, #tpu.memory_space<hbm>>
        %dma_wait3A_32 = arith.constant 0 : i32
        %dma_wait3A_33 = tpu.memref_slice %arg13[%mul3A_17, %dma_wait3A_32] : memref<10240x64xf32, #tpu.memory_space<vmem_shared>> -> memref<640x64xf32, #tpu.memory_space<vmem_shared>>
        tpu.wait_dma2 semaphore(%run_scoped3A : memref<!tpu.dma_semaphore, #tpu.memory_space<semaphore_mem>>) src(%dma_wait3A_33 : memref<640x64xf32, #tpu.memory_space<vmem_shared>>) dst(%dma_wait3A_31 : memref<640x64xf32, #tpu.memory_space<hbm>>)
        tpu.yield
      }) : () -> ()
    } else {
    }
    return
  }
}

module attributes {stable_mosaic.version = 14 : i64} {
  func.func @_mm_body(%arg0: i32, %arg1: memref<1000x64xf32, #tpu.memory_space<vmem>>, %arg2: memref<1000x64xf32, #tpu.memory_space<vmem>>, %arg3: memref<1000x64xf32, #tpu.memory_space<vmem>>, %arg4: memref<1000x64xf32, #tpu.memory_space<vmem>>, %arg5: memref<128x128xf32, #tpu.memory_space<vmem>>, %arg6: memref<1x128xf32, #tpu.memory_space<vmem>>, %arg7: memref<1000x64xf32, #tpu.memory_space<vmem>>, %arg8: memref<1000x64xf32, #tpu.memory_space<vmem>>, %arg9: memref<1000x64xbf16, #tpu.memory_space<vmem>>, %arg10: memref<1000x64xbf16, #tpu.memory_space<vmem>>) attributes {dimension_semantics = [#tpu.dimension_semantics<arbitrary>], iteration_bounds = array<i64: 10>, scalar_prefetch = 0 : i64, scratch_operands = 0 : i64, tpu.core_type = #tpu.core_type<tc>, window_params = [{transform_indices = @transform_0, window_bounds = array<i64: 1000, 64>}, {transform_indices = @transform_1, window_bounds = array<i64: 1000, 64>}, {transform_indices = @transform_2, window_bounds = array<i64: 1000, 64>}, {transform_indices = @transform_3, window_bounds = array<i64: 1000, 64>}, {pipeline_mode = #tpu.pipeline_mode<synchronous>, transform_indices = @transform_4, window_bounds = array<i64: 128, 128>}, {pipeline_mode = #tpu.pipeline_mode<synchronous>, transform_indices = @transform_5, window_bounds = array<i64: 1, 128>}, {transform_indices = @transform_6, window_bounds = array<i64: 1000, 64>}, {transform_indices = @transform_7, window_bounds = array<i64: 1000, 64>}, {transform_indices = @transform_8, window_bounds = array<i64: 1000, 64>}, {transform_indices = @transform_9, window_bounds = array<i64: 1000, 64>}]} {
    %get3A = arith.constant 0 : index
    %get3A_0 = arith.constant 0 : index
    %get3A_1 = vector.load %arg1[%get3A, %get3A_0] : memref<1000x64xf32, #tpu.memory_space<vmem>>, vector<1000x64xf32>
    %get3A_2 = arith.constant 0 : index
    %get3A_3 = arith.constant 0 : index
    %get3A_4 = vector.load %arg3[%get3A_2, %get3A_3] : memref<1000x64xf32, #tpu.memory_space<vmem>>, vector<1000x64xf32>
    %add3A = arith.addf %get3A_1, %get3A_4 : vector<1000x64xf32>
    %get3A_5 = arith.constant 0 : index
    %get3A_6 = arith.constant 0 : index
    %get3A_7 = vector.load %arg2[%get3A_5, %get3A_6] : memref<1000x64xf32, #tpu.memory_space<vmem>>, vector<1000x64xf32>
    %get3A_8 = arith.constant 0 : index
    %get3A_9 = arith.constant 0 : index
    %get3A_10 = vector.load %arg4[%get3A_8, %get3A_9] : memref<1000x64xf32, #tpu.memory_space<vmem>>, vector<1000x64xf32>
    %add3A_11 = arith.addf %get3A_7, %get3A_10 : vector<1000x64xf32>
    %get3A_12 = arith.constant 0 : index
    %get3A_13 = arith.constant 0 : index
    %get3A_14 = vector.load %arg5[%get3A_12, %get3A_13] : memref<128x128xf32, #tpu.memory_space<vmem>>, vector<64x128xf32>
    %dot_general3A = arith.constant dense<0.000000e+00> : vector<1000x128xf32>
    %dot_general3A_15 = tpu.matmul %add3A, %get3A_14, %dot_general3A {dimension_numbers = #tpu.dot_dimension_numbers<[1], [0], [0], [1], [0, 0, 1, 1], [], []>, transpose_lhs_hint = false} : vector<1000x64xf32>, vector<64x128xf32>, vector<1000x128xf32> -> vector<1000x128xf32>
    %get3A_16 = arith.constant 64 : index
    %get3A_17 = arith.constant 0 : index
    %get3A_18 = vector.load %arg5[%get3A_16, %get3A_17] : memref<128x128xf32, #tpu.memory_space<vmem>>, vector<64x128xf32>
    %dot_general3A_19 = arith.constant dense<0.000000e+00> : vector<1000x128xf32>
    %dot_general3A_20 = tpu.matmul %add3A_11, %get3A_18, %dot_general3A_19 {dimension_numbers = #tpu.dot_dimension_numbers<[1], [0], [0], [1], [0, 0, 1, 1], [], []>, transpose_lhs_hint = false} : vector<1000x64xf32>, vector<64x128xf32>, vector<1000x128xf32> -> vector<1000x128xf32>
    %add3A_21 = arith.addf %dot_general3A_15, %dot_general3A_20 : vector<1000x128xf32>
    %get3A_22 = arith.constant 0 : index
    %get3A_23 = arith.constant 0 : index
    %get3A_24 = vector.load %arg6[%get3A_22, %get3A_23] : memref<1x128xf32, #tpu.memory_space<vmem>>, vector<1x128xf32>
    %add3A_25 = vector.broadcast %get3A_24 : vector<1x128xf32> to vector<1000x128xf32>
    %add3A_26 = arith.addf %add3A_21, %add3A_25 : vector<1000x128xf32>
    %max3A = arith.constant 0.000000e+00 : f32
    %max3A_27 = vector.broadcast %max3A : f32 to vector<1000x128xf32>
    %max3A_28 = arith.maximumf %add3A_26, %max3A_27 : vector<1000x128xf32>
    %slice3A = vector.extract_strided_slice %max3A_28 {offsets = [0, 0], sizes = [1000, 64], strides = [1, 1]} : vector<1000x128xf32> to vector<1000x64xf32>
    %swap3A = arith.constant 0 : index
    %swap3A_29 = arith.constant 0 : index
    %swap3A_30 = vector.load %arg7[%swap3A, %swap3A_29] : memref<1000x64xf32, #tpu.memory_space<vmem>>, vector<1000x64xf32>
    tpu.vector_store %arg7[%swap3A, %swap3A_29], %slice3A {strides = array<i32>} : memref<1000x64xf32, #tpu.memory_space<vmem>>, vector<1000x64xf32>,
    %slice3A_31 = vector.extract_strided_slice %max3A_28 {offsets = [0, 64], sizes = [1000, 64], strides = [1, 1]} : vector<1000x128xf32> to vector<1000x64xf32>
    %swap3A_32 = arith.constant 0 : index
    %swap3A_33 = arith.constant 0 : index
    %swap3A_34 = vector.load %arg8[%swap3A_32, %swap3A_33] : memref<1000x64xf32, #tpu.memory_space<vmem>>, vector<1000x64xf32>
    tpu.vector_store %arg8[%swap3A_32, %swap3A_33], %slice3A_31 {strides = array<i32>} : memref<1000x64xf32, #tpu.memory_space<vmem>>, vector<1000x64xf32>,
    %slice3A_35 = vector.extract_strided_slice %max3A_28 {offsets = [0, 0], sizes = [1000, 64], strides = [1, 1]} : vector<1000x128xf32> to vector<1000x64xf32>
    %convert_element_type3A = arith.truncf %slice3A_35 : vector<1000x64xf32> to vector<1000x64xbf16>
    %swap3A_36 = arith.constant 0 : index
    %swap3A_37 = arith.constant 0 : index
    %swap3A_38 = vector.load %arg9[%swap3A_36, %swap3A_37] : memref<1000x64xbf16, #tpu.memory_space<vmem>>, vector<1000x64xbf16>
    tpu.vector_store %arg9[%swap3A_36, %swap3A_37], %convert_element_type3A {strides = array<i32>} : memref<1000x64xbf16, #tpu.memory_space<vmem>>, vector<1000x64xbf16>,
    %slice3A_39 = vector.extract_strided_slice %max3A_28 {offsets = [0, 64], sizes = [1000, 64], strides = [1, 1]} : vector<1000x128xf32> to vector<1000x64xf32>
    %convert_element_type3A_40 = arith.truncf %slice3A_39 : vector<1000x64xf32> to vector<1000x64xbf16>
    %swap3A_41 = arith.constant 0 : index
    %swap3A_42 = arith.constant 0 : index
    %swap3A_43 = vector.load %arg10[%swap3A_41, %swap3A_42] : memref<1000x64xbf16, #tpu.memory_space<vmem>>, vector<1000x64xbf16>
    tpu.vector_store %arg10[%swap3A_41, %swap3A_42], %convert_element_type3A_40 {strides = array<i32>} : memref<1000x64xbf16, #tpu.memory_space<vmem>>, vector<1000x64xbf16>,
    return
  }
  func.func @transform_0(%arg0: i32) -> (i32, i32) {
    %c0_i32 = arith.constant 0 : i32
    %c0_i32_0 = arith.constant 0 : i32
    return %arg0, %c0_i32 : i32, i32
  }
  func.func @transform_1(%arg0: i32) -> (i32, i32) {
    %c0_i32 = arith.constant 0 : i32
    %c0_i32_0 = arith.constant 0 : i32
    return %arg0, %c0_i32 : i32, i32
  }
  func.func @transform_2(%arg0: i32) -> (i32, i32) {
    %c0_i32 = arith.constant 0 : i32
    %c0_i32_0 = arith.constant 0 : i32
    return %arg0, %c0_i32 : i32, i32
  }
  func.func @transform_3(%arg0: i32) -> (i32, i32) {
    %c0_i32 = arith.constant 0 : i32
    %c0_i32_0 = arith.constant 0 : i32
    return %arg0, %c0_i32 : i32, i32
  }
  func.func @transform_4(%arg0: i32) -> (i32, i32) {
    %c0_i32 = arith.constant 0 : i32
    %c0_i32_0 = arith.constant 0 : i32
    %c0_i32_1 = arith.constant 0 : i32
    return %c0_i32, %c0_i32_0 : i32, i32
  }
  func.func @transform_5(%arg0: i32) -> (i32, i32) {
    %c0_i32 = arith.constant 0 : i32
    %c0_i32_0 = arith.constant 0 : i32
    %c0_i32_1 = arith.constant 0 : i32
    return %c0_i32, %c0_i32_0 : i32, i32
  }
  func.func @transform_6(%arg0: i32) -> (i32, i32) {
    %c0_i32 = arith.constant 0 : i32
    %c0_i32_0 = arith.constant 0 : i32
    return %arg0, %c0_i32 : i32, i32
  }
  func.func @transform_7(%arg0: i32) -> (i32, i32) {
    %c0_i32 = arith.constant 0 : i32
    %c0_i32_0 = arith.constant 0 : i32
    return %arg0, %c0_i32 : i32, i32
  }
  func.func @transform_8(%arg0: i32) -> (i32, i32) {
    %c0_i32 = arith.constant 0 : i32
    %c0_i32_0 = arith.constant 0 : i32
    return %arg0, %c0_i32 : i32, i32
  }
  func.func @transform_9(%arg0: i32) -> (i32, i32) {
    %c0_i32 = arith.constant 0 : i32
    %c0_i32_0 = arith.constant 0 : i32
    return %arg0, %c0_i32 : i32, i32
  }
}

module attributes {stable_mosaic.version = 14 : i64} {
  func.func @_mm_pool_body(%arg0: i32, %arg1: memref<1000x64xf32, #tpu.memory_space<vmem>>, %arg2: memref<1000x64xf32, #tpu.memory_space<vmem>>, %arg3: memref<1000x64xf32, #tpu.memory_space<vmem>>, %arg4: memref<1000x64xf32, #tpu.memory_space<vmem>>, %arg5: memref<128x128xf32, #tpu.memory_space<vmem>>, %arg6: memref<1x128xf32, #tpu.memory_space<vmem>>, %arg7: memref<1x1x1000xi32, #tpu.memory_space<vmem>>, %arg8: memref<128x128xf32, #tpu.memory_space<vmem>>) attributes {dimension_semantics = [#tpu.dimension_semantics<arbitrary>], iteration_bounds = array<i64: 10>, scalar_prefetch = 0 : i64, scratch_operands = 0 : i64, tpu.core_type = #tpu.core_type<tc>, window_params = [{transform_indices = @transform_0, window_bounds = array<i64: 1000, 64>}, {transform_indices = @transform_1, window_bounds = array<i64: 1000, 64>}, {transform_indices = @transform_2, window_bounds = array<i64: 1000, 64>}, {transform_indices = @transform_3, window_bounds = array<i64: 1000, 64>}, {pipeline_mode = #tpu.pipeline_mode<synchronous>, transform_indices = @transform_4, window_bounds = array<i64: 128, 128>}, {pipeline_mode = #tpu.pipeline_mode<synchronous>, transform_indices = @transform_5, window_bounds = array<i64: 1, 128>}, {transform_indices = @transform_6, window_bounds = array<i64: 1, 1, 1000>}, {pipeline_mode = #tpu.pipeline_mode<synchronous>, transform_indices = @transform_7, window_bounds = array<i64: 128, 128>}]} {
    %eq3A = arith.constant 0 : i32
    %eq3A_0 = arith.cmpi eq, %arg0, %eq3A : i32
    %convert_element_type3A = arith.extui %eq3A_0 : i1 to i32
    %cond3A = arith.constant 0 : i32
    %cond3A_1 = arith.cmpi ne, %convert_element_type3A, %cond3A : i32
    scf.if %cond3A_1 {
      %broadcast_in_dim3A = arith.constant 0.000000e+00 : f32
      %broadcast_in_dim3A_46 = vector.broadcast %broadcast_in_dim3A : f32 to vector<128x128xf32>
      %swap3A_47 = arith.constant 0 : index
      %swap3A_48 = arith.constant 0 : index
      %swap3A_49 = vector.load %arg8[%swap3A_47, %swap3A_48] : memref<128x128xf32, #tpu.memory_space<vmem>>, vector<128x128xf32>
      tpu.vector_store %arg8[%swap3A_47, %swap3A_48], %broadcast_in_dim3A_46 {strides = array<i32>} : memref<128x128xf32, #tpu.memory_space<vmem>>, vector<128x128xf32>,
    } else {
    }
    %get3A = arith.constant 0 : index
    %get3A_2 = arith.constant 0 : index
    %get3A_3 = vector.load %arg1[%get3A, %get3A_2] : memref<1000x64xf32, #tpu.memory_space<vmem>>, vector<1000x64xf32>
    %get3A_4 = arith.constant 0 : index
    %get3A_5 = arith.constant 0 : index
    %get3A_6 = vector.load %arg3[%get3A_4, %get3A_5] : memref<1000x64xf32, #tpu.memory_space<vmem>>, vector<1000x64xf32>
    %add3A = arith.addf %get3A_3, %get3A_6 : vector<1000x64xf32>
    %get3A_7 = arith.constant 0 : index
    %get3A_8 = arith.constant 0 : index
    %get3A_9 = vector.load %arg2[%get3A_7, %get3A_8] : memref<1000x64xf32, #tpu.memory_space<vmem>>, vector<1000x64xf32>
    %get3A_10 = arith.constant 0 : index
    %get3A_11 = arith.constant 0 : index
    %get3A_12 = vector.load %arg4[%get3A_10, %get3A_11] : memref<1000x64xf32, #tpu.memory_space<vmem>>, vector<1000x64xf32>
    %add3A_13 = arith.addf %get3A_9, %get3A_12 : vector<1000x64xf32>
    %get3A_14 = arith.constant 0 : index
    %get3A_15 = arith.constant 0 : index
    %get3A_16 = vector.load %arg5[%get3A_14, %get3A_15] : memref<128x128xf32, #tpu.memory_space<vmem>>, vector<64x128xf32>
    %dot_general3A = arith.constant dense<0.000000e+00> : vector<1000x128xf32>
    %dot_general3A_17 = tpu.matmul %add3A, %get3A_16, %dot_general3A {dimension_numbers = #tpu.dot_dimension_numbers<[1], [0], [0], [1], [0, 0, 1, 1], [], []>, transpose_lhs_hint = false} : vector<1000x64xf32>, vector<64x128xf32>, vector<1000x128xf32> -> vector<1000x128xf32>
    %get3A_18 = arith.constant 64 : index
    %get3A_19 = arith.constant 0 : index
    %get3A_20 = vector.load %arg5[%get3A_18, %get3A_19] : memref<128x128xf32, #tpu.memory_space<vmem>>, vector<64x128xf32>
    %dot_general3A_21 = arith.constant dense<0.000000e+00> : vector<1000x128xf32>
    %dot_general3A_22 = tpu.matmul %add3A_13, %get3A_20, %dot_general3A_21 {dimension_numbers = #tpu.dot_dimension_numbers<[1], [0], [0], [1], [0, 0, 1, 1], [], []>, transpose_lhs_hint = false} : vector<1000x64xf32>, vector<64x128xf32>, vector<1000x128xf32> -> vector<1000x128xf32>
    %add3A_23 = arith.addf %dot_general3A_17, %dot_general3A_22 : vector<1000x128xf32>
    %get3A_24 = arith.constant 0 : index
    %get3A_25 = arith.constant 0 : index
    %get3A_26 = vector.load %arg6[%get3A_24, %get3A_25] : memref<1x128xf32, #tpu.memory_space<vmem>>, vector<1x128xf32>
    %add3A_27 = vector.broadcast %get3A_26 : vector<1x128xf32> to vector<1000x128xf32>
    %add3A_28 = arith.addf %add3A_23, %add3A_27 : vector<1000x128xf32>
    %iota3A = tpu.iota {dimensions = array<i32: 0>} : vector<128x1000xi32>
    %get3A_29 = arith.constant 0 : index
    %get3A_30 = arith.constant 0 : index
    %get3A_31 = arith.constant 0 : index
    %get3A_32 = vector.load %arg7[%get3A_29, %get3A_30, %get3A_31] : memref<1x1x1000xi32, #tpu.memory_space<vmem>>, vector<1x1x1000xi32>
    %get3A_33 = vector.shape_cast %get3A_32 : vector<1x1x1000xi32> to vector<1x1000xi32>
    %eq3A_34 = vector.broadcast %get3A_33 : vector<1x1000xi32> to vector<128x1000xi32>
    %eq3A_35 = arith.cmpi eq, %eq3A_34, %iota3A : vector<128x1000xi32>
    %convert_element_type3A_36 = arith.extui %eq3A_35 : vector<128x1000xi1> to vector<128x1000xi32>
    %convert_element_type3A_37 = arith.sitofp %convert_element_type3A_36 : vector<128x1000xi32> to vector<128x1000xf32>
    %get3A_38 = arith.constant 0 : index
    %get3A_39 = arith.constant 0 : index
    %get3A_40 = vector.load %arg8[%get3A_38, %get3A_39] : memref<128x128xf32, #tpu.memory_space<vmem>>, vector<128x128xf32>
    %dot_general3A_41 = arith.constant dense<0.000000e+00> : vector<128x128xf32>
    %dot_general3A_42 = tpu.matmul %convert_element_type3A_37, %add3A_28, %dot_general3A_41 {dimension_numbers = #tpu.dot_dimension_numbers<[1], [0], [0], [1], [0, 0, 1, 1], [], []>, transpose_lhs_hint = false} : vector<128x1000xf32>, vector<1000x128xf32>, vector<128x128xf32> -> vector<128x128xf32>
    %add3A_43 = arith.addf %get3A_40, %dot_general3A_42 : vector<128x128xf32>
    %swap3A = arith.constant 0 : index
    %swap3A_44 = arith.constant 0 : index
    %swap3A_45 = vector.load %arg8[%swap3A, %swap3A_44] : memref<128x128xf32, #tpu.memory_space<vmem>>, vector<128x128xf32>
    tpu.vector_store %arg8[%swap3A, %swap3A_44], %add3A_43 {strides = array<i32>} : memref<128x128xf32, #tpu.memory_space<vmem>>, vector<128x128xf32>,
    return
  }
  func.func @transform_0(%arg0: i32) -> (i32, i32) {
    %c0_i32 = arith.constant 0 : i32
    %c0_i32_0 = arith.constant 0 : i32
    return %arg0, %c0_i32 : i32, i32
  }
  func.func @transform_1(%arg0: i32) -> (i32, i32) {
    %c0_i32 = arith.constant 0 : i32
    %c0_i32_0 = arith.constant 0 : i32
    return %arg0, %c0_i32 : i32, i32
  }
  func.func @transform_2(%arg0: i32) -> (i32, i32) {
    %c0_i32 = arith.constant 0 : i32
    %c0_i32_0 = arith.constant 0 : i32
    return %arg0, %c0_i32 : i32, i32
  }
  func.func @transform_3(%arg0: i32) -> (i32, i32) {
    %c0_i32 = arith.constant 0 : i32
    %c0_i32_0 = arith.constant 0 : i32
    return %arg0, %c0_i32 : i32, i32
  }
  func.func @transform_4(%arg0: i32) -> (i32, i32) {
    %c0_i32 = arith.constant 0 : i32
    %c0_i32_0 = arith.constant 0 : i32
    %c0_i32_1 = arith.constant 0 : i32
    return %c0_i32, %c0_i32_0 : i32, i32
  }
  func.func @transform_5(%arg0: i32) -> (i32, i32) {
    %c0_i32 = arith.constant 0 : i32
    %c0_i32_0 = arith.constant 0 : i32
    %c0_i32_1 = arith.constant 0 : i32
    return %c0_i32, %c0_i32_0 : i32, i32
  }
  func.func @transform_6(%arg0: i32) -> (i32, i32, i32) {
    %c0_i32 = arith.constant 0 : i32
    %c0_i32_0 = arith.constant 0 : i32
    %c0_i32_1 = arith.constant 0 : i32
    return %arg0, %c0_i32, %c0_i32_0 : i32, i32, i32
  }
  func.func @transform_7(%arg0: i32) -> (i32, i32) {
    %c0_i32 = arith.constant 0 : i32
    %c0_i32_0 = arith.constant 0 : i32
    %c0_i32_1 = arith.constant 0 : i32
    return %c0_i32, %c0_i32_0 : i32, i32
  }
}

</mosaic_0001>

<sc_bundles>
// kernel: kernel.11.cloned.1.call-start
scs
__scs_entry_jumppad:
0x0: {  	(pc) =	sbr.rel $0x88, $3  }
0x1: {  	(tag) =	ssettag $0x0;
	lr =	simm.s32 $0x1  }
0x2: {  	[smem:$0x3F98] =	sst lr;
	_ =	strace $0xD0000000  }
0x3: {  	_ = 	snop  }
0x4: {  	_ = 	snop  }
0x5: {  	_ = 	snop  }
0x6: {  	_ = 	snop  }
0x7: {  	_ = 	snop  }
__scs_overlays_trampoline_lowered:
0x8: {  	[smem:$0x3FA7] =	sst s0  }
0x9: {  	[smem:$0x3FA8] =	sst s1  }
0xa: {  	[smem:$0x3FA9] =	sst s2  }
0xb: {  	[smem:$0x3FAA] =	sst s3  }
0xc: {  	[smem:$0x3FAB] =	sst s4  }
0xd: {  	[smem:$0x3FAC] =	sst s5  }
0xe: {  	[smem:$0x3FAD] =	sst s6  }
0xf: {  	[smem:$0x3FAE] =	sst s7  }
0x10: {  	[smem:$0x3FAF] =	sst s8  }
0x11: {  	[smem:$0x3FB0] =	sst s9;
	s0 =	simm.s32 @!p0 $0x0  }
0x12: {  	s1 =	sld [smem:$0x3F96];
	s0 =	simm.s32 @p0 $0x1  }
0x13: {  	[smem:$0x3FB1] =	sst s0;
	s0 =	simm.s32 @!p1 $0x0  }
0x14: {  	s2 =	sld [smem:$0x3F95];
	s0 =	simm.s32 @p1 $0x1  }
0x15: {  	[smem:$0x3FB2] =	sst s0;
	s0 =	simm.s32 @!p2 $0x0  }
0x16: {  	s3 =	sld [smem:$0x3FDB];
	s0 =	simm.s32 @p2 $0x1  }
0x17: {  	s4 =	simm.s32 $0x1BF5;
	[smem:$0x3FB4] =	sst s0  }
0x18: {  	s0 =	sld [smem:$0x3F97];
	_ =	swait.ge [sflag:s4], $0x0  }
0x19: {  	s7 =	sld [smem:$0x3F98]  }
0x1a: {  	s8 =	sadd.s32 $0xFFFFE003, lr  }
0x1b: {  	s9 =	sadd.s32 $0xFFFFFEF7, lr;
	s5 =	simm.s32 $0xFFFFFFFF;
	p2 =	slt.u32 s8, $0xFFFFF086  }
0x1c: {  	p1 =	slt.u32 s9, $0xF7A;
	s5 =	simm.s32 @!p2 $0x0  }
0x1d: {  	s5 =	simm.s32 @p1 $0x1;
	p0 =	seq.s32 s7, s2  }
0x1e: {  	s7 =	smul.u32 @!p0 $0xF7A, s2;
	p2 =	seq.s32 @!p0 s5, $0x0  }
0x1f: {  	s9 =	smul.u32 $0xF7A, s1;
	s8 =	simm.s32 @!p0 $0x1BF5;
	p2 =	por !p2, p0  }
0x20: {  	[sflag:s8] =	ssyncset.s32 @!p0 $0xFFFFF086;
	s6 =	sadd.s32 @!p0 s3, s7;
	s7 =	simm.s32 @!p0 $0x108  }
0x21: {  	s3 =	sadd.s32 s3, s9;
	s6 =	sadd.s32 @!p0 $0x88, s6;
	s7 =	simm.s32 @p2 $0x1082  }
0x22: {  	[simem:s7], [sflag:s8] =	dma.local @!p0 [hbm:s6], $0xF7A  }
0x23: {  	s9 =	sor.u32 $0xD0000000, s2;
	s6 =	simm.s32 $0x108;
	_ =	swait.ge @!p0 [sflag:s8], $0x0  }
0x24: {  	s3 =	sadd.s32 $0x88, s3;
	s6 =	simm.s32 @!p1 $0x1082;
	[sflag:s4] =	ssyncset.s32 $0xFFFFF086  }
0x25: {  	[simem:s6], [sflag:s4] =	dma.local [hbm:s3], $0xF7A  }
0x26: {  	[smem:$0x3F98] =	sst s1;
	(tag) =	ssettag s2;
	_ =	strace s9  }
0x27: {  	s1 =	sld [smem:$0x3FA8]  }
0x28: {  	s2 =	sld [smem:$0x3FA9]  }
0x29: {  	s4 =	sld [smem:$0x3FAB]  }
0x2a: {  	p0 =	seq.s32 s5, $0x0;
	s5 =	sld [smem:$0x3FAC]  }
0x2b: {  	s6 =	sld [smem:$0x3FAD]  }
0x2c: {  	s7 =	sld [smem:$0x3FAE]  }
0x2d: {  	s3 =	simm.s32 $0x108;
	s8 =	sld [smem:$0x3FAF]  }
0x2e: {  	s3 =	simm.s32 @!p0 $0x1082;
	s9 =	sld [smem:$0x3FB0]  }
0x2f: {  	lr =	sadd.s32 s0, s3;
	s0 =	sld [smem:$0x3FA7]  }
0x30: {  	s3 =	sld [smem:$0x3FAA]  }
0x31: {  	[smem:$0x3FB3] =	sst s10  }
0x32: {  	s10 =	sld [smem:$0x3FB1];
	_ =	sdelay $0x3  }
0x33: {  	p0 =	seq.s32 s10, $0x1;
	s10 =	sld [smem:$0x3FB3];
	_ =	sdelay $0x3  }
0x34: {  	[smem:$0x3FB3] =	sst s10  }
0x35: {  	s10 =	sld [smem:$0x3FB2];
	_ =	sdelay $0x3  }
0x36: {  	p1 =	seq.s32 s10, $0x1;
	s10 =	sld [smem:$0x3FB3];
	_ =	sdelay $0x3  }
0x37: {  	[smem:$0x3FB3] =	sst s10  }
0x38: {  	s10 =	sld [smem:$0x3FB4]  }
0x39: {  	_ = 	snop;
	(pc) =	sbr.ind lr, $3  }
0x3a: {  	_ = 	snop  }
0x3b: {  	_ = 	snop  }
0x3c: {  	p2 =	seq.s32 s10, $0x1;
	s10 =	sld [smem:$0x3FB3]  }
0x3d: {  	_ =	shalt  }
0x3e: {  	_ =	shalt  }
0x3f: {  	_ =	shalt  }
0x40: {  	_ =	shalt  }
0x41: {  	_ =	shalt  }
0x42: {  	_ =	shalt  }
0x43: {  	_ =	shalt  }
0x44: {  	_ =	shalt  }
0x45: {  	_ =	shalt  }
0x46: {  	_ =	shalt  }
0x47: {  	_ =	shalt  }
0x48: {  	_ =	shalt  }
0x49: {  	_ =	shalt  }
0x4a: {  	_ =	shalt  }
0x4b: {  	_ =	shalt  }
0x4c: {  	_ =	shalt  }
0x4d: {  	_ =	shalt  }
0x4e: {  	_ =	shalt  }
0x4f: {  	_ =	shalt  }
0x50: {  	_ =	shalt  }
0x51: {  	_ =	shalt  }
0x52: {  	_ =	shalt  }
0x53: {  	_ =	shalt  }
0x54: {  	_ =	shalt  }
0x55: {  	_ =	shalt  }
0x56: {  	_ =	shalt  }
0x57: {  	_ =	shalt  }
0x58: {  	_ =	shalt  }
0x59: {  	_ =	shalt  }
0x5a: {  	_ =	shalt  }
0x5b: {  	_ =	shalt  }
0x5c: {  	_ =	shalt  }
0x5d: {  	_ =	shalt  }
0x5e: {  	_ =	shalt  }
0x5f: {  	_ =	shalt  }
0x60: {  	_ =	shalt  }
0x61: {  	_ =	shalt  }
0x62: {  	_ =	shalt  }
0x63: {  	_ =	shalt  }
0x64: {  	_ =	shalt  }
0x65: {  	_ =	shalt  }
0x66: {  	_ =	shalt  }
0x67: {  	_ =	shalt  }
0x68: {  	_ =	shalt  }
0x69: {  	_ =	shalt  }
0x6a: {  	_ =	shalt  }
0x6b: {  	_ =	shalt  }
0x6c: {  	_ =	shalt  }
0x6d: {  	_ =	shalt  }
0x6e: {  	_ =	shalt  }
0x6f: {  	_ =	shalt  }
0x70: {  	_ =	shalt  }
0x71: {  	_ =	shalt  }
0x72: {  	_ =	shalt  }
0x73: {  	_ =	shalt  }
0x74: {  	_ =	shalt  }
0x75: {  	_ =	shalt  }
0x76: {  	_ =	shalt  }
0x77: {  	_ =	shalt  }
0x78: {  	_ =	shalt  }
0x79: {  	_ =	shalt  }
0x7a: {  	_ =	shalt  }
0x7b: {  	_ =	shalt  }
0x7c: {  	_ =	shalt  }
0x7d: {  	_ =	shalt  }
0x7e: {  	_ =	shalt  }
0x7f: {  	_ =	shalt  }
0x80: {  	_ =	shalt  }
0x81: {  	_ =	shalt  }
0x82: {  	_ =	shalt  }
0x83: {  	_ =	shalt  }
0x84: {  	_ =	shalt  }
0x85: {  	_ =	shalt  }
0x86: {  	_ =	shalt  }
0x87: {  	_ =	shalt  }
.Lfunc_end0:
.L_simem_size_0:
called_computation.1_lowered:
.L_overlay_start_0:
0x88: {  	s2 =	sld [smem:$0x3FD9]  }
0x89: {  	s3 =	sld [smem:$0x3FFE];
	_ =	sdelay $0x1  }
0x8a: {  	s1 =	srdreg.scid  }
0x8b: {  	s0 =	sand.u32 $0x1, s1  }
0x8c: {  	s16 =	sshll.u32 s0, $0xA;
	s2 =	sadd.s32 s3, s2  }
0x8d: {  	s2 =	sadd.s32 s2, s16  }
0x8e: {  	[smem:$0x3FBF] =	sst s2  }
0x8f: {  	_ = 	snop  }
0x90: {  	(tm) =	ssettm $0x1  }
0x91: {  	s17 =	sld [smem:$0x3FFB];
	_ =	sdelay $0x3  }
0x92: {  	_ =	strace s17  }
0x93: {  	s2 =	sld [smem:$0x3FFC];
	_ =	sdelay $0x3  }
0x94: {  	_ =	strace s2  }
0x95: {  	s2 =	sld [smem:$0x3FFD];
	_ =	sdelay $0x3  }
0x96: {  	_ =	strace s2  }
0x97: {  	_ =	strace $0x8FFFFFFF  }
0x98: {  	s18 =	sld [smem:$0x3FDB];
	_ =	sdelay $0x1  }
0x99: {  	s19 =	simm.s32 $_scs_section_size  }
0x9a: {  	s4 =	simm.s32 $_size__tile_overlayer_lowered;
	s5 =	simm.s32 $_tile_overlayer_lowered  }
0x9b: {  	s22 =	simm.s32 $0x1BFF;
	s21 =	sshll.u32 s5, $0x1;
	s2 =	sadd.s32 s19, s18  }
0x9c: {  	s6 =	simm.s32 $0x0;
	s20 =	sshll.u32 s4, $0x1;
	s4 =	sadd.s32 s21, s2  }
0x9d: {  	[timem:s6], [sflag:s22] =	dma.local [hbm:s4], s20  }
0x9e: {  	_ =	swait.ge [sflag:s22], s20  }
0x9f: {  	s3 =	ssub.s32 $0x0, s20;
	[sflag:s22] =	ssyncset.done $0x0  }
0xa0: {  	[sflag:s22] =	ssyncadd.s32 s3;
	_ =	sdelay $0x1  }
0xa1: {  	s23 =	simm.s32 $0x1B8B  }
0xa2: {  	_ =	swait.ge [sflag:s23], $0x1  }
0xa3: {  	[sflag:s23] =	ssyncset.done $0x0  }
0xa4: {  	s25 =	simm.s32 $0x1B8E;
	s24 =	sld [smem:$0x3FFE];
	[sflag:s23] =	ssyncadd.s32 $0xFFFFFFFF  }
0xa5: {  	s26 =	simm.s32 $execute0_lowered;
	[smem:$0x3FD2] =	sst s25  }
0xa6: {  	s4 =	sshll.u32 s26, $0x1;
	_ =	strace $0x80000049;
	[dreg:$0x1] =	wrdreg $0xFFFFFFFF  }
0xa7: {  	s28 =	simm.s32 $_size_execute0_lowered;
	s2 =	sadd.s32 s2, s4;
	[dreg:$0x0] =	wrdreg $0x0  }
0xa8: {  	s4 =	sshll.u32 s28, $0x1;
	[dreg:$0x2] =	wrdreg s2  }
0xa9: {  	[dreg:$0x3] =	wrdreg s4  }
0xaa: {  	[dreg:$0x4] =	wrdreg $0xC0  }
0xab: {  	_ =	task [dreg:s6], $0x5FFFF  }
0xac: {  	[dreg:$0x1] =	wrdreg $0xFFFFFFFF  }
0xad: {  	[dreg:$0x0] =	wrdreg $0x60  }
0xae: {  	[dreg:$0x2] =	wrdreg s24  }
0xaf: {  	[dreg:$0x3] =	wrdreg $0xFD000  }
0xb0: {  	[dreg:$0x4] =	wrdreg $0x9  }
0xb1: {  	_ =	task.clear_ibuf [dreg:s6], $0x5FFFF;
	_ =	strace $0x90000049  }
0xb2: {  	s29 =	simm.s32 $0x9;
	_ =	strace $0x8000004B  }
0xb3: {  	_ =	swait.ge [sflag:s29], $0x1  }
0xb4: {  	[sflag:s29] =	ssyncadd.s32 $0xFFFFFFFF  }
0xb5: {  	_ =	strace $0x9000004B  }
0xb6: {  	_ =	sfence  }
0xb7: {  	s30 =	sld [smem:$0x0];
	_ =	sdelay $0x2  }
0xb8: {  	s31 =	sshll.u32 s1, $0xD;
	s1 =	sshrl.u32 s1, $0x2  }
0xb9: {  	s3 =	sand.u32 $0x4000, s31;
	s1 =	sadd.s32 s1, s30  }
0xba: {  	s0 =	sor.u32 s3, s0;
	s1 =	sshll.u32 s1, $0x11  }
0xbb: {  	s0 =	sor.u32 s1, s0  }
0xbc: {  	s0 =	sadd.s32 $0x8F2B, s0  }
0xbd: {  	[sflag:s0] =	ssyncadd.remote.s32 $0x1  }
0xbe: {  	_ =	sfence.sel $0xFFFF  }
0xbf: {  	[dreg:$0x0] =	wrdreg $0xFFFFFFFF;
	(pc) =	sbr.abs _section_cstart, $3  }
0xc0: {  	[dreg:$0x1] =	wrdreg $0xFFFFFFFF  }
0xc1: {  	_ =	task.clear_ibuf [dreg:s6], $0x2FFFF;
	_ =	strace $0x9FFFFFFF  }
0xc2: {  	(tm) =	ssettm $0x7FFFFFFF  }
0xc3: {  	_ =	shalt  }
tec
execute0_lowered:
.L_overlay_start_1:
0x0: {  	(tag) =	ssettag $0x1  }
0x1: {  	s0 =	rddreg [dreg:$0x0]  }
0x2: {  	s2 =	rddreg [dreg:$0x1]  }
0x3: {  	s3 =	simm.s32 $0x0;
	s1 =	stileid.u32;
	s7 =	srdreg.scid  }
0x4: {  	s17 =	simm.s32 $0xDD00;
	s18 =	simm.s32 $0x3;
	s20 =	simm.s32 $0x80  }
0x5: {  	s21 =	simm.s32 $0x9D00;
	s22 =	simm.s32 $0x1;
	s23 =	simm.s32 $0xAD00  }
0x6: {  	s24 =	simm.s32 $0xBD00;
	s26 =	simm.s32 $0x2;
	s29 =	simm.s32 $0x0  }
0x7: {  	[smem:$0x7FF] =	sst s3;
	s6 =	smul.u32 $0x9D0, s1;
	s4 =	sadd.s32 $0xD600, s0  }
0x8: {  	s5 =	sadd.s32 $0x3800, s0;
	s7 =	sand.u32 $0x1, s7;
	s8 =	smul.u32 $0x28000, s1  }
0x9: {  	s9 =	sadd.s32 $0x66200, s0;
	s12 =	smul.u32 $0xA000, s1;
	_ =	strace $0x8000004A  }
0xa: {  	[dreg:$0x3] =	wrdreg s9;
	s28 =	ssub.s32 $0x2, s7;
	p0 =	sne.s32 s7, $0x0  }
0xb: {  	s6 =	sadd.s32 s6, s0;
	s0 =	sadd.s32 $0x52200, s0;
	s30 =	sshrl.u32 s28, $0x1  }
.Ltmp0:
0xc: {  	s8 =	sshrl.u32 s8, $0x2;
	s11 =	sshrl.u32 s12, $0x3;
	(pc) =	sbr.rel .LBB2_1-.Ltmp0, $4  }
0xd: {  	s31 =	sadd.s32 s12, s2;
	[dreg:$0x4] =	wrdreg s0;
	s0 =	ssub.s32 s28, s30  }
0xe: {  	s8 =	sadd.s32 s8, s2;
	s9 =	sadd.s32 $0x21200, s6;
	s10 =	sadd.s32 $0x17400, s6  }
0xf: {  	s25 =	sshrl.u32 s31, $0x3;
	s12 =	smax.u32 s0, $0x1;
	s13 =	sadd.s32 $0x2000, s8  }
0x10: {  	v0 =	vimm.f32 $0.0e+00;
	s14 =	sadd.s32 $0x4000, s8;
	s15 =	sadd.s32 $0x6000, s8;
	s16 =	sadd.s32 $0x8000, s8  }
.LBB2_22:
0x11: {  	s6 =	simm.s32 $0x9C80  }
0x12: {  	[spmem:s2] =	stream.indirect.scatter.add.f32 [tilespmem:s24], [sflag:$0x3], $0x40, s6, s20, $0xb8;
	[tilespmem:$0x19D00] =	vst v63  }
0x13: {  	_ =	swait.ge [sflag:s18], $0x2000  }
0x14: {  	s31 =	sshll.u32 s1, $0x6;
	s29 =	sadd.s32 $0x1, s29;
	[sflag:s18] =	ssyncset.done $0x0  }
0x15: {  	s0 =	sadd.s32 s0, s11;
	p1 =	sne.s32 s29, s12;
	[sflag:s18] =	ssyncadd.s32 $0xFFFFE000  }
.Ltmp1:
0x16: {  	s6 =	sor.u32 $0x1C03, s31;
	[bflag:$0x0] =	sbarrier.arrive $0xFFFF;
	(pc) =	sbr.rel @!p1 .LBB2_23-.Ltmp1, $4  }
0x17: {  	[hbm:s0], [sflag:s6] =	dma.local [spmem:s25], $0x1400  }
0x18: {  	_ =	swait.ge [sflag:s18], $0x1400  }
0x19: {  	[sflag:s18] =	ssyncset.done $0x0  }
0x1a: {  	[sflag:s18] =	ssyncadd.s32 $0xFFFFEC00  }
.LBB2_1:
0x1b: {  	s6 =	simm.s32 $0x100;
	s0 =	simm.s32 $0x0  }
.LBB2_2:
0x1c: {  	p1 =	sne.s32 s6, $0x7F00;
	[tilespmem:s0+$0xDD30] =	vst v0;
	s7 =	smov.u32 s6;
	s6 =	sadd.s32 $0x100, s6  }
.Ltmp2:
0x1d: {  	[tilespmem:s0+$0xDD20] =	vst v0;
	(pc) =	sbr.rel @p1 .LBB2_2-.Ltmp2, $3  }
0x1e: {  	[tilespmem:s0+$0xDD00] =	vst v0  }
0x1f: {  	[tilespmem:s0+$0xDD10] =	vst v0;
	_ =	sdelay $0x1  }
0x20: {  	s0 =	sshra.s32 s7, $0x2  }
0x21: {  	[tilespmem:s0+$0xDD30] =	vst v0  }
0x22: {  	[tilespmem:s0+$0xDD20] =	vst v0  }
0x23: {  	[tilespmem:s0+$0xDD00] =	vst v0  }
0x24: {  	[tilespmem:s0+$0xDD10] =	vst v0  }
0x25: {  	[spmem:s8] =	stream.linear.scatter [tilespmem:s17], [sflag:$0x3], $0x2000, $0x38;
	[tilespmem:$0x19D00] =	vst v63  }
0x26: {  	_ =	swait.ge [sflag:s18], $0x2000  }
0x27: {  	[sflag:s18] =	ssyncset.done $0x0  }
0x28: {  	[sflag:s18] =	ssyncadd.s32 $0xFFFFE000  }
0x29: {  	[spmem:s13] =	stream.linear.scatter [tilespmem:s17], [sflag:$0x3], $0x2000, $0x38;
	[tilespmem:$0x19D00] =	vst v63  }
0x2a: {  	_ =	swait.ge [sflag:s18], $0x2000  }
0x2b: {  	[sflag:s18] =	ssyncset.done $0x0  }
0x2c: {  	[sflag:s18] =	ssyncadd.s32 $0xFFFFE000  }
0x2d: {  	[spmem:s14] =	stream.linear.scatter [tilespmem:s17], [sflag:$0x3], $0x2000, $0x38;
	[tilespmem:$0x19D00] =	vst v63  }
0x2e: {  	_ =	swait.ge [sflag:s18], $0x2000  }
0x2f: {  	[sflag:s18] =	ssyncset.done $0x0  }
0x30: {  	[sflag:s18] =	ssyncadd.s32 $0xFFFFE000  }
0x31: {  	[spmem:s15] =	stream.linear.scatter [tilespmem:s17], [sflag:$0x3], $0x2000, $0x38;
	[tilespmem:$0x19D00] =	vst v63  }
0x32: {  	_ =	swait.ge [sflag:s18], $0x2000  }
0x33: {  	[sflag:s18] =	ssyncset.done $0x0  }
0x34: {  	[sflag:s18] =	ssyncadd.s32 $0xFFFFE000  }
0x35: {  	[spmem:s16] =	stream.linear.scatter [tilespmem:s17], [sflag:$0x3], $0x2000, $0x38;
	[tilespmem:$0x19D00] =	vst v63  }
0x36: {  	_ =	swait.ge [sflag:s18], $0x2000  }
0x37: {  	[sflag:s18] =	ssyncset.done $0x0  }
0x38: {  	[sflag:s18] =	ssyncadd.s32 $0xFFFFE000  }
0x39: {  	[bflag:$0x0] =	sbarrier.arrive $0xFFFF  }
0x3a: {  	[tilespmem:s3], [sflag:$0x3] =	stream.linear.gather [hbm4b:s9+s3], $0x4E80, $0x38;
	[tilespmem:$0x19D00] =	vst v63  }
0x3b: {  	_ =	swait.ge [sflag:s18], $0x4E80  }
0x3c: {  	[sflag:s18] =	ssyncset.done $0x0  }
.Ltmp3:
0x3d: {  	s31 =	simm.s32 $0x4E80;
	[sflag:s18] =	ssyncadd.s32 $0xFFFFB180;
	(pc) =	sbr.rel @p0 .LBB2_13-.Ltmp3, $4  }
0x3e: {  	[tilespmem:s31], [sflag:$0x3] =	stream.linear.gather [hbm4b:s10+s3], $0x4E80, $0x38;
	[tilespmem:$0x19D00] =	vst v63  }
0x3f: {  	_ =	swait.ge [sflag:s18], $0x4E80  }
0x40: {  	[sflag:s18] =	ssyncset.done $0x0  }
0x41: {  	s30 =	simm.s32 $0x0;
	[sflag:s18] =	ssyncadd.s32 $0xFFFFB180  }
0x42: {  	[tilespmem:s21], [sflag:$0x1] =	stream.indirect.gather [hbm4b:s4+s20], $0x20, s30, s20, $0xb8;
	[tilespmem:$0x19D00] =	vst v63  }
.LBB2_5:
0x43: {  	_ =	swait.ge [sflag:s22], $0x1000  }
0x44: {  	s0 =	sshll.u32 s30, $0x8;
	[sflag:s22] =	ssyncset.done $0x0  }
0x45: {  	s7 =	simm.s32 $0x0;
	s31 =	sor.u32 $0x80, s0;
	[sflag:s22] =	ssyncadd.s32 $0xFFFFF000  }
0x46: {  	[tilespmem:s23], [sflag:$0x2] =	stream.indirect.gather [hbm4b:s4+s20], $0x20, s31, s20, $0xb8;
	[tilespmem:$0x19D00] =	vst v63  }
0x47: {  	v1 =	vld [tilespmem:s7+$0x9D00];
	_ =	sdelay $0x4  }
0x48: {  	s6 =	simm.s32 $0xBD20;
	v2 =	vunpack.i.l.bf16.f32 v1  }
0x49: {  	v1 =	vunpack.i.u.bf16.f32 v1;
	[tilespmem:s6+$0xFFFFFFE0] =	vst v2  }
0x4a: {  	[tilespmem:s6+$0xFFFFFFF0] =	vst v1  }
0x4b: {  	s19 =	simm.s32 $0x80;
	v1 =	vld [tilespmem:s7+$0x9D10];
	s7 =	simm.s32 $0xBD20  }
.LBB2_6:
0x4c: {  	_ =	sdelay $0x2  }
0x4d: {  	p1 =	sne.s32 s19, $0x3F80  }
0x4e: {  	s6 =	sadd.s32 $0x40, s6;
	s28 =	smov.u32 s19;
	s19 =	sadd.s32 $0x80, s19;
	v2 =	vunpack.i.u.bf16.f32 v1;
	v1 =	vunpack.i.l.bf16.f32 v1  }
0x4f: {  	[tilespmem:s7+$0x0] =	vst v1  }
0x50: {  	s28 =	sshra.s32 s28, $0x2;
	[tilespmem:s7+$0x10] =	vst v2;
	s7 =	smov.u32 s6  }
0x51: {  	v1 =	vld [tilespmem:s28+$0x9D00];
	_ =	sdelay $0x3  }
.Ltmp4:
0x52: {  	(pc) =	sbr.rel @p1 .LBB2_6-.Ltmp4, $4  }
0x53: {  	v2 =	vunpack.i.u.bf16.f32 v1;
	v1 =	vunpack.i.l.bf16.f32 v1  }
0x54: {  	[tilespmem:s6+$0xFFFFFFE0] =	vst v1  }
0x55: {  	[tilespmem:s6+$0xFFFFFFF0] =	vst v2  }
0x56: {  	v1 =	vld [tilespmem:s28+$0x9D10]  }
0x57: {  	_ =	sdelay $0x3  }
0x58: {  	v2 =	vunpack.i.l.bf16.f32 v1  }
0x59: {  	s0 =	sand.u32 $0x3FFFFF00, s0;
	v1 =	vunpack.i.u.bf16.f32 v1;
	[tilespmem:s7+$0x0] =	vst v2  }
0x5a: {  	s6 =	sadd.s32 $0x4E80, s0;
	[tilespmem:s7+$0x10] =	vst v1  }
0x5b: {  	[spmem:s2] =	stream.indirect.scatter.add.f32 [tilespmem:s24], [sflag:$0x3], $0x40, s6, s20, $0xb8;
	[tilespmem:$0x19D00] =	vst v63  }
0x5c: {  	_ =	swait.ge [sflag:s18], $0x2000  }
0x5d: {  	[sflag:s18] =	ssyncset.done $0x0  }
0x5e: {  	[sflag:s18] =	ssyncadd.s32 $0xFFFFE000  }
0x5f: {  	_ =	swait.ge [sflag:s26], $0x1000  }
0x60: {  	[sflag:s26] =	ssyncset.done $0x0  }
0x61: {  	s28 =	simm.s32 $0x0;
	s0 =	sadd.s32 $0x100, s0;
	[sflag:s26] =	ssyncadd.s32 $0xFFFFF000  }
0x62: {  	[tilespmem:s21], [sflag:$0x1] =	stream.indirect.gather [hbm4b:s4+s20], $0x20, s0, s20, $0xb8;
	[tilespmem:$0x19D00] =	vst v63  }
0x63: {  	v1 =	vld [tilespmem:s28+$0xAD00];
	_ =	sdelay $0x4  }
0x64: {  	s0 =	simm.s32 $0xBD20;
	v2 =	vunpack.i.l.bf16.f32 v1  }
0x65: {  	v1 =	vunpack.i.u.bf16.f32 v1;
	[tilespmem:s0+$0xFFFFFFE0] =	vst v2  }
0x66: {  	[tilespmem:s0+$0xFFFFFFF0] =	vst v1  }
0x67: {  	s7 =	simm.s32 $0x80;
	s6 =	simm.s32 $0xBD20;
	v1 =	vld [tilespmem:s28+$0xAD10]  }
.LBB2_8:
0x68: {  	_ =	sdelay $0x2  }
0x69: {  	p1 =	sne.s32 s7, $0x3F80  }
0x6a: {  	s0 =	sadd.s32 $0x40, s0;
	s19 =	smov.u32 s7;
	s7 =	sadd.s32 $0x80, s7;
	v2 =	vunpack.i.u.bf16.f32 v1;
	v1 =	vunpack.i.l.bf16.f32 v1  }
0x6b: {  	[tilespmem:s6+$0x0] =	vst v1  }
0x6c: {  	s19 =	sshra.s32 s19, $0x2;
	[tilespmem:s6+$0x10] =	vst v2;
	s6 =	smov.u32 s0  }
0x6d: {  	v1 =	vld [tilespmem:s19+$0xAD00];
	_ =	sdelay $0x3  }
.Ltmp5:
0x6e: {  	(pc) =	sbr.rel @p1 .LBB2_8-.Ltmp5, $4  }
0x6f: {  	v2 =	vunpack.i.u.bf16.f32 v1;
	v1 =	vunpack.i.l.bf16.f32 v1  }
0x70: {  	[tilespmem:s0+$0xFFFFFFE0] =	vst v1  }
0x71: {  	[tilespmem:s0+$0xFFFFFFF0] =	vst v2  }
0x72: {  	v1 =	vld [tilespmem:s19+$0xAD10]  }
0x73: {  	_ =	sdelay $0x3  }
0x74: {  	s30 =	sadd.s32 $0x1, s30;
	v2 =	vunpack.i.l.bf16.f32 v1  }
0x75: {  	p1 =	sne.s32 s30, $0x4E;
	v1 =	vunpack.i.u.bf16.f32 v1;
	[tilespmem:s6+$0x0] =	vst v2  }
.Ltmp6:
0x76: {  	s0 =	sadd.s32 $0x4E80, s31;
	[tilespmem:s6+$0x10] =	vst v1;
	(pc) =	sbr.rel @p1 .LBB2_5-.Ltmp6, $4  }
0x77: {  	[spmem:s2] =	stream.indirect.scatter.add.f32 [tilespmem:s24], [sflag:$0x3], $0x40, s0, s20, $0xb8;
	[tilespmem:$0x19D00] =	vst v63  }
0x78: {  	_ =	swait.ge [sflag:s18], $0x2000  }
0x79: {  	[sflag:s18] =	ssyncset.done $0x0  }
0x7a: {  	[sflag:s18] =	ssyncadd.s32 $0xFFFFE000  }
0x7b: {  	_ =	swait.ge [sflag:s22], $0x1000  }
0x7c: {  	[sflag:s22] =	ssyncset.done $0x0  }
0x7d: {  	s6 =	simm.s32 $0x0;
	[sflag:s22] =	ssyncadd.s32 $0xFFFFF000  }
0x7e: {  	v1 =	vld [tilespmem:s6+$0x9D00];
	_ =	sdelay $0x4  }
0x7f: {  	s0 =	simm.s32 $0xBD20;
	v2 =	vunpack.i.l.bf16.f32 v1  }
0x80: {  	v1 =	vunpack.i.u.bf16.f32 v1;
	[tilespmem:s0+$0xFFFFFFE0] =	vst v2  }
0x81: {  	[tilespmem:s0+$0xFFFFFFF0] =	vst v1  }
0x82: {  	s7 =	simm.s32 $0x80;
	v1 =	vld [tilespmem:s6+$0x9D10];
	s6 =	simm.s32 $0xBD20  }
.LBB2_11:
0x83: {  	_ =	sdelay $0x2  }
0x84: {  	p1 =	seq.s32 s7, $0x3F80  }
0x85: {  	s0 =	sadd.s32 $0x40, s0;
	s19 =	smov.u32 s7;
	s7 =	sadd.s32 $0x80, s7;
	v2 =	vunpack.i.u.bf16.f32 v1;
	v1 =	vunpack.i.l.bf16.f32 v1  }
0x86: {  	[tilespmem:s6+$0x0] =	vst v1  }
0x87: {  	s19 =	sshra.s32 s19, $0x2;
	[tilespmem:s6+$0x10] =	vst v2;
	s6 =	smov.u32 s0  }
0x88: {  	v1 =	vld [tilespmem:s19+$0x9D00];
	_ =	sdelay $0x3  }
.Ltmp7:
0x89: {  	(pc) =	sbr.rel @!p1 .LBB2_11-.Ltmp7, $4  }
0x8a: {  	v2 =	vunpack.i.u.bf16.f32 v1;
	v1 =	vunpack.i.l.bf16.f32 v1  }
0x8b: {  	[tilespmem:s0+$0xFFFFFFE0] =	vst v1  }
0x8c: {  	[tilespmem:s0+$0xFFFFFFF0] =	vst v2  }
0x8d: {  	v1 =	vld [tilespmem:s19+$0x9D10]  }
0x8e: {  	_ =	sdelay $0x1  }
.Ltmp8:
0x8f: {  	_ = 	snop;
	(pc) =	sbr.rel .LBB2_22-.Ltmp8, $4  }
0x90: {  	_ = 	snop  }
0x91: {  	v2 =	vunpack.i.l.bf16.f32 v1  }
0x92: {  	v1 =	vunpack.i.u.bf16.f32 v1;
	[tilespmem:s6+$0x0] =	vst v2  }
0x93: {  	s0 =	rddreg [dreg:$0x3];
	[tilespmem:s6+$0x10] =	vst v1  }
.LBB2_13:
0x94: {  	[tilespmem:s21], [sflag:$0x1] =	stream.indirect.gather [hbm4b:s5+s20], $0x20, s30, s20, $0xb8;
	[tilespmem:$0x19D00] =	vst v63  }
.LBB2_14:
0x95: {  	_ =	swait.ge [sflag:s22], $0x1000  }
0x96: {  	s0 =	sshll.u32 s30, $0x8;
	[sflag:s22] =	ssyncset.done $0x0  }
0x97: {  	s7 =	simm.s32 $0x0;
	s31 =	sor.u32 $0x80, s0;
	[sflag:s22] =	ssyncadd.s32 $0xFFFFF000  }
0x98: {  	[tilespmem:s23], [sflag:$0x2] =	stream.indirect.gather [hbm4b:s5+s20], $0x20, s31, s20, $0xb8;
	[tilespmem:$0x19D00] =	vst v63  }
0x99: {  	v1 =	vld [tilespmem:s7+$0x9D00];
	_ =	sdelay $0x4  }
0x9a: {  	s6 =	simm.s32 $0xBD20;
	v2 =	vunpack.i.l.bf16.f32 v1  }
0x9b: {  	v1 =	vunpack.i.u.bf16.f32 v1;
	[tilespmem:s6+$0xFFFFFFE0] =	vst v2  }
0x9c: {  	[tilespmem:s6+$0xFFFFFFF0] =	vst v1  }
0x9d: {  	s19 =	simm.s32 $0x80;
	v1 =	vld [tilespmem:s7+$0x9D10];
	s7 =	simm.s32 $0xBD20  }
.LBB2_15:
0x9e: {  	_ =	sdelay $0x2  }
0x9f: {  	p1 =	sne.s32 s19, $0x3F80  }
0xa0: {  	s6 =	sadd.s32 $0x40, s6;
	s28 =	smov.u32 s19;
	s19 =	sadd.s32 $0x80, s19;
	v2 =	vunpack.i.u.bf16.f32 v1;
	v1 =	vunpack.i.l.bf16.f32 v1  }
0xa1: {  	[tilespmem:s7+$0x0] =	vst v1  }
0xa2: {  	s28 =	sshra.s32 s28, $0x2;
	[tilespmem:s7+$0x10] =	vst v2;
	s7 =	smov.u32 s6  }
0xa3: {  	v1 =	vld [tilespmem:s28+$0x9D00];
	_ =	sdelay $0x3  }
.Ltmp9:
0xa4: {  	(pc) =	sbr.rel @p1 .LBB2_15-.Ltmp9, $4  }
0xa5: {  	v2 =	vunpack.i.u.bf16.f32 v1;
	v1 =	vunpack.i.l.bf16.f32 v1  }
0xa6: {  	[tilespmem:s6+$0xFFFFFFE0] =	vst v1  }
0xa7: {  	[tilespmem:s6+$0xFFFFFFF0] =	vst v2  }
0xa8: {  	v1 =	vld [tilespmem:s28+$0x9D10]  }
0xa9: {  	_ =	sdelay $0x3  }
0xaa: {  	v2 =	vunpack.i.l.bf16.f32 v1  }
0xab: {  	s0 =	sand.u32 $0x3FFFFF00, s0;
	v1 =	vunpack.i.u.bf16.f32 v1;
	[tilespmem:s7+$0x0] =	vst v2  }
0xac: {  	s6 =	sadd.s32 $0x4E80, s0;
	[tilespmem:s7+$0x10] =	vst v1  }
0xad: {  	[spmem:s2] =	stream.indirect.scatter.add.f32 [tilespmem:s24], [sflag:$0x3], $0x40, s6, s20, $0xb8;
	[tilespmem:$0x19D00] =	vst v63  }
0xae: {  	_ =	swait.ge [sflag:s18], $0x2000  }
0xaf: {  	[sflag:s18] =	ssyncset.done $0x0  }
0xb0: {  	[sflag:s18] =	ssyncadd.s32 $0xFFFFE000  }
0xb1: {  	_ =	swait.ge [sflag:s26], $0x1000  }
0xb2: {  	[sflag:s26] =	ssyncset.done $0x0  }
0xb3: {  	s28 =	simm.s32 $0x0;
	s0 =	sadd.s32 $0x100, s0;
	[sflag:s26] =	ssyncadd.s32 $0xFFFFF000  }
0xb4: {  	[tilespmem:s21], [sflag:$0x1] =	stream.indirect.gather [hbm4b:s5+s20], $0x20, s0, s20, $0xb8;
	[tilespmem:$0x19D00] =	vst v63  }
0xb5: {  	v1 =	vld [tilespmem:s28+$0xAD00];
	_ =	sdelay $0x4  }
0xb6: {  	s0 =	simm.s32 $0xBD20;
	v2 =	vunpack.i.l.bf16.f32 v1  }
0xb7: {  	v1 =	vunpack.i.u.bf16.f32 v1;
	[tilespmem:s0+$0xFFFFFFE0] =	vst v2  }
0xb8: {  	[tilespmem:s0+$0xFFFFFFF0] =	vst v1  }
0xb9: {  	s7 =	simm.s32 $0x80;
	s6 =	simm.s32 $0xBD20;
	v1 =	vld [tilespmem:s28+$0xAD10]  }
.LBB2_17:
0xba: {  	_ =	sdelay $0x2  }
0xbb: {  	p1 =	sne.s32 s7, $0x3F80  }
0xbc: {  	s0 =	sadd.s32 $0x40, s0;
	s19 =	smov.u32 s7;
	s7 =	sadd.s32 $0x80, s7;
	v2 =	vunpack.i.u.bf16.f32 v1;
	v1 =	vunpack.i.l.bf16.f32 v1  }
0xbd: {  	[tilespmem:s6+$0x0] =	vst v1  }
0xbe: {  	s19 =	sshra.s32 s19, $0x2;
	[tilespmem:s6+$0x10] =	vst v2;
	s6 =	smov.u32 s0  }
0xbf: {  	v1 =	vld [tilespmem:s19+$0xAD00];
	_ =	sdelay $0x3  }
.Ltmp10:
0xc0: {  	(pc) =	sbr.rel @p1 .LBB2_17-.Ltmp10, $4  }
0xc1: {  	v2 =	vunpack.i.u.bf16.f32 v1;
	v1 =	vunpack.i.l.bf16.f32 v1  }
0xc2: {  	[tilespmem:s0+$0xFFFFFFE0] =	vst v1  }
0xc3: {  	[tilespmem:s0+$0xFFFFFFF0] =	vst v2  }
0xc4: {  	v1 =	vld [tilespmem:s19+$0xAD10]  }
0xc5: {  	_ =	sdelay $0x3  }
0xc6: {  	s30 =	sadd.s32 $0x1, s30;
	v2 =	vunpack.i.l.bf16.f32 v1  }
0xc7: {  	p1 =	sne.s32 s30, $0x4E;
	v1 =	vunpack.i.u.bf16.f32 v1;
	[tilespmem:s6+$0x0] =	vst v2  }
.Ltmp11:
0xc8: {  	s0 =	sadd.s32 $0x4E80, s31;
	[tilespmem:s6+$0x10] =	vst v1;
	(pc) =	sbr.rel @p1 .LBB2_14-.Ltmp11, $4  }
0xc9: {  	[spmem:s2] =	stream.indirect.scatter.add.f32 [tilespmem:s24], [sflag:$0x3], $0x40, s0, s20, $0xb8;
	[tilespmem:$0x19D00] =	vst v63  }
0xca: {  	_ =	swait.ge [sflag:s18], $0x2000  }
0xcb: {  	[sflag:s18] =	ssyncset.done $0x0  }
0xcc: {  	[sflag:s18] =	ssyncadd.s32 $0xFFFFE000  }
0xcd: {  	_ =	swait.ge [sflag:s22], $0x1000  }
0xce: {  	[sflag:s22] =	ssyncset.done $0x0  }
0xcf: {  	s6 =	simm.s32 $0x0;
	[sflag:s22] =	ssyncadd.s32 $0xFFFFF000  }
0xd0: {  	v1 =	vld [tilespmem:s6+$0x9D00];
	_ =	sdelay $0x4  }
0xd1: {  	s0 =	simm.s32 $0xBD20;
	v2 =	vunpack.i.l.bf16.f32 v1  }
0xd2: {  	v1 =	vunpack.i.u.bf16.f32 v1;
	[tilespmem:s0+$0xFFFFFFE0] =	vst v2  }
0xd3: {  	[tilespmem:s0+$0xFFFFFFF0] =	vst v1  }
0xd4: {  	s7 =	simm.s32 $0x80;
	v1 =	vld [tilespmem:s6+$0x9D10];
	s6 =	simm.s32 $0xBD20  }
.LBB2_20:
0xd5: {  	_ =	sdelay $0x2  }
0xd6: {  	p1 =	sne.s32 s7, $0x3F80  }
0xd7: {  	s0 =	sadd.s32 $0x40, s0;
	s19 =	smov.u32 s7;
	s7 =	sadd.s32 $0x80, s7;
	v2 =	vunpack.i.u.bf16.f32 v1;
	v1 =	vunpack.i.l.bf16.f32 v1  }
0xd8: {  	[tilespmem:s6+$0x0] =	vst v1  }
0xd9: {  	s19 =	sshra.s32 s19, $0x2;
	[tilespmem:s6+$0x10] =	vst v2;
	s6 =	smov.u32 s0  }
0xda: {  	v1 =	vld [tilespmem:s19+$0x9D00];
	_ =	sdelay $0x3  }
.Ltmp12:
0xdb: {  	(pc) =	sbr.rel @p1 .LBB2_20-.Ltmp12, $4  }
0xdc: {  	v2 =	vunpack.i.u.bf16.f32 v1;
	v1 =	vunpack.i.l.bf16.f32 v1  }
0xdd: {  	[tilespmem:s0+$0xFFFFFFE0] =	vst v1  }
0xde: {  	[tilespmem:s0+$0xFFFFFFF0] =	vst v2  }
0xdf: {  	v1 =	vld [tilespmem:s19+$0x9D10]  }
0xe0: {  	_ =	sdelay $0x1  }
.Ltmp13:
0xe1: {  	_ = 	snop;
	(pc) =	sbr.rel .LBB2_22-.Ltmp13, $4  }
0xe2: {  	_ = 	snop  }
0xe3: {  	v2 =	vunpack.i.l.bf16.f32 v1  }
0xe4: {  	v1 =	vunpack.i.u.bf16.f32 v1;
	[tilespmem:s6+$0x0] =	vst v2  }
0xe5: {  	s0 =	rddreg [dreg:$0x4];
	[tilespmem:s6+$0x10] =	vst v1  }
.LBB2_23:
0xe6: {  	_ =	sfence.sel $0x180000  }
0xe7: {  	[bflag:$0x0] =	sbarrier.arrive $0xFFFF  }
0xe8: {  	_ =	strace $0x9000004A  }
0xe9: {  	[bflag:$0x2] =	sbarrier.arrive $0xFFFF  }
0xea: {  	p0 =	sne.s32 s1, $0x0;
	s0 =	rddreg [dreg:$0x2]  }
0xeb: {  	s0 =	sadd.s32 @!p0 $0x100000, s0  }
0xec: {  	[sflag:s0] =	ssyncadd.tile.s32 @!p0 $0x1;
	_ =	shalt  }
.Lfunc_end2:
_tile_overlayer_lowered:
.L_overlay_start_2:
0xed: {  	(tag) =	ssettag $0x2  }
0xee: {  	s0 =	rddreg [dreg:$0x0];
	s2 =	stileid.u32  }
0xef: {  	s1 =	rddreg [dreg:$0x1];
	p0 =	sne.s32 s2, $0x0  }
0xf0: {  	s3 =	rddreg [dreg:$0x2];
	[bflag:$0x3] =	sbarrier.arrive $0xFFFF;
	s2 =	simm.s32 @!p0 $0x1C03  }
0xf1: {  	[timem:s3], [sflag:s2] =	dma.local @!p0 [hbm:s0], s1  }
0xf2: {  	s0 =	simm.s32 @!p0 $0x3  }
0xf3: {  	_ =	swait.ge @!p0 [sflag:s0], s1  }
0xf4: {  	s1 =	ssub.s32 @!p0 $0x0, s1;
	[sflag:s0] =	ssyncset.done @!p0 $0x0  }
0xf5: {  	[sflag:s0] =	ssyncadd.s32 @!p0 s1  }
0xf6: {  	[bflag:$0x3] =	sbarrier.arrive $0xFFFF  }
0xf7: {  	_ =	shalt  }

// kernel: kernel.14.cloned.1.call-start
scs
__scs_entry_jumppad:
0x0: {  	(pc) =	sbr.rel $0x88, $3  }
0x1: {  	(tag) =	ssettag $0x0;
	lr =	simm.s32 $0x1  }
0x2: {  	[smem:$0x3F98] =	sst lr;
	_ =	strace $0xD0000000  }
0x3: {  	_ = 	snop  }
0x4: {  	_ = 	snop  }
0x5: {  	_ = 	snop  }
0x6: {  	_ = 	snop  }
0x7: {  	_ = 	snop  }
__scs_overlays_trampoline_lowered:
0x8: {  	[smem:$0x3FA7] =	sst s0  }
0x9: {  	[smem:$0x3FA8] =	sst s1  }
0xa: {  	[smem:$0x3FA9] =	sst s2  }
0xb: {  	[smem:$0x3FAA] =	sst s3  }
0xc: {  	[smem:$0x3FAB] =	sst s4  }
0xd: {  	[smem:$0x3FAC] =	sst s5  }
0xe: {  	[smem:$0x3FAD] =	sst s6  }
0xf: {  	[smem:$0x3FAE] =	sst s7  }
0x10: {  	[smem:$0x3FAF] =	sst s8  }
0x11: {  	[smem:$0x3FB0] =	sst s9;
	s0 =	simm.s32 @!p0 $0x0  }
0x12: {  	s1 =	sld [smem:$0x3F96];
	s0 =	simm.s32 @p0 $0x1  }
0x13: {  	[smem:$0x3FB1] =	sst s0;
	s0 =	simm.s32 @!p1 $0x0  }
0x14: {  	s2 =	sld [smem:$0x3F95];
	s0 =	simm.s32 @p1 $0x1  }
0x15: {  	[smem:$0x3FB2] =	sst s0;
	s0 =	simm.s32 @!p2 $0x0  }
0x16: {  	s3 =	sld [smem:$0x3FDB];
	s0 =	simm.s32 @p2 $0x1  }
0x17: {  	s4 =	simm.s32 $0x1BF5;
	[smem:$0x3FB4] =	sst s0  }
0x18: {  	s0 =	sld [smem:$0x3F97];
	_ =	swait.ge [sflag:s4], $0x0  }
0x19: {  	s7 =	sld [smem:$0x3F98]  }
0x1a: {  	s8 =	sadd.s32 $0xFFFFE003, lr  }
0x1b: {  	s9 =	sadd.s32 $0xFFFFFEF7, lr;
	s5 =	simm.s32 $0xFFFFFFFF;
	p2 =	slt.u32 s8, $0xFFFFF086  }
0x1c: {  	p1 =	slt.u32 s9, $0xF7A;
	s5 =	simm.s32 @!p2 $0x0  }
0x1d: {  	s5 =	simm.s32 @p1 $0x1;
	p0 =	seq.s32 s7, s2  }
0x1e: {  	s7 =	smul.u32 @!p0 $0xF7A, s2;
	p2 =	seq.s32 @!p0 s5, $0x0  }
0x1f: {  	s9 =	smul.u32 $0xF7A, s1;
	s8 =	simm.s32 @!p0 $0x1BF5;
	p2 =	por !p2, p0  }
0x20: {  	[sflag:s8] =	ssyncset.s32 @!p0 $0xFFFFF086;
	s6 =	sadd.s32 @!p0 s3, s7;
	s7 =	simm.s32 @!p0 $0x108  }
0x21: {  	s3 =	sadd.s32 s3, s9;
	s6 =	sadd.s32 @!p0 $0x88, s6;
	s7 =	simm.s32 @p2 $0x1082  }
0x22: {  	[simem:s7], [sflag:s8] =	dma.local @!p0 [hbm:s6], $0xF7A  }
0x23: {  	s9 =	sor.u32 $0xD0000000, s2;
	s6 =	simm.s32 $0x108;
	_ =	swait.ge @!p0 [sflag:s8], $0x0  }
0x24: {  	s3 =	sadd.s32 $0x88, s3;
	s6 =	simm.s32 @!p1 $0x1082;
	[sflag:s4] =	ssyncset.s32 $0xFFFFF086  }
0x25: {  	[simem:s6], [sflag:s4] =	dma.local [hbm:s3], $0xF7A  }
0x26: {  	[smem:$0x3F98] =	sst s1;
	(tag) =	ssettag s2;
	_ =	strace s9  }
0x27: {  	s1 =	sld [smem:$0x3FA8]  }
0x28: {  	s2 =	sld [smem:$0x3FA9]  }
0x29: {  	s4 =	sld [smem:$0x3FAB]  }
0x2a: {  	p0 =	seq.s32 s5, $0x0;
	s5 =	sld [smem:$0x3FAC]  }
0x2b: {  	s6 =	sld [smem:$0x3FAD]  }
0x2c: {  	s7 =	sld [smem:$0x3FAE]  }
0x2d: {  	s3 =	simm.s32 $0x108;
	s8 =	sld [smem:$0x3FAF]  }
0x2e: {  	s3 =	simm.s32 @!p0 $0x1082;
	s9 =	sld [smem:$0x3FB0]  }
0x2f: {  	lr =	sadd.s32 s0, s3;
	s0 =	sld [smem:$0x3FA7]  }
0x30: {  	s3 =	sld [smem:$0x3FAA]  }
0x31: {  	[smem:$0x3FB3] =	sst s10  }
0x32: {  	s10 =	sld [smem:$0x3FB1];
	_ =	sdelay $0x3  }
0x33: {  	p0 =	seq.s32 s10, $0x1;
	s10 =	sld [smem:$0x3FB3];
	_ =	sdelay $0x3  }
0x34: {  	[smem:$0x3FB3] =	sst s10  }
0x35: {  	s10 =	sld [smem:$0x3FB2];
	_ =	sdelay $0x3  }
0x36: {  	p1 =	seq.s32 s10, $0x1;
	s10 =	sld [smem:$0x3FB3];
	_ =	sdelay $0x3  }
0x37: {  	[smem:$0x3FB3] =	sst s10  }
0x38: {  	s10 =	sld [smem:$0x3FB4]  }
0x39: {  	_ = 	snop;
	(pc) =	sbr.ind lr, $3  }
0x3a: {  	_ = 	snop  }
0x3b: {  	_ = 	snop  }
0x3c: {  	p2 =	seq.s32 s10, $0x1;
	s10 =	sld [smem:$0x3FB3]  }
0x3d: {  	_ =	shalt  }
0x3e: {  	_ =	shalt  }
0x3f: {  	_ =	shalt  }
0x40: {  	_ =	shalt  }
0x41: {  	_ =	shalt  }
0x42: {  	_ =	shalt  }
0x43: {  	_ =	shalt  }
0x44: {  	_ =	shalt  }
0x45: {  	_ =	shalt  }
0x46: {  	_ =	shalt  }
0x47: {  	_ =	shalt  }
0x48: {  	_ =	shalt  }
0x49: {  	_ =	shalt  }
0x4a: {  	_ =	shalt  }
0x4b: {  	_ =	shalt  }
0x4c: {  	_ =	shalt  }
0x4d: {  	_ =	shalt  }
0x4e: {  	_ =	shalt  }
0x4f: {  	_ =	shalt  }
0x50: {  	_ =	shalt  }
0x51: {  	_ =	shalt  }
0x52: {  	_ =	shalt  }
0x53: {  	_ =	shalt  }
0x54: {  	_ =	shalt  }
0x55: {  	_ =	shalt  }
0x56: {  	_ =	shalt  }
0x57: {  	_ =	shalt  }
0x58: {  	_ =	shalt  }
0x59: {  	_ =	shalt  }
0x5a: {  	_ =	shalt  }
0x5b: {  	_ =	shalt  }
0x5c: {  	_ =	shalt  }
0x5d: {  	_ =	shalt  }
0x5e: {  	_ =	shalt  }
0x5f: {  	_ =	shalt  }
0x60: {  	_ =	shalt  }
0x61: {  	_ =	shalt  }
0x62: {  	_ =	shalt  }
0x63: {  	_ =	shalt  }
0x64: {  	_ =	shalt  }
0x65: {  	_ =	shalt  }
0x66: {  	_ =	shalt  }
0x67: {  	_ =	shalt  }
0x68: {  	_ =	shalt  }
0x69: {  	_ =	shalt  }
0x6a: {  	_ =	shalt  }
0x6b: {  	_ =	shalt  }
0x6c: {  	_ =	shalt  }
0x6d: {  	_ =	shalt  }
0x6e: {  	_ =	shalt  }
0x6f: {  	_ =	shalt  }
0x70: {  	_ =	shalt  }
0x71: {  	_ =	shalt  }
0x72: {  	_ =	shalt  }
0x73: {  	_ =	shalt  }
0x74: {  	_ =	shalt  }
0x75: {  	_ =	shalt  }
0x76: {  	_ =	shalt  }
0x77: {  	_ =	shalt  }
0x78: {  	_ =	shalt  }
0x79: {  	_ =	shalt  }
0x7a: {  	_ =	shalt  }
0x7b: {  	_ =	shalt  }
0x7c: {  	_ =	shalt  }
0x7d: {  	_ =	shalt  }
0x7e: {  	_ =	shalt  }
0x7f: {  	_ =	shalt  }
0x80: {  	_ =	shalt  }
0x81: {  	_ =	shalt  }
0x82: {  	_ =	shalt  }
0x83: {  	_ =	shalt  }
0x84: {  	_ =	shalt  }
0x85: {  	_ =	shalt  }
0x86: {  	_ =	shalt  }
0x87: {  	_ =	shalt  }
.Lfunc_end0:
.L_simem_size_0:
called_computation.2_lowered:
.L_overlay_start_0:
0x88: {  	s2 =	sld [smem:$0x3FD9]  }
0x89: {  	s3 =	sld [smem:$0x3FFE];
	_ =	sdelay $0x1  }
0x8a: {  	s1 =	srdreg.scid  }
0x8b: {  	s0 =	sand.u32 $0x1, s1  }
0x8c: {  	s16 =	sshll.u32 s0, $0xA;
	s2 =	sadd.s32 s3, s2  }
0x8d: {  	s2 =	sadd.s32 s2, s16  }
0x8e: {  	[smem:$0x3FBF] =	sst s2  }
0x8f: {  	_ = 	snop  }
0x90: {  	(tm) =	ssettm $0x1  }
0x91: {  	s17 =	sld [smem:$0x3FFB];
	_ =	sdelay $0x3  }
0x92: {  	_ =	strace s17  }
0x93: {  	s2 =	sld [smem:$0x3FFC];
	_ =	sdelay $0x3  }
0x94: {  	_ =	strace s2  }
0x95: {  	s2 =	sld [smem:$0x3FFD];
	_ =	sdelay $0x3  }
0x96: {  	_ =	strace s2  }
0x97: {  	_ =	strace $0x8FFFFFFF  }
0x98: {  	s18 =	sld [smem:$0x3FDB];
	_ =	sdelay $0x1  }
0x99: {  	s19 =	simm.s32 $_scs_section_size  }
0x9a: {  	s4 =	simm.s32 $_size__tile_overlayer_lowered;
	s5 =	simm.s32 $_tile_overlayer_lowered  }
0x9b: {  	s22 =	simm.s32 $0x1BFF;
	s21 =	sshll.u32 s5, $0x1;
	s2 =	sadd.s32 s19, s18  }
0x9c: {  	s6 =	simm.s32 $0x0;
	s20 =	sshll.u32 s4, $0x1;
	s4 =	sadd.s32 s21, s2  }
0x9d: {  	[timem:s6], [sflag:s22] =	dma.local [hbm:s4], s20  }
0x9e: {  	_ =	swait.ge [sflag:s22], s20  }
0x9f: {  	s3 =	ssub.s32 $0x0, s20;
	[sflag:s22] =	ssyncset.done $0x0  }
0xa0: {  	[sflag:s22] =	ssyncadd.s32 s3;
	_ =	sdelay $0x1  }
0xa1: {  	s23 =	simm.s32 $0x1B8B  }
0xa2: {  	_ =	swait.ge [sflag:s23], $0x1  }
0xa3: {  	[sflag:s23] =	ssyncset.done $0x0  }
0xa4: {  	s25 =	simm.s32 $0x1B8E;
	s24 =	sld [smem:$0x3FFE];
	[sflag:s23] =	ssyncadd.s32 $0xFFFFFFFF  }
0xa5: {  	s26 =	simm.s32 $execute0_lowered;
	[smem:$0x3FD2] =	sst s25  }
0xa6: {  	s4 =	sshll.u32 s26, $0x1;
	_ =	strace $0x8000004C;
	[dreg:$0x1] =	wrdreg $0xFFFFFFFF  }
0xa7: {  	s28 =	simm.s32 $_size_execute0_lowered;
	s2 =	sadd.s32 s2, s4;
	[dreg:$0x0] =	wrdreg $0x0  }
0xa8: {  	s4 =	sshll.u32 s28, $0x1;
	[dreg:$0x2] =	wrdreg s2  }
0xa9: {  	[dreg:$0x3] =	wrdreg s4  }
0xaa: {  	[dreg:$0x4] =	wrdreg $0xC0  }
0xab: {  	_ =	task [dreg:s6], $0x5FFFF  }
0xac: {  	[dreg:$0x1] =	wrdreg $0xFFFFFFFF  }
0xad: {  	[dreg:$0x0] =	wrdreg $0x60  }
0xae: {  	[dreg:$0x2] =	wrdreg s24  }
0xaf: {  	[dreg:$0x3] =	wrdreg $0xFD000  }
0xb0: {  	[dreg:$0x4] =	wrdreg $0x9  }
0xb1: {  	_ =	task.clear_ibuf [dreg:s6], $0x5FFFF;
	_ =	strace $0x9000004C  }
0xb2: {  	s29 =	simm.s32 $0x9;
	_ =	strace $0x8000004E  }
0xb3: {  	_ =	swait.ge [sflag:s29], $0x1  }
0xb4: {  	[sflag:s29] =	ssyncadd.s32 $0xFFFFFFFF  }
0xb5: {  	_ =	strace $0x9000004E  }
0xb6: {  	_ =	sfence  }
0xb7: {  	s30 =	sld [smem:$0x0];
	_ =	sdelay $0x2  }
0xb8: {  	s31 =	sshll.u32 s1, $0xD;
	s1 =	sshrl.u32 s1, $0x2  }
0xb9: {  	s3 =	sand.u32 $0x4000, s31;
	s1 =	sadd.s32 s1, s30  }
0xba: {  	s0 =	sor.u32 s3, s0;
	s1 =	sshll.u32 s1, $0x11  }
0xbb: {  	s0 =	sor.u32 s1, s0  }
0xbc: {  	s0 =	sadd.s32 $0x8F2B, s0  }
0xbd: {  	[sflag:s0] =	ssyncadd.remote.s32 $0x1  }
0xbe: {  	_ =	sfence.sel $0xFFFF  }
0xbf: {  	[dreg:$0x0] =	wrdreg $0xFFFFFFFF;
	(pc) =	sbr.abs _section_cstart, $3  }
0xc0: {  	[dreg:$0x1] =	wrdreg $0xFFFFFFFF  }
0xc1: {  	_ =	task.clear_ibuf [dreg:s6], $0x2FFFF;
	_ =	strace $0x9FFFFFFF  }
0xc2: {  	(tm) =	ssettm $0x7FFFFFFF  }
0xc3: {  	_ =	shalt  }
tec
execute0_lowered:
.L_overlay_start_1:
0x0: {  	(tag) =	ssettag $0x1  }
0x1: {  	s0 =	rddreg [dreg:$0x0]  }
0x2: {  	s2 =	rddreg [dreg:$0x1]  }
0x3: {  	s3 =	simm.s32 $0x0;
	s1 =	stileid.u32;
	s7 =	srdreg.scid  }
0x4: {  	s17 =	simm.s32 $0xDD00;
	s18 =	simm.s32 $0x3;
	s20 =	simm.s32 $0x80  }
0x5: {  	s21 =	simm.s32 $0x9D00;
	s22 =	simm.s32 $0x1;
	s23 =	simm.s32 $0xAD00  }
0x6: {  	s24 =	simm.s32 $0xBD00;
	s26 =	simm.s32 $0x2;
	s29 =	simm.s32 $0x0  }
0x7: {  	[smem:$0x7FF] =	sst s3;
	s6 =	smul.u32 $0x9D0, s1;
	s4 =	sadd.s32 $0xD600, s0  }
0x8: {  	s5 =	sadd.s32 $0x3800, s0;
	s7 =	sand.u32 $0x1, s7;
	s8 =	smul.u32 $0x28000, s1  }
0x9: {  	s9 =	sadd.s32 $0x3F000, s0;
	s12 =	smul.u32 $0xA000, s1;
	_ =	strace $0x8000004D  }
0xa: {  	[dreg:$0x3] =	wrdreg s9;
	s28 =	ssub.s32 $0x2, s7;
	p0 =	sne.s32 s7, $0x0  }
0xb: {  	s6 =	sadd.s32 s6, s0;
	s0 =	sadd.s32 $0x2B000, s0;
	s30 =	sshrl.u32 s28, $0x1  }
.Ltmp0:
0xc: {  	s8 =	sshrl.u32 s8, $0x2;
	s11 =	sshrl.u32 s12, $0x3;
	(pc) =	sbr.rel .LBB2_1-.Ltmp0, $4  }
0xd: {  	s31 =	sadd.s32 s12, s2;
	[dreg:$0x4] =	wrdreg s0;
	s0 =	ssub.s32 s28, s30  }
0xe: {  	s8 =	sadd.s32 s8, s2;
	s9 =	sadd.s32 $0x21200, s6;
	s10 =	sadd.s32 $0x17400, s6  }
0xf: {  	s25 =	sshrl.u32 s31, $0x3;
	s12 =	smax.u32 s0, $0x1;
	s13 =	sadd.s32 $0x2000, s8  }
0x10: {  	v0 =	vimm.f32 $0.0e+00;
	s14 =	sadd.s32 $0x4000, s8;
	s15 =	sadd.s32 $0x6000, s8;
	s16 =	sadd.s32 $0x8000, s8  }
.LBB2_22:
0x11: {  	s6 =	simm.s32 $0x9C80  }
0x12: {  	[spmem:s2] =	stream.indirect.scatter.add.f32 [tilespmem:s24], [sflag:$0x3], $0x40, s6, s20, $0xb8;
	[tilespmem:$0x19D00] =	vst v63  }
0x13: {  	_ =	swait.ge [sflag:s18], $0x2000  }
0x14: {  	s31 =	sshll.u32 s1, $0x6;
	s29 =	sadd.s32 $0x1, s29;
	[sflag:s18] =	ssyncset.done $0x0  }
0x15: {  	s0 =	sadd.s32 s0, s11;
	p1 =	sne.s32 s29, s12;
	[sflag:s18] =	ssyncadd.s32 $0xFFFFE000  }
.Ltmp1:
0x16: {  	s6 =	sor.u32 $0x1C03, s31;
	[bflag:$0x0] =	sbarrier.arrive $0xFFFF;
	(pc) =	sbr.rel @!p1 .LBB2_23-.Ltmp1, $4  }
0x17: {  	[hbm:s0], [sflag:s6] =	dma.local [spmem:s25], $0x1400  }
0x18: {  	_ =	swait.ge [sflag:s18], $0x1400  }
0x19: {  	[sflag:s18] =	ssyncset.done $0x0  }
0x1a: {  	[sflag:s18] =	ssyncadd.s32 $0xFFFFEC00  }
.LBB2_1:
0x1b: {  	s6 =	simm.s32 $0x100;
	s0 =	simm.s32 $0x0  }
.LBB2_2:
0x1c: {  	p1 =	sne.s32 s6, $0x7F00;
	[tilespmem:s0+$0xDD30] =	vst v0;
	s7 =	smov.u32 s6;
	s6 =	sadd.s32 $0x100, s6  }
.Ltmp2:
0x1d: {  	[tilespmem:s0+$0xDD20] =	vst v0;
	(pc) =	sbr.rel @p1 .LBB2_2-.Ltmp2, $3  }
0x1e: {  	[tilespmem:s0+$0xDD00] =	vst v0  }
0x1f: {  	[tilespmem:s0+$0xDD10] =	vst v0;
	_ =	sdelay $0x1  }
0x20: {  	s0 =	sshra.s32 s7, $0x2  }
0x21: {  	[tilespmem:s0+$0xDD30] =	vst v0  }
0x22: {  	[tilespmem:s0+$0xDD20] =	vst v0  }
0x23: {  	[tilespmem:s0+$0xDD00] =	vst v0  }
0x24: {  	[tilespmem:s0+$0xDD10] =	vst v0  }
0x25: {  	[spmem:s8] =	stream.linear.scatter [tilespmem:s17], [sflag:$0x3], $0x2000, $0x38;
	[tilespmem:$0x19D00] =	vst v63  }
0x26: {  	_ =	swait.ge [sflag:s18], $0x2000  }
0x27: {  	[sflag:s18] =	ssyncset.done $0x0  }
0x28: {  	[sflag:s18] =	ssyncadd.s32 $0xFFFFE000  }
0x29: {  	[spmem:s13] =	stream.linear.scatter [tilespmem:s17], [sflag:$0x3], $0x2000, $0x38;
	[tilespmem:$0x19D00] =	vst v63  }
0x2a: {  	_ =	swait.ge [sflag:s18], $0x2000  }
0x2b: {  	[sflag:s18] =	ssyncset.done $0x0  }
0x2c: {  	[sflag:s18] =	ssyncadd.s32 $0xFFFFE000  }
0x2d: {  	[spmem:s14] =	stream.linear.scatter [tilespmem:s17], [sflag:$0x3], $0x2000, $0x38;
	[tilespmem:$0x19D00] =	vst v63  }
0x2e: {  	_ =	swait.ge [sflag:s18], $0x2000  }
0x2f: {  	[sflag:s18] =	ssyncset.done $0x0  }
0x30: {  	[sflag:s18] =	ssyncadd.s32 $0xFFFFE000  }
0x31: {  	[spmem:s15] =	stream.linear.scatter [tilespmem:s17], [sflag:$0x3], $0x2000, $0x38;
	[tilespmem:$0x19D00] =	vst v63  }
0x32: {  	_ =	swait.ge [sflag:s18], $0x2000  }
0x33: {  	[sflag:s18] =	ssyncset.done $0x0  }
0x34: {  	[sflag:s18] =	ssyncadd.s32 $0xFFFFE000  }
0x35: {  	[spmem:s16] =	stream.linear.scatter [tilespmem:s17], [sflag:$0x3], $0x2000, $0x38;
	[tilespmem:$0x19D00] =	vst v63  }
0x36: {  	_ =	swait.ge [sflag:s18], $0x2000  }
0x37: {  	[sflag:s18] =	ssyncset.done $0x0  }
0x38: {  	[sflag:s18] =	ssyncadd.s32 $0xFFFFE000  }
0x39: {  	[bflag:$0x0] =	sbarrier.arrive $0xFFFF  }
0x3a: {  	[tilespmem:s3], [sflag:$0x3] =	stream.linear.gather [hbm4b:s9+s3], $0x4E80, $0x38;
	[tilespmem:$0x19D00] =	vst v63  }
0x3b: {  	_ =	swait.ge [sflag:s18], $0x4E80  }
0x3c: {  	[sflag:s18] =	ssyncset.done $0x0  }
.Ltmp3:
0x3d: {  	s31 =	simm.s32 $0x4E80;
	[sflag:s18] =	ssyncadd.s32 $0xFFFFB180;
	(pc) =	sbr.rel @p0 .LBB2_13-.Ltmp3, $4  }
0x3e: {  	[tilespmem:s31], [sflag:$0x3] =	stream.linear.gather [hbm4b:s10+s3], $0x4E80, $0x38;
	[tilespmem:$0x19D00] =	vst v63  }
0x3f: {  	_ =	swait.ge [sflag:s18], $0x4E80  }
0x40: {  	[sflag:s18] =	ssyncset.done $0x0  }
0x41: {  	s30 =	simm.s32 $0x0;
	[sflag:s18] =	ssyncadd.s32 $0xFFFFB180  }
0x42: {  	[tilespmem:s21], [sflag:$0x1] =	stream.indirect.gather [hbm4b:s4+s20], $0x20, s30, s20, $0xb8;
	[tilespmem:$0x19D00] =	vst v63  }
.LBB2_5:
0x43: {  	_ =	swait.ge [sflag:s22], $0x1000  }
0x44: {  	s0 =	sshll.u32 s30, $0x8;
	[sflag:s22] =	ssyncset.done $0x0  }
0x45: {  	s7 =	simm.s32 $0x0;
	s31 =	sor.u32 $0x80, s0;
	[sflag:s22] =	ssyncadd.s32 $0xFFFFF000  }
0x46: {  	[tilespmem:s23], [sflag:$0x2] =	stream.indirect.gather [hbm4b:s4+s20], $0x20, s31, s20, $0xb8;
	[tilespmem:$0x19D00] =	vst v63  }
0x47: {  	v1 =	vld [tilespmem:s7+$0x9D00];
	_ =	sdelay $0x4  }
0x48: {  	s6 =	simm.s32 $0xBD20;
	v2 =	vunpack.i.l.bf16.f32 v1  }
0x49: {  	v1 =	vunpack.i.u.bf16.f32 v1;
	[tilespmem:s6+$0xFFFFFFE0] =	vst v2  }
0x4a: {  	[tilespmem:s6+$0xFFFFFFF0] =	vst v1  }
0x4b: {  	s19 =	simm.s32 $0x80;
	v1 =	vld [tilespmem:s7+$0x9D10];
	s7 =	simm.s32 $0xBD20  }
.LBB2_6:
0x4c: {  	_ =	sdelay $0x2  }
0x4d: {  	p1 =	sne.s32 s19, $0x3F80  }
0x4e: {  	s6 =	sadd.s32 $0x40, s6;
	s28 =	smov.u32 s19;
	s19 =	sadd.s32 $0x80, s19;
	v2 =	vunpack.i.u.bf16.f32 v1;
	v1 =	vunpack.i.l.bf16.f32 v1  }
0x4f: {  	[tilespmem:s7+$0x0] =	vst v1  }
0x50: {  	s28 =	sshra.s32 s28, $0x2;
	[tilespmem:s7+$0x10] =	vst v2;
	s7 =	smov.u32 s6  }
0x51: {  	v1 =	vld [tilespmem:s28+$0x9D00];
	_ =	sdelay $0x3  }
.Ltmp4:
0x52: {  	(pc) =	sbr.rel @p1 .LBB2_6-.Ltmp4, $4  }
0x53: {  	v2 =	vunpack.i.u.bf16.f32 v1;
	v1 =	vunpack.i.l.bf16.f32 v1  }
0x54: {  	[tilespmem:s6+$0xFFFFFFE0] =	vst v1  }
0x55: {  	[tilespmem:s6+$0xFFFFFFF0] =	vst v2  }
0x56: {  	v1 =	vld [tilespmem:s28+$0x9D10]  }
0x57: {  	_ =	sdelay $0x3  }
0x58: {  	v2 =	vunpack.i.l.bf16.f32 v1  }
0x59: {  	s0 =	sand.u32 $0x3FFFFF00, s0;
	v1 =	vunpack.i.u.bf16.f32 v1;
	[tilespmem:s7+$0x0] =	vst v2  }
0x5a: {  	s6 =	sadd.s32 $0x4E80, s0;
	[tilespmem:s7+$0x10] =	vst v1  }
0x5b: {  	[spmem:s2] =	stream.indirect.scatter.add.f32 [tilespmem:s24], [sflag:$0x3], $0x40, s6, s20, $0xb8;
	[tilespmem:$0x19D00] =	vst v63  }
0x5c: {  	_ =	swait.ge [sflag:s18], $0x2000  }
0x5d: {  	[sflag:s18] =	ssyncset.done $0x0  }
0x5e: {  	[sflag:s18] =	ssyncadd.s32 $0xFFFFE000  }
0x5f: {  	_ =	swait.ge [sflag:s26], $0x1000  }
0x60: {  	[sflag:s26] =	ssyncset.done $0x0  }
0x61: {  	s28 =	simm.s32 $0x0;
	s0 =	sadd.s32 $0x100, s0;
	[sflag:s26] =	ssyncadd.s32 $0xFFFFF000  }
0x62: {  	[tilespmem:s21], [sflag:$0x1] =	stream.indirect.gather [hbm4b:s4+s20], $0x20, s0, s20, $0xb8;
	[tilespmem:$0x19D00] =	vst v63  }
0x63: {  	v1 =	vld [tilespmem:s28+$0xAD00];
	_ =	sdelay $0x4  }
0x64: {  	s0 =	simm.s32 $0xBD20;
	v2 =	vunpack.i.l.bf16.f32 v1  }
0x65: {  	v1 =	vunpack.i.u.bf16.f32 v1;
	[tilespmem:s0+$0xFFFFFFE0] =	vst v2  }
0x66: {  	[tilespmem:s0+$0xFFFFFFF0] =	vst v1  }
0x67: {  	s7 =	simm.s32 $0x80;
	s6 =	simm.s32 $0xBD20;
	v1 =	vld [tilespmem:s28+$0xAD10]  }
.LBB2_8:
0x68: {  	_ =	sdelay $0x2  }
0x69: {  	p1 =	sne.s32 s7, $0x3F80  }
0x6a: {  	s0 =	sadd.s32 $0x40, s0;
	s19 =	smov.u32 s7;
	s7 =	sadd.s32 $0x80, s7;
	v2 =	vunpack.i.u.bf16.f32 v1;
	v1 =	vunpack.i.l.bf16.f32 v1  }
0x6b: {  	[tilespmem:s6+$0x0] =	vst v1  }
0x6c: {  	s19 =	sshra.s32 s19, $0x2;
	[tilespmem:s6+$0x10] =	vst v2;
	s6 =	smov.u32 s0  }
0x6d: {  	v1 =	vld [tilespmem:s19+$0xAD00];
	_ =	sdelay $0x3  }
.Ltmp5:
0x6e: {  	(pc) =	sbr.rel @p1 .LBB2_8-.Ltmp5, $4  }
0x6f: {  	v2 =	vunpack.i.u.bf16.f32 v1;
	v1 =	vunpack.i.l.bf16.f32 v1  }
0x70: {  	[tilespmem:s0+$0xFFFFFFE0] =	vst v1  }
0x71: {  	[tilespmem:s0+$0xFFFFFFF0] =	vst v2  }
0x72: {  	v1 =	vld [tilespmem:s19+$0xAD10]  }
0x73: {  	_ =	sdelay $0x3  }
0x74: {  	s30 =	sadd.s32 $0x1, s30;
	v2 =	vunpack.i.l.bf16.f32 v1  }
0x75: {  	p1 =	sne.s32 s30, $0x4E;
	v1 =	vunpack.i.u.bf16.f32 v1;
	[tilespmem:s6+$0x0] =	vst v2  }
.Ltmp6:
0x76: {  	s0 =	sadd.s32 $0x4E80, s31;
	[tilespmem:s6+$0x10] =	vst v1;
	(pc) =	sbr.rel @p1 .LBB2_5-.Ltmp6, $4  }
0x77: {  	[spmem:s2] =	stream.indirect.scatter.add.f32 [tilespmem:s24], [sflag:$0x3], $0x40, s0, s20, $0xb8;
	[tilespmem:$0x19D00] =	vst v63  }
0x78: {  	_ =	swait.ge [sflag:s18], $0x2000  }
0x79: {  	[sflag:s18] =	ssyncset.done $0x0  }
0x7a: {  	[sflag:s18] =	ssyncadd.s32 $0xFFFFE000  }
0x7b: {  	_ =	swait.ge [sflag:s22], $0x1000  }
0x7c: {  	[sflag:s22] =	ssyncset.done $0x0  }
0x7d: {  	s6 =	simm.s32 $0x0;
	[sflag:s22] =	ssyncadd.s32 $0xFFFFF000  }
0x7e: {  	v1 =	vld [tilespmem:s6+$0x9D00];
	_ =	sdelay $0x4  }
0x7f: {  	s0 =	simm.s32 $0xBD20;
	v2 =	vunpack.i.l.bf16.f32 v1  }
0x80: {  	v1 =	vunpack.i.u.bf16.f32 v1;
	[tilespmem:s0+$0xFFFFFFE0] =	vst v2  }
0x81: {  	[tilespmem:s0+$0xFFFFFFF0] =	vst v1  }
0x82: {  	s7 =	simm.s32 $0x80;
	v1 =	vld [tilespmem:s6+$0x9D10];
	s6 =	simm.s32 $0xBD20  }
.LBB2_11:
0x83: {  	_ =	sdelay $0x2  }
0x84: {  	p1 =	seq.s32 s7, $0x3F80  }
0x85: {  	s0 =	sadd.s32 $0x40, s0;
	s19 =	smov.u32 s7;
	s7 =	sadd.s32 $0x80, s7;
	v2 =	vunpack.i.u.bf16.f32 v1;
	v1 =	vunpack.i.l.bf16.f32 v1  }
0x86: {  	[tilespmem:s6+$0x0] =	vst v1  }
0x87: {  	s19 =	sshra.s32 s19, $0x2;
	[tilespmem:s6+$0x10] =	vst v2;
	s6 =	smov.u32 s0  }
0x88: {  	v1 =	vld [tilespmem:s19+$0x9D00];
	_ =	sdelay $0x3  }
.Ltmp7:
0x89: {  	(pc) =	sbr.rel @!p1 .LBB2_11-.Ltmp7, $4  }
0x8a: {  	v2 =	vunpack.i.u.bf16.f32 v1;
	v1 =	vunpack.i.l.bf16.f32 v1  }
0x8b: {  	[tilespmem:s0+$0xFFFFFFE0] =	vst v1  }
0x8c: {  	[tilespmem:s0+$0xFFFFFFF0] =	vst v2  }
0x8d: {  	v1 =	vld [tilespmem:s19+$0x9D10]  }
0x8e: {  	_ =	sdelay $0x1  }
.Ltmp8:
0x8f: {  	_ = 	snop;
	(pc) =	sbr.rel .LBB2_22-.Ltmp8, $4  }
0x90: {  	_ = 	snop  }
0x91: {  	v2 =	vunpack.i.l.bf16.f32 v1  }
0x92: {  	v1 =	vunpack.i.u.bf16.f32 v1;
	[tilespmem:s6+$0x0] =	vst v2  }
0x93: {  	s0 =	rddreg [dreg:$0x3];
	[tilespmem:s6+$0x10] =	vst v1  }
.LBB2_13:
0x94: {  	[tilespmem:s21], [sflag:$0x1] =	stream.indirect.gather [hbm4b:s5+s20], $0x20, s30, s20, $0xb8;
	[tilespmem:$0x19D00] =	vst v63  }
.LBB2_14:
0x95: {  	_ =	swait.ge [sflag:s22], $0x1000  }
0x96: {  	s0 =	sshll.u32 s30, $0x8;
	[sflag:s22] =	ssyncset.done $0x0  }
0x97: {  	s7 =	simm.s32 $0x0;
	s31 =	sor.u32 $0x80, s0;
	[sflag:s22] =	ssyncadd.s32 $0xFFFFF000  }
0x98: {  	[tilespmem:s23], [sflag:$0x2] =	stream.indirect.gather [hbm4b:s5+s20], $0x20, s31, s20, $0xb8;
	[tilespmem:$0x19D00] =	vst v63  }
0x99: {  	v1 =	vld [tilespmem:s7+$0x9D00];
	_ =	sdelay $0x4  }
0x9a: {  	s6 =	simm.s32 $0xBD20;
	v2 =	vunpack.i.l.bf16.f32 v1  }
0x9b: {  	v1 =	vunpack.i.u.bf16.f32 v1;
	[tilespmem:s6+$0xFFFFFFE0] =	vst v2  }
0x9c: {  	[tilespmem:s6+$0xFFFFFFF0] =	vst v1  }
0x9d: {  	s19 =	simm.s32 $0x80;
	v1 =	vld [tilespmem:s7+$0x9D10];
	s7 =	simm.s32 $0xBD20  }
.LBB2_15:
0x9e: {  	_ =	sdelay $0x2  }
0x9f: {  	p1 =	sne.s32 s19, $0x3F80  }
0xa0: {  	s6 =	sadd.s32 $0x40, s6;
	s28 =	smov.u32 s19;
	s19 =	sadd.s32 $0x80, s19;
	v2 =	vunpack.i.u.bf16.f32 v1;
	v1 =	vunpack.i.l.bf16.f32 v1  }
0xa1: {  	[tilespmem:s7+$0x0] =	vst v1  }
0xa2: {  	s28 =	sshra.s32 s28, $0x2;
	[tilespmem:s7+$0x10] =	vst v2;
	s7 =	smov.u32 s6  }
0xa3: {  	v1 =	vld [tilespmem:s28+$0x9D00];
	_ =	sdelay $0x3  }
.Ltmp9:
0xa4: {  	(pc) =	sbr.rel @p1 .LBB2_15-.Ltmp9, $4  }
0xa5: {  	v2 =	vunpack.i.u.bf16.f32 v1;
	v1 =	vunpack.i.l.bf16.f32 v1  }
0xa6: {  	[tilespmem:s6+$0xFFFFFFE0] =	vst v1  }
0xa7: {  	[tilespmem:s6+$0xFFFFFFF0] =	vst v2  }
0xa8: {  	v1 =	vld [tilespmem:s28+$0x9D10]  }
0xa9: {  	_ =	sdelay $0x3  }
0xaa: {  	v2 =	vunpack.i.l.bf16.f32 v1  }
0xab: {  	s0 =	sand.u32 $0x3FFFFF00, s0;
	v1 =	vunpack.i.u.bf16.f32 v1;
	[tilespmem:s7+$0x0] =	vst v2  }
0xac: {  	s6 =	sadd.s32 $0x4E80, s0;
	[tilespmem:s7+$0x10] =	vst v1  }
0xad: {  	[spmem:s2] =	stream.indirect.scatter.add.f32 [tilespmem:s24], [sflag:$0x3], $0x40, s6, s20, $0xb8;
	[tilespmem:$0x19D00] =	vst v63  }
0xae: {  	_ =	swait.ge [sflag:s18], $0x2000  }
0xaf: {  	[sflag:s18] =	ssyncset.done $0x0  }
0xb0: {  	[sflag:s18] =	ssyncadd.s32 $0xFFFFE000  }
0xb1: {  	_ =	swait.ge [sflag:s26], $0x1000  }
0xb2: {  	[sflag:s26] =	ssyncset.done $0x0  }
0xb3: {  	s28 =	simm.s32 $0x0;
	s0 =	sadd.s32 $0x100, s0;
	[sflag:s26] =	ssyncadd.s32 $0xFFFFF000  }
0xb4: {  	[tilespmem:s21], [sflag:$0x1] =	stream.indirect.gather [hbm4b:s5+s20], $0x20, s0, s20, $0xb8;
	[tilespmem:$0x19D00] =	vst v63  }
0xb5: {  	v1 =	vld [tilespmem:s28+$0xAD00];
	_ =	sdelay $0x4  }
0xb6: {  	s0 =	simm.s32 $0xBD20;
	v2 =	vunpack.i.l.bf16.f32 v1  }
0xb7: {  	v1 =	vunpack.i.u.bf16.f32 v1;
	[tilespmem:s0+$0xFFFFFFE0] =	vst v2  }
0xb8: {  	[tilespmem:s0+$0xFFFFFFF0] =	vst v1  }
0xb9: {  	s7 =	simm.s32 $0x80;
	s6 =	simm.s32 $0xBD20;
	v1 =	vld [tilespmem:s28+$0xAD10]  }
.LBB2_17:
0xba: {  	_ =	sdelay $0x2  }
0xbb: {  	p1 =	sne.s32 s7, $0x3F80  }
0xbc: {  	s0 =	sadd.s32 $0x40, s0;
	s19 =	smov.u32 s7;
	s7 =	sadd.s32 $0x80, s7;
	v2 =	vunpack.i.u.bf16.f32 v1;
	v1 =	vunpack.i.l.bf16.f32 v1  }
0xbd: {  	[tilespmem:s6+$0x0] =	vst v1  }
0xbe: {  	s19 =	sshra.s32 s19, $0x2;
	[tilespmem:s6+$0x10] =	vst v2;
	s6 =	smov.u32 s0  }
0xbf: {  	v1 =	vld [tilespmem:s19+$0xAD00];
	_ =	sdelay $0x3  }
.Ltmp10:
0xc0: {  	(pc) =	sbr.rel @p1 .LBB2_17-.Ltmp10, $4  }
0xc1: {  	v2 =	vunpack.i.u.bf16.f32 v1;
	v1 =	vunpack.i.l.bf16.f32 v1  }
0xc2: {  	[tilespmem:s0+$0xFFFFFFE0] =	vst v1  }
0xc3: {  	[tilespmem:s0+$0xFFFFFFF0] =	vst v2  }
0xc4: {  	v1 =	vld [tilespmem:s19+$0xAD10]  }
0xc5: {  	_ =	sdelay $0x3  }
0xc6: {  	s30 =	sadd.s32 $0x1, s30;
	v2 =	vunpack.i.l.bf16.f32 v1  }
0xc7: {  	p1 =	sne.s32 s30, $0x4E;
	v1 =	vunpack.i.u.bf16.f32 v1;
	[tilespmem:s6+$0x0] =	vst v2  }
.Ltmp11:
0xc8: {  	s0 =	sadd.s32 $0x4E80, s31;
	[tilespmem:s6+$0x10] =	vst v1;
	(pc) =	sbr.rel @p1 .LBB2_14-.Ltmp11, $4  }
0xc9: {  	[spmem:s2] =	stream.indirect.scatter.add.f32 [tilespmem:s24], [sflag:$0x3], $0x40, s0, s20, $0xb8;
	[tilespmem:$0x19D00] =	vst v63  }
0xca: {  	_ =	swait.ge [sflag:s18], $0x2000  }
0xcb: {  	[sflag:s18] =	ssyncset.done $0x0  }
0xcc: {  	[sflag:s18] =	ssyncadd.s32 $0xFFFFE000  }
0xcd: {  	_ =	swait.ge [sflag:s22], $0x1000  }
0xce: {  	[sflag:s22] =	ssyncset.done $0x0  }
0xcf: {  	s6 =	simm.s32 $0x0;
	[sflag:s22] =	ssyncadd.s32 $0xFFFFF000  }
0xd0: {  	v1 =	vld [tilespmem:s6+$0x9D00];
	_ =	sdelay $0x4  }
0xd1: {  	s0 =	simm.s32 $0xBD20;
	v2 =	vunpack.i.l.bf16.f32 v1  }
0xd2: {  	v1 =	vunpack.i.u.bf16.f32 v1;
	[tilespmem:s0+$0xFFFFFFE0] =	vst v2  }
0xd3: {  	[tilespmem:s0+$0xFFFFFFF0] =	vst v1  }
0xd4: {  	s7 =	simm.s32 $0x80;
	v1 =	vld [tilespmem:s6+$0x9D10];
	s6 =	simm.s32 $0xBD20  }
.LBB2_20:
0xd5: {  	_ =	sdelay $0x2  }
0xd6: {  	p1 =	sne.s32 s7, $0x3F80  }
0xd7: {  	s0 =	sadd.s32 $0x40, s0;
	s19 =	smov.u32 s7;
	s7 =	sadd.s32 $0x80, s7;
	v2 =	vunpack.i.u.bf16.f32 v1;
	v1 =	vunpack.i.l.bf16.f32 v1  }
0xd8: {  	[tilespmem:s6+$0x0] =	vst v1  }
0xd9: {  	s19 =	sshra.s32 s19, $0x2;
	[tilespmem:s6+$0x10] =	vst v2;
	s6 =	smov.u32 s0  }
0xda: {  	v1 =	vld [tilespmem:s19+$0x9D00];
	_ =	sdelay $0x3  }
.Ltmp12:
0xdb: {  	(pc) =	sbr.rel @p1 .LBB2_20-.Ltmp12, $4  }
0xdc: {  	v2 =	vunpack.i.u.bf16.f32 v1;
	v1 =	vunpack.i.l.bf16.f32 v1  }
0xdd: {  	[tilespmem:s0+$0xFFFFFFE0] =	vst v1  }
0xde: {  	[tilespmem:s0+$0xFFFFFFF0] =	vst v2  }
0xdf: {  	v1 =	vld [tilespmem:s19+$0x9D10]  }
0xe0: {  	_ =	sdelay $0x1  }
.Ltmp13:
0xe1: {  	_ = 	snop;
	(pc) =	sbr.rel .LBB2_22-.Ltmp13, $4  }
0xe2: {  	_ = 	snop  }
0xe3: {  	v2 =	vunpack.i.l.bf16.f32 v1  }
0xe4: {  	v1 =	vunpack.i.u.bf16.f32 v1;
	[tilespmem:s6+$0x0] =	vst v2  }
0xe5: {  	s0 =	rddreg [dreg:$0x4];
	[tilespmem:s6+$0x10] =	vst v1  }
.LBB2_23:
0xe6: {  	_ =	sfence.sel $0x180000  }
0xe7: {  	[bflag:$0x0] =	sbarrier.arrive $0xFFFF  }
0xe8: {  	_ =	strace $0x9000004D  }
0xe9: {  	[bflag:$0x2] =	sbarrier.arrive $0xFFFF  }
0xea: {  	p0 =	sne.s32 s1, $0x0;
	s0 =	rddreg [dreg:$0x2]  }
0xeb: {  	s0 =	sadd.s32 @!p0 $0x100000, s0  }
0xec: {  	[sflag:s0] =	ssyncadd.tile.s32 @!p0 $0x1;
	_ =	shalt  }
.Lfunc_end2:
_tile_overlayer_lowered:
.L_overlay_start_2:
0xed: {  	(tag) =	ssettag $0x2  }
0xee: {  	s0 =	rddreg [dreg:$0x0];
	s2 =	stileid.u32  }
0xef: {  	s1 =	rddreg [dreg:$0x1];
	p0 =	sne.s32 s2, $0x0  }
0xf0: {  	s3 =	rddreg [dreg:$0x2];
	[bflag:$0x3] =	sbarrier.arrive $0xFFFF;
	s2 =	simm.s32 @!p0 $0x1C03  }
0xf1: {  	[timem:s3], [sflag:s2] =	dma.local @!p0 [hbm:s0], s1  }
0xf2: {  	s0 =	simm.s32 @!p0 $0x3  }
0xf3: {  	_ =	swait.ge @!p0 [sflag:s0], s1  }
0xf4: {  	s1 =	ssub.s32 @!p0 $0x0, s1;
	[sflag:s0] =	ssyncset.done @!p0 $0x0  }
0xf5: {  	[sflag:s0] =	ssyncadd.s32 @!p0 s1  }
0xf6: {  	[bflag:$0x3] =	sbarrier.arrive $0xFFFF  }
0xf7: {  	_ =	shalt  }

// kernel: kernel.8.cloned.1.call-start
scs
__scs_entry_jumppad:
0x0: {  	(pc) =	sbr.rel $0x88, $3  }
0x1: {  	(tag) =	ssettag $0x0;
	lr =	simm.s32 $0x1  }
0x2: {  	[smem:$0x3F98] =	sst lr;
	_ =	strace $0xD0000000  }
0x3: {  	_ = 	snop  }
0x4: {  	_ = 	snop  }
0x5: {  	_ = 	snop  }
0x6: {  	_ = 	snop  }
0x7: {  	_ = 	snop  }
__scs_overlays_trampoline_lowered:
0x8: {  	[smem:$0x3FA7] =	sst s0  }
0x9: {  	[smem:$0x3FA8] =	sst s1  }
0xa: {  	[smem:$0x3FA9] =	sst s2  }
0xb: {  	[smem:$0x3FAA] =	sst s3  }
0xc: {  	[smem:$0x3FAB] =	sst s4  }
0xd: {  	[smem:$0x3FAC] =	sst s5  }
0xe: {  	[smem:$0x3FAD] =	sst s6  }
0xf: {  	[smem:$0x3FAE] =	sst s7  }
0x10: {  	[smem:$0x3FAF] =	sst s8  }
0x11: {  	[smem:$0x3FB0] =	sst s9;
	s0 =	simm.s32 @!p0 $0x0  }
0x12: {  	s1 =	sld [smem:$0x3F96];
	s0 =	simm.s32 @p0 $0x1  }
0x13: {  	[smem:$0x3FB1] =	sst s0;
	s0 =	simm.s32 @!p1 $0x0  }
0x14: {  	s2 =	sld [smem:$0x3F95];
	s0 =	simm.s32 @p1 $0x1  }
0x15: {  	[smem:$0x3FB2] =	sst s0;
	s0 =	simm.s32 @!p2 $0x0  }
0x16: {  	s3 =	sld [smem:$0x3FDB];
	s0 =	simm.s32 @p2 $0x1  }
0x17: {  	s4 =	simm.s32 $0x1BF5;
	[smem:$0x3FB4] =	sst s0  }
0x18: {  	s0 =	sld [smem:$0x3F97];
	_ =	swait.ge [sflag:s4], $0x0  }
0x19: {  	s7 =	sld [smem:$0x3F98]  }
0x1a: {  	s8 =	sadd.s32 $0xFFFFE003, lr  }
0x1b: {  	s9 =	sadd.s32 $0xFFFFFEF7, lr;
	s5 =	simm.s32 $0xFFFFFFFF;
	p2 =	slt.u32 s8, $0xFFFFF086  }
0x1c: {  	p1 =	slt.u32 s9, $0xF7A;
	s5 =	simm.s32 @!p2 $0x0  }
0x1d: {  	s5 =	simm.s32 @p1 $0x1;
	p0 =	seq.s32 s7, s2  }
0x1e: {  	s7 =	smul.u32 @!p0 $0xF7A, s2;
	p2 =	seq.s32 @!p0 s5, $0x0  }
0x1f: {  	s9 =	smul.u32 $0xF7A, s1;
	s8 =	simm.s32 @!p0 $0x1BF5;
	p2 =	por !p2, p0  }
0x20: {  	[sflag:s8] =	ssyncset.s32 @!p0 $0xFFFFF086;
	s6 =	sadd.s32 @!p0 s3, s7;
	s7 =	simm.s32 @!p0 $0x108  }
0x21: {  	s3 =	sadd.s32 s3, s9;
	s6 =	sadd.s32 @!p0 $0x88, s6;
	s7 =	simm.s32 @p2 $0x1082  }
0x22: {  	[simem:s7], [sflag:s8] =	dma.local @!p0 [hbm:s6], $0xF7A  }
0x23: {  	s9 =	sor.u32 $0xD0000000, s2;
	s6 =	simm.s32 $0x108;
	_ =	swait.ge @!p0 [sflag:s8], $0x0  }
0x24: {  	s3 =	sadd.s32 $0x88, s3;
	s6 =	simm.s32 @!p1 $0x1082;
	[sflag:s4] =	ssyncset.s32 $0xFFFFF086  }
0x25: {  	[simem:s6], [sflag:s4] =	dma.local [hbm:s3], $0xF7A  }
0x26: {  	[smem:$0x3F98] =	sst s1;
	(tag) =	ssettag s2;
	_ =	strace s9  }
0x27: {  	s1 =	sld [smem:$0x3FA8]  }
0x28: {  	s2 =	sld [smem:$0x3FA9]  }
0x29: {  	s4 =	sld [smem:$0x3FAB]  }
0x2a: {  	p0 =	seq.s32 s5, $0x0;
	s5 =	sld [smem:$0x3FAC]  }
0x2b: {  	s6 =	sld [smem:$0x3FAD]  }
0x2c: {  	s7 =	sld [smem:$0x3FAE]  }
0x2d: {  	s3 =	simm.s32 $0x108;
	s8 =	sld [smem:$0x3FAF]  }
0x2e: {  	s3 =	simm.s32 @!p0 $0x1082;
	s9 =	sld [smem:$0x3FB0]  }
0x2f: {  	lr =	sadd.s32 s0, s3;
	s0 =	sld [smem:$0x3FA7]  }
0x30: {  	s3 =	sld [smem:$0x3FAA]  }
0x31: {  	[smem:$0x3FB3] =	sst s10  }
0x32: {  	s10 =	sld [smem:$0x3FB1];
	_ =	sdelay $0x3  }
0x33: {  	p0 =	seq.s32 s10, $0x1;
	s10 =	sld [smem:$0x3FB3];
	_ =	sdelay $0x3  }
0x34: {  	[smem:$0x3FB3] =	sst s10  }
0x35: {  	s10 =	sld [smem:$0x3FB2];
	_ =	sdelay $0x3  }
0x36: {  	p1 =	seq.s32 s10, $0x1;
	s10 =	sld [smem:$0x3FB3];
	_ =	sdelay $0x3  }
0x37: {  	[smem:$0x3FB3] =	sst s10  }
0x38: {  	s10 =	sld [smem:$0x3FB4]  }
0x39: {  	_ = 	snop;
	(pc) =	sbr.ind lr, $3  }
0x3a: {  	_ = 	snop  }
0x3b: {  	_ = 	snop  }
0x3c: {  	p2 =	seq.s32 s10, $0x1;
	s10 =	sld [smem:$0x3FB3]  }
0x3d: {  	_ =	shalt  }
0x3e: {  	_ =	shalt  }
0x3f: {  	_ =	shalt  }
0x40: {  	_ =	shalt  }
0x41: {  	_ =	shalt  }
0x42: {  	_ =	shalt  }
0x43: {  	_ =	shalt  }
0x44: {  	_ =	shalt  }
0x45: {  	_ =	shalt  }
0x46: {  	_ =	shalt  }
0x47: {  	_ =	shalt  }
0x48: {  	_ =	shalt  }
0x49: {  	_ =	shalt  }
0x4a: {  	_ =	shalt  }
0x4b: {  	_ =	shalt  }
0x4c: {  	_ =	shalt  }
0x4d: {  	_ =	shalt  }
0x4e: {  	_ =	shalt  }
0x4f: {  	_ =	shalt  }
0x50: {  	_ =	shalt  }
0x51: {  	_ =	shalt  }
0x52: {  	_ =	shalt  }
0x53: {  	_ =	shalt  }
0x54: {  	_ =	shalt  }
0x55: {  	_ =	shalt  }
0x56: {  	_ =	shalt  }
0x57: {  	_ =	shalt  }
0x58: {  	_ =	shalt  }
0x59: {  	_ =	shalt  }
0x5a: {  	_ =	shalt  }
0x5b: {  	_ =	shalt  }
0x5c: {  	_ =	shalt  }
0x5d: {  	_ =	shalt  }
0x5e: {  	_ =	shalt  }
0x5f: {  	_ =	shalt  }
0x60: {  	_ =	shalt  }
0x61: {  	_ =	shalt  }
0x62: {  	_ =	shalt  }
0x63: {  	_ =	shalt  }
0x64: {  	_ =	shalt  }
0x65: {  	_ =	shalt  }
0x66: {  	_ =	shalt  }
0x67: {  	_ =	shalt  }
0x68: {  	_ =	shalt  }
0x69: {  	_ =	shalt  }
0x6a: {  	_ =	shalt  }
0x6b: {  	_ =	shalt  }
0x6c: {  	_ =	shalt  }
0x6d: {  	_ =	shalt  }
0x6e: {  	_ =	shalt  }
0x6f: {  	_ =	shalt  }
0x70: {  	_ =	shalt  }
0x71: {  	_ =	shalt  }
0x72: {  	_ =	shalt  }
0x73: {  	_ =	shalt  }
0x74: {  	_ =	shalt  }
0x75: {  	_ =	shalt  }
0x76: {  	_ =	shalt  }
0x77: {  	_ =	shalt  }
0x78: {  	_ =	shalt  }
0x79: {  	_ =	shalt  }
0x7a: {  	_ =	shalt  }
0x7b: {  	_ =	shalt  }
0x7c: {  	_ =	shalt  }
0x7d: {  	_ =	shalt  }
0x7e: {  	_ =	shalt  }
0x7f: {  	_ =	shalt  }
0x80: {  	_ =	shalt  }
0x81: {  	_ =	shalt  }
0x82: {  	_ =	shalt  }
0x83: {  	_ =	shalt  }
0x84: {  	_ =	shalt  }
0x85: {  	_ =	shalt  }
0x86: {  	_ =	shalt  }
0x87: {  	_ =	shalt  }
.Lfunc_end0:
.L_simem_size_0:
called_computation_lowered:
.L_overlay_start_0:
0x88: {  	s2 =	sld [smem:$0x3FD9]  }
0x89: {  	s3 =	sld [smem:$0x3FFE];
	_ =	sdelay $0x1  }
0x8a: {  	s1 =	srdreg.scid  }
0x8b: {  	s0 =	sand.u32 $0x1, s1  }
0x8c: {  	s16 =	sshll.u32 s0, $0xA;
	s2 =	sadd.s32 s3, s2  }
0x8d: {  	s2 =	sadd.s32 s2, s16  }
0x8e: {  	[smem:$0x3FBF] =	sst s2  }
0x8f: {  	_ = 	snop  }
0x90: {  	(tm) =	ssettm $0x1  }
0x91: {  	s17 =	sld [smem:$0x3FFB];
	_ =	sdelay $0x3  }
0x92: {  	_ =	strace s17  }
0x93: {  	s2 =	sld [smem:$0x3FFC];
	_ =	sdelay $0x3  }
0x94: {  	_ =	strace s2  }
0x95: {  	s2 =	sld [smem:$0x3FFD];
	_ =	sdelay $0x3  }
0x96: {  	_ =	strace s2  }
0x97: {  	_ =	strace $0x8FFFFFFF  }
0x98: {  	s18 =	sld [smem:$0x3FDB];
	_ =	sdelay $0x1  }
0x99: {  	s19 =	simm.s32 $_scs_section_size  }
0x9a: {  	s4 =	simm.s32 $_size__tile_overlayer_lowered;
	s5 =	simm.s32 $_tile_overlayer_lowered  }
0x9b: {  	s22 =	simm.s32 $0x1BFF;
	s21 =	sshll.u32 s5, $0x1;
	s2 =	sadd.s32 s19, s18  }
0x9c: {  	s6 =	simm.s32 $0x0;
	s20 =	sshll.u32 s4, $0x1;
	s4 =	sadd.s32 s21, s2  }
0x9d: {  	[timem:s6], [sflag:s22] =	dma.local [hbm:s4], s20  }
0x9e: {  	_ =	swait.ge [sflag:s22], s20  }
0x9f: {  	s3 =	ssub.s32 $0x0, s20;
	[sflag:s22] =	ssyncset.done $0x0  }
0xa0: {  	[sflag:s22] =	ssyncadd.s32 s3;
	_ =	sdelay $0x1  }
0xa1: {  	s23 =	simm.s32 $0x1B8B  }
0xa2: {  	_ =	swait.ge [sflag:s23], $0x1  }
0xa3: {  	[sflag:s23] =	ssyncset.done $0x0  }
0xa4: {  	s25 =	simm.s32 $0x1B8E;
	s24 =	sld [smem:$0x3FFE];
	[sflag:s23] =	ssyncadd.s32 $0xFFFFFFFF  }
0xa5: {  	s26 =	simm.s32 $execute0_lowered;
	[smem:$0x3FD2] =	sst s25  }
0xa6: {  	s4 =	sshll.u32 s26, $0x1;
	_ =	strace $0x80000046;
	[dreg:$0x1] =	wrdreg $0xFFFFFFFF  }
0xa7: {  	s28 =	simm.s32 $_size_execute0_lowered;
	s2 =	sadd.s32 s2, s4;
	[dreg:$0x0] =	wrdreg $0x0  }
0xa8: {  	s4 =	sshll.u32 s28, $0x1;
	[dreg:$0x2] =	wrdreg s2  }
0xa9: {  	[dreg:$0x3] =	wrdreg s4  }
0xaa: {  	[dreg:$0x4] =	wrdreg $0xC0  }
0xab: {  	_ =	task [dreg:s6], $0x5FFFF  }
0xac: {  	[dreg:$0x1] =	wrdreg $0xFFFFFFFF  }
0xad: {  	[dreg:$0x0] =	wrdreg $0x60  }
0xae: {  	[dreg:$0x2] =	wrdreg s24  }
0xaf: {  	[dreg:$0x3] =	wrdreg $0xFD000  }
0xb0: {  	[dreg:$0x4] =	wrdreg $0x9  }
0xb1: {  	_ =	task.clear_ibuf [dreg:s6], $0x5FFFF;
	_ =	strace $0x90000046  }
0xb2: {  	s29 =	simm.s32 $0x9;
	_ =	strace $0x80000048  }
0xb3: {  	_ =	swait.ge [sflag:s29], $0x1  }
0xb4: {  	[sflag:s29] =	ssyncadd.s32 $0xFFFFFFFF  }
0xb5: {  	_ =	strace $0x90000048  }
0xb6: {  	_ =	sfence  }
0xb7: {  	s30 =	sld [smem:$0x0];
	_ =	sdelay $0x2  }
0xb8: {  	s31 =	sshll.u32 s1, $0xD;
	s1 =	sshrl.u32 s1, $0x2  }
0xb9: {  	s3 =	sand.u32 $0x4000, s31;
	s1 =	sadd.s32 s1, s30  }
0xba: {  	s0 =	sor.u32 s3, s0;
	s1 =	sshll.u32 s1, $0x11  }
0xbb: {  	s0 =	sor.u32 s1, s0  }
0xbc: {  	s0 =	sadd.s32 $0x8F2B, s0  }
0xbd: {  	[sflag:s0] =	ssyncadd.remote.s32 $0x1  }
0xbe: {  	_ =	sfence.sel $0xFFFF  }
0xbf: {  	[dreg:$0x0] =	wrdreg $0xFFFFFFFF;
	(pc) =	sbr.abs _section_cstart, $3  }
0xc0: {  	[dreg:$0x1] =	wrdreg $0xFFFFFFFF  }
0xc1: {  	_ =	task.clear_ibuf [dreg:s6], $0x2FFFF;
	_ =	strace $0x9FFFFFFF  }
0xc2: {  	(tm) =	ssettm $0x7FFFFFFF  }
0xc3: {  	_ =	shalt  }
tec
execute0_lowered:
.L_overlay_start_1:
0x0: {  	(tag) =	ssettag $0x1  }
0x1: {  	s0 =	rddreg [dreg:$0x0]  }
0x2: {  	s2 =	rddreg [dreg:$0x1]  }
0x3: {  	s3 =	simm.s32 $0x0;
	s1 =	stileid.u32;
	s7 =	srdreg.scid  }
0x4: {  	s17 =	simm.s32 $0xDD00;
	s18 =	simm.s32 $0x3;
	s20 =	simm.s32 $0x80  }
0x5: {  	s21 =	simm.s32 $0x9D00;
	s22 =	simm.s32 $0x1;
	s23 =	simm.s32 $0xAD00  }
0x6: {  	s24 =	simm.s32 $0xBD00;
	s26 =	simm.s32 $0x2;
	s29 =	simm.s32 $0x0  }
0x7: {  	[smem:$0x7FF] =	sst s3;
	s6 =	smul.u32 $0x9D0, s1;
	s4 =	sadd.s32 $0xD600, s0  }
0x8: {  	s5 =	sadd.s32 $0x3800, s0;
	s7 =	sand.u32 $0x1, s7;
	s8 =	smul.u32 $0x28000, s1  }
0x9: {  	s9 =	sadd.s32 $0x3F000, s0;
	s12 =	smul.u32 $0xA000, s1;
	_ =	strace $0x80000047  }
0xa: {  	[dreg:$0x3] =	wrdreg s9;
	s28 =	ssub.s32 $0x2, s7;
	p0 =	sne.s32 s7, $0x0  }
0xb: {  	s6 =	sadd.s32 s6, s0;
	s0 =	sadd.s32 $0x2B000, s0;
	s30 =	sshrl.u32 s28, $0x1  }
.Ltmp0:
0xc: {  	s8 =	sshrl.u32 s8, $0x2;
	s11 =	sshrl.u32 s12, $0x3;
	(pc) =	sbr.rel .LBB2_1-.Ltmp0, $4  }
0xd: {  	s31 =	sadd.s32 s12, s2;
	[dreg:$0x4] =	wrdreg s0;
	s0 =	ssub.s32 s28, s30  }
0xe: {  	s8 =	sadd.s32 s8, s2;
	s9 =	sadd.s32 $0x21200, s6;
	s10 =	sadd.s32 $0x17400, s6  }
0xf: {  	s25 =	sshrl.u32 s31, $0x3;
	s12 =	smax.u32 s0, $0x1;
	s13 =	sadd.s32 $0x2000, s8  }
0x10: {  	v0 =	vimm.f32 $0.0e+00;
	s14 =	sadd.s32 $0x4000, s8;
	s15 =	sadd.s32 $0x6000, s8;
	s16 =	sadd.s32 $0x8000, s8  }
.LBB2_22:
0x11: {  	s6 =	simm.s32 $0x9C80  }
0x12: {  	[spmem:s2] =	stream.indirect.scatter.add.f32 [tilespmem:s24], [sflag:$0x3], $0x40, s6, s20, $0xb8;
	[tilespmem:$0x19D00] =	vst v63  }
0x13: {  	_ =	swait.ge [sflag:s18], $0x2000  }
0x14: {  	s31 =	sshll.u32 s1, $0x6;
	s29 =	sadd.s32 $0x1, s29;
	[sflag:s18] =	ssyncset.done $0x0  }
0x15: {  	s0 =	sadd.s32 s0, s11;
	p1 =	sne.s32 s29, s12;
	[sflag:s18] =	ssyncadd.s32 $0xFFFFE000  }
.Ltmp1:
0x16: {  	s6 =	sor.u32 $0x1C03, s31;
	[bflag:$0x0] =	sbarrier.arrive $0xFFFF;
	(pc) =	sbr.rel @!p1 .LBB2_23-.Ltmp1, $4  }
0x17: {  	[hbm:s0], [sflag:s6] =	dma.local [spmem:s25], $0x1400  }
0x18: {  	_ =	swait.ge [sflag:s18], $0x1400  }
0x19: {  	[sflag:s18] =	ssyncset.done $0x0  }
0x1a: {  	[sflag:s18] =	ssyncadd.s32 $0xFFFFEC00  }
.LBB2_1:
0x1b: {  	s6 =	simm.s32 $0x100;
	s0 =	simm.s32 $0x0  }
.LBB2_2:
0x1c: {  	p1 =	sne.s32 s6, $0x7F00;
	[tilespmem:s0+$0xDD30] =	vst v0;
	s7 =	smov.u32 s6;
	s6 =	sadd.s32 $0x100, s6  }
.Ltmp2:
0x1d: {  	[tilespmem:s0+$0xDD20] =	vst v0;
	(pc) =	sbr.rel @p1 .LBB2_2-.Ltmp2, $3  }
0x1e: {  	[tilespmem:s0+$0xDD00] =	vst v0  }
0x1f: {  	[tilespmem:s0+$0xDD10] =	vst v0;
	_ =	sdelay $0x1  }
0x20: {  	s0 =	sshra.s32 s7, $0x2  }
0x21: {  	[tilespmem:s0+$0xDD30] =	vst v0  }
0x22: {  	[tilespmem:s0+$0xDD20] =	vst v0  }
0x23: {  	[tilespmem:s0+$0xDD00] =	vst v0  }
0x24: {  	[tilespmem:s0+$0xDD10] =	vst v0  }
0x25: {  	[spmem:s8] =	stream.linear.scatter [tilespmem:s17], [sflag:$0x3], $0x2000, $0x38;
	[tilespmem:$0x19D00] =	vst v63  }
0x26: {  	_ =	swait.ge [sflag:s18], $0x2000  }
0x27: {  	[sflag:s18] =	ssyncset.done $0x0  }
0x28: {  	[sflag:s18] =	ssyncadd.s32 $0xFFFFE000  }
0x29: {  	[spmem:s13] =	stream.linear.scatter [tilespmem:s17], [sflag:$0x3], $0x2000, $0x38;
	[tilespmem:$0x19D00] =	vst v63  }
0x2a: {  	_ =	swait.ge [sflag:s18], $0x2000  }
0x2b: {  	[sflag:s18] =	ssyncset.done $0x0  }
0x2c: {  	[sflag:s18] =	ssyncadd.s32 $0xFFFFE000  }
0x2d: {  	[spmem:s14] =	stream.linear.scatter [tilespmem:s17], [sflag:$0x3], $0x2000, $0x38;
	[tilespmem:$0x19D00] =	vst v63  }
0x2e: {  	_ =	swait.ge [sflag:s18], $0x2000  }
0x2f: {  	[sflag:s18] =	ssyncset.done $0x0  }
0x30: {  	[sflag:s18] =	ssyncadd.s32 $0xFFFFE000  }
0x31: {  	[spmem:s15] =	stream.linear.scatter [tilespmem:s17], [sflag:$0x3], $0x2000, $0x38;
	[tilespmem:$0x19D00] =	vst v63  }
0x32: {  	_ =	swait.ge [sflag:s18], $0x2000  }
0x33: {  	[sflag:s18] =	ssyncset.done $0x0  }
0x34: {  	[sflag:s18] =	ssyncadd.s32 $0xFFFFE000  }
0x35: {  	[spmem:s16] =	stream.linear.scatter [tilespmem:s17], [sflag:$0x3], $0x2000, $0x38;
	[tilespmem:$0x19D00] =	vst v63  }
0x36: {  	_ =	swait.ge [sflag:s18], $0x2000  }
0x37: {  	[sflag:s18] =	ssyncset.done $0x0  }
0x38: {  	[sflag:s18] =	ssyncadd.s32 $0xFFFFE000  }
0x39: {  	[bflag:$0x0] =	sbarrier.arrive $0xFFFF  }
0x3a: {  	[tilespmem:s3], [sflag:$0x3] =	stream.linear.gather [hbm4b:s9+s3], $0x4E80, $0x38;
	[tilespmem:$0x19D00] =	vst v63  }
0x3b: {  	_ =	swait.ge [sflag:s18], $0x4E80  }
0x3c: {  	[sflag:s18] =	ssyncset.done $0x0  }
.Ltmp3:
0x3d: {  	s31 =	simm.s32 $0x4E80;
	[sflag:s18] =	ssyncadd.s32 $0xFFFFB180;
	(pc) =	sbr.rel @p0 .LBB2_13-.Ltmp3, $4  }
0x3e: {  	[tilespmem:s31], [sflag:$0x3] =	stream.linear.gather [hbm4b:s10+s3], $0x4E80, $0x38;
	[tilespmem:$0x19D00] =	vst v63  }
0x3f: {  	_ =	swait.ge [sflag:s18], $0x4E80  }
0x40: {  	[sflag:s18] =	ssyncset.done $0x0  }
0x41: {  	s30 =	simm.s32 $0x0;
	[sflag:s18] =	ssyncadd.s32 $0xFFFFB180  }
0x42: {  	[tilespmem:s21], [sflag:$0x1] =	stream.indirect.gather [hbm4b:s4+s20], $0x20, s30, s20, $0xb8;
	[tilespmem:$0x19D00] =	vst v63  }
.LBB2_5:
0x43: {  	_ =	swait.ge [sflag:s22], $0x1000  }
0x44: {  	s0 =	sshll.u32 s30, $0x8;
	[sflag:s22] =	ssyncset.done $0x0  }
0x45: {  	s7 =	simm.s32 $0x0;
	s31 =	sor.u32 $0x80, s0;
	[sflag:s22] =	ssyncadd.s32 $0xFFFFF000  }
0x46: {  	[tilespmem:s23], [sflag:$0x2] =	stream.indirect.gather [hbm4b:s4+s20], $0x20, s31, s20, $0xb8;
	[tilespmem:$0x19D00] =	vst v63  }
0x47: {  	v1 =	vld [tilespmem:s7+$0x9D00];
	_ =	sdelay $0x4  }
0x48: {  	s6 =	simm.s32 $0xBD20;
	v2 =	vunpack.i.l.bf16.f32 v1  }
0x49: {  	v1 =	vunpack.i.u.bf16.f32 v1;
	[tilespmem:s6+$0xFFFFFFE0] =	vst v2  }
0x4a: {  	[tilespmem:s6+$0xFFFFFFF0] =	vst v1  }
0x4b: {  	s19 =	simm.s32 $0x80;
	v1 =	vld [tilespmem:s7+$0x9D10];
	s7 =	simm.s32 $0xBD20  }
.LBB2_6:
0x4c: {  	_ =	sdelay $0x2  }
0x4d: {  	p1 =	sne.s32 s19, $0x3F80  }
0x4e: {  	s6 =	sadd.s32 $0x40, s6;
	s28 =	smov.u32 s19;
	s19 =	sadd.s32 $0x80, s19;
	v2 =	vunpack.i.u.bf16.f32 v1;
	v1 =	vunpack.i.l.bf16.f32 v1  }
0x4f: {  	[tilespmem:s7+$0x0] =	vst v1  }
0x50: {  	s28 =	sshra.s32 s28, $0x2;
	[tilespmem:s7+$0x10] =	vst v2;
	s7 =	smov.u32 s6  }
0x51: {  	v1 =	vld [tilespmem:s28+$0x9D00];
	_ =	sdelay $0x3  }
.Ltmp4:
0x52: {  	(pc) =	sbr.rel @p1 .LBB2_6-.Ltmp4, $4  }
0x53: {  	v2 =	vunpack.i.u.bf16.f32 v1;
	v1 =	vunpack.i.l.bf16.f32 v1  }
0x54: {  	[tilespmem:s6+$0xFFFFFFE0] =	vst v1  }
0x55: {  	[tilespmem:s6+$0xFFFFFFF0] =	vst v2  }
0x56: {  	v1 =	vld [tilespmem:s28+$0x9D10]  }
0x57: {  	_ =	sdelay $0x3  }
0x58: {  	v2 =	vunpack.i.l.bf16.f32 v1  }
0x59: {  	s0 =	sand.u32 $0x3FFFFF00, s0;
	v1 =	vunpack.i.u.bf16.f32 v1;
	[tilespmem:s7+$0x0] =	vst v2  }
0x5a: {  	s6 =	sadd.s32 $0x4E80, s0;
	[tilespmem:s7+$0x10] =	vst v1  }
0x5b: {  	[spmem:s2] =	stream.indirect.scatter.add.f32 [tilespmem:s24], [sflag:$0x3], $0x40, s6, s20, $0xb8;
	[tilespmem:$0x19D00] =	vst v63  }
0x5c: {  	_ =	swait.ge [sflag:s18], $0x2000  }
0x5d: {  	[sflag:s18] =	ssyncset.done $0x0  }
0x5e: {  	[sflag:s18] =	ssyncadd.s32 $0xFFFFE000  }
0x5f: {  	_ =	swait.ge [sflag:s26], $0x1000  }
0x60: {  	[sflag:s26] =	ssyncset.done $0x0  }
0x61: {  	s28 =	simm.s32 $0x0;
	s0 =	sadd.s32 $0x100, s0;
	[sflag:s26] =	ssyncadd.s32 $0xFFFFF000  }
0x62: {  	[tilespmem:s21], [sflag:$0x1] =	stream.indirect.gather [hbm4b:s4+s20], $0x20, s0, s20, $0xb8;
	[tilespmem:$0x19D00] =	vst v63  }
0x63: {  	v1 =	vld [tilespmem:s28+$0xAD00];
	_ =	sdelay $0x4  }
0x64: {  	s0 =	simm.s32 $0xBD20;
	v2 =	vunpack.i.l.bf16.f32 v1  }
0x65: {  	v1 =	vunpack.i.u.bf16.f32 v1;
	[tilespmem:s0+$0xFFFFFFE0] =	vst v2  }
0x66: {  	[tilespmem:s0+$0xFFFFFFF0] =	vst v1  }
0x67: {  	s7 =	simm.s32 $0x80;
	s6 =	simm.s32 $0xBD20;
	v1 =	vld [tilespmem:s28+$0xAD10]  }
.LBB2_8:
0x68: {  	_ =	sdelay $0x2  }
0x69: {  	p1 =	sne.s32 s7, $0x3F80  }
0x6a: {  	s0 =	sadd.s32 $0x40, s0;
	s19 =	smov.u32 s7;
	s7 =	sadd.s32 $0x80, s7;
	v2 =	vunpack.i.u.bf16.f32 v1;
	v1 =	vunpack.i.l.bf16.f32 v1  }
0x6b: {  	[tilespmem:s6+$0x0] =	vst v1  }
0x6c: {  	s19 =	sshra.s32 s19, $0x2;
	[tilespmem:s6+$0x10] =	vst v2;
	s6 =	smov.u32 s0  }
0x6d: {  	v1 =	vld [tilespmem:s19+$0xAD00];
	_ =	sdelay $0x3  }
.Ltmp5:
0x6e: {  	(pc) =	sbr.rel @p1 .LBB2_8-.Ltmp5, $4  }
0x6f: {  	v2 =	vunpack.i.u.bf16.f32 v1;
	v1 =	vunpack.i.l.bf16.f32 v1  }
0x70: {  	[tilespmem:s0+$0xFFFFFFE0] =	vst v1  }
0x71: {  	[tilespmem:s0+$0xFFFFFFF0] =	vst v2  }
0x72: {  	v1 =	vld [tilespmem:s19+$0xAD10]  }
0x73: {  	_ =	sdelay $0x3  }
0x74: {  	s30 =	sadd.s32 $0x1, s30;
	v2 =	vunpack.i.l.bf16.f32 v1  }
0x75: {  	p1 =	sne.s32 s30, $0x4E;
	v1 =	vunpack.i.u.bf16.f32 v1;
	[tilespmem:s6+$0x0] =	vst v2  }
.Ltmp6:
0x76: {  	s0 =	sadd.s32 $0x4E80, s31;
	[tilespmem:s6+$0x10] =	vst v1;
	(pc) =	sbr.rel @p1 .LBB2_5-.Ltmp6, $4  }
0x77: {  	[spmem:s2] =	stream.indirect.scatter.add.f32 [tilespmem:s24], [sflag:$0x3], $0x40, s0, s20, $0xb8;
	[tilespmem:$0x19D00] =	vst v63  }
0x78: {  	_ =	swait.ge [sflag:s18], $0x2000  }
0x79: {  	[sflag:s18] =	ssyncset.done $0x0  }
0x7a: {  	[sflag:s18] =	ssyncadd.s32 $0xFFFFE000  }
0x7b: {  	_ =	swait.ge [sflag:s22], $0x1000  }
0x7c: {  	[sflag:s22] =	ssyncset.done $0x0  }
0x7d: {  	s6 =	simm.s32 $0x0;
	[sflag:s22] =	ssyncadd.s32 $0xFFFFF000  }
0x7e: {  	v1 =	vld [tilespmem:s6+$0x9D00];
	_ =	sdelay $0x4  }
0x7f: {  	s0 =	simm.s32 $0xBD20;
	v2 =	vunpack.i.l.bf16.f32 v1  }
0x80: {  	v1 =	vunpack.i.u.bf16.f32 v1;
	[tilespmem:s0+$0xFFFFFFE0] =	vst v2  }
0x81: {  	[tilespmem:s0+$0xFFFFFFF0] =	vst v1  }
0x82: {  	s7 =	simm.s32 $0x80;
	v1 =	vld [tilespmem:s6+$0x9D10];
	s6 =	simm.s32 $0xBD20  }
.LBB2_11:
0x83: {  	_ =	sdelay $0x2  }
0x84: {  	p1 =	seq.s32 s7, $0x3F80  }
0x85: {  	s0 =	sadd.s32 $0x40, s0;
	s19 =	smov.u32 s7;
	s7 =	sadd.s32 $0x80, s7;
	v2 =	vunpack.i.u.bf16.f32 v1;
	v1 =	vunpack.i.l.bf16.f32 v1  }
0x86: {  	[tilespmem:s6+$0x0] =	vst v1  }
0x87: {  	s19 =	sshra.s32 s19, $0x2;
	[tilespmem:s6+$0x10] =	vst v2;
	s6 =	smov.u32 s0  }
0x88: {  	v1 =	vld [tilespmem:s19+$0x9D00];
	_ =	sdelay $0x3  }
.Ltmp7:
0x89: {  	(pc) =	sbr.rel @!p1 .LBB2_11-.Ltmp7, $4  }
0x8a: {  	v2 =	vunpack.i.u.bf16.f32 v1;
	v1 =	vunpack.i.l.bf16.f32 v1  }
0x8b: {  	[tilespmem:s0+$0xFFFFFFE0] =	vst v1  }
0x8c: {  	[tilespmem:s0+$0xFFFFFFF0] =	vst v2  }
0x8d: {  	v1 =	vld [tilespmem:s19+$0x9D10]  }
0x8e: {  	_ =	sdelay $0x1  }
.Ltmp8:
0x8f: {  	_ = 	snop;
	(pc) =	sbr.rel .LBB2_22-.Ltmp8, $4  }
0x90: {  	_ = 	snop  }
0x91: {  	v2 =	vunpack.i.l.bf16.f32 v1  }
0x92: {  	v1 =	vunpack.i.u.bf16.f32 v1;
	[tilespmem:s6+$0x0] =	vst v2  }
0x93: {  	s0 =	rddreg [dreg:$0x3];
	[tilespmem:s6+$0x10] =	vst v1  }
.LBB2_13:
0x94: {  	[tilespmem:s21], [sflag:$0x1] =	stream.indirect.gather [hbm4b:s5+s20], $0x20, s30, s20, $0xb8;
	[tilespmem:$0x19D00] =	vst v63  }
.LBB2_14:
0x95: {  	_ =	swait.ge [sflag:s22], $0x1000  }
0x96: {  	s0 =	sshll.u32 s30, $0x8;
	[sflag:s22] =	ssyncset.done $0x0  }
0x97: {  	s7 =	simm.s32 $0x0;
	s31 =	sor.u32 $0x80, s0;
	[sflag:s22] =	ssyncadd.s32 $0xFFFFF000  }
0x98: {  	[tilespmem:s23], [sflag:$0x2] =	stream.indirect.gather [hbm4b:s5+s20], $0x20, s31, s20, $0xb8;
	[tilespmem:$0x19D00] =	vst v63  }
0x99: {  	v1 =	vld [tilespmem:s7+$0x9D00];
	_ =	sdelay $0x4  }
0x9a: {  	s6 =	simm.s32 $0xBD20;
	v2 =	vunpack.i.l.bf16.f32 v1  }
0x9b: {  	v1 =	vunpack.i.u.bf16.f32 v1;
	[tilespmem:s6+$0xFFFFFFE0] =	vst v2  }
0x9c: {  	[tilespmem:s6+$0xFFFFFFF0] =	vst v1  }
0x9d: {  	s19 =	simm.s32 $0x80;
	v1 =	vld [tilespmem:s7+$0x9D10];
	s7 =	simm.s32 $0xBD20  }
.LBB2_15:
0x9e: {  	_ =	sdelay $0x2  }
0x9f: {  	p1 =	sne.s32 s19, $0x3F80  }
0xa0: {  	s6 =	sadd.s32 $0x40, s6;
	s28 =	smov.u32 s19;
	s19 =	sadd.s32 $0x80, s19;
	v2 =	vunpack.i.u.bf16.f32 v1;
	v1 =	vunpack.i.l.bf16.f32 v1  }
0xa1: {  	[tilespmem:s7+$0x0] =	vst v1  }
0xa2: {  	s28 =	sshra.s32 s28, $0x2;
	[tilespmem:s7+$0x10] =	vst v2;
	s7 =	smov.u32 s6  }
0xa3: {  	v1 =	vld [tilespmem:s28+$0x9D00];
	_ =	sdelay $0x3  }
.Ltmp9:
0xa4: {  	(pc) =	sbr.rel @p1 .LBB2_15-.Ltmp9, $4  }
0xa5: {  	v2 =	vunpack.i.u.bf16.f32 v1;
	v1 =	vunpack.i.l.bf16.f32 v1  }
0xa6: {  	[tilespmem:s6+$0xFFFFFFE0] =	vst v1  }
0xa7: {  	[tilespmem:s6+$0xFFFFFFF0] =	vst v2  }
0xa8: {  	v1 =	vld [tilespmem:s28+$0x9D10]  }
0xa9: {  	_ =	sdelay $0x3  }
0xaa: {  	v2 =	vunpack.i.l.bf16.f32 v1  }
0xab: {  	s0 =	sand.u32 $0x3FFFFF00, s0;
	v1 =	vunpack.i.u.bf16.f32 v1;
	[tilespmem:s7+$0x0] =	vst v2  }
0xac: {  	s6 =	sadd.s32 $0x4E80, s0;
	[tilespmem:s7+$0x10] =	vst v1  }
0xad: {  	[spmem:s2] =	stream.indirect.scatter.add.f32 [tilespmem:s24], [sflag:$0x3], $0x40, s6, s20, $0xb8;
	[tilespmem:$0x19D00] =	vst v63  }
0xae: {  	_ =	swait.ge [sflag:s18], $0x2000  }
0xaf: {  	[sflag:s18] =	ssyncset.done $0x0  }
0xb0: {  	[sflag:s18] =	ssyncadd.s32 $0xFFFFE000  }
0xb1: {  	_ =	swait.ge [sflag:s26], $0x1000  }
0xb2: {  	[sflag:s26] =	ssyncset.done $0x0  }
0xb3: {  	s28 =	simm.s32 $0x0;
	s0 =	sadd.s32 $0x100, s0;
	[sflag:s26] =	ssyncadd.s32 $0xFFFFF000  }
0xb4: {  	[tilespmem:s21], [sflag:$0x1] =	stream.indirect.gather [hbm4b:s5+s20], $0x20, s0, s20, $0xb8;
	[tilespmem:$0x19D00] =	vst v63  }
0xb5: {  	v1 =	vld [tilespmem:s28+$0xAD00];
	_ =	sdelay $0x4  }
0xb6: {  	s0 =	simm.s32 $0xBD20;
	v2 =	vunpack.i.l.bf16.f32 v1  }
0xb7: {  	v1 =	vunpack.i.u.bf16.f32 v1;
	[tilespmem:s0+$0xFFFFFFE0] =	vst v2  }
0xb8: {  	[tilespmem:s0+$0xFFFFFFF0] =	vst v1  }
0xb9: {  	s7 =	simm.s32 $0x80;
	s6 =	simm.s32 $0xBD20;
	v1 =	vld [tilespmem:s28+$0xAD10]  }
.LBB2_17:
0xba: {  	_ =	sdelay $0x2  }
0xbb: {  	p1 =	sne.s32 s7, $0x3F80  }
0xbc: {  	s0 =	sadd.s32 $0x40, s0;
	s19 =	smov.u32 s7;
	s7 =	sadd.s32 $0x80, s7;
	v2 =	vunpack.i.u.bf16.f32 v1;
	v1 =	vunpack.i.l.bf16.f32 v1  }
0xbd: {  	[tilespmem:s6+$0x0] =	vst v1  }
0xbe: {  	s19 =	sshra.s32 s19, $0x2;
	[tilespmem:s6+$0x10] =	vst v2;
	s6 =	smov.u32 s0  }
0xbf: {  	v1 =	vld [tilespmem:s19+$0xAD00];
	_ =	sdelay $0x3  }
.Ltmp10:
0xc0: {  	(pc) =	sbr.rel @p1 .LBB2_17-.Ltmp10, $4  }
0xc1: {  	v2 =	vunpack.i.u.bf16.f32 v1;
	v1 =	vunpack.i.l.bf16.f32 v1  }
0xc2: {  	[tilespmem:s0+$0xFFFFFFE0] =	vst v1  }
0xc3: {  	[tilespmem:s0+$0xFFFFFFF0] =	vst v2  }
0xc4: {  	v1 =	vld [tilespmem:s19+$0xAD10]  }
0xc5: {  	_ =	sdelay $0x3  }
0xc6: {  	s30 =	sadd.s32 $0x1, s30;
	v2 =	vunpack.i.l.bf16.f32 v1  }
0xc7: {  	p1 =	sne.s32 s30, $0x4E;
	v1 =	vunpack.i.u.bf16.f32 v1;
	[tilespmem:s6+$0x0] =	vst v2  }
.Ltmp11:
0xc8: {  	s0 =	sadd.s32 $0x4E80, s31;
	[tilespmem:s6+$0x10] =	vst v1;
	(pc) =	sbr.rel @p1 .LBB2_14-.Ltmp11, $4  }
0xc9: {  	[spmem:s2] =	stream.indirect.scatter.add.f32 [tilespmem:s24], [sflag:$0x3], $0x40, s0, s20, $0xb8;
	[tilespmem:$0x19D00] =	vst v63  }
0xca: {  	_ =	swait.ge [sflag:s18], $0x2000  }
0xcb: {  	[sflag:s18] =	ssyncset.done $0x0  }
0xcc: {  	[sflag:s18] =	ssyncadd.s32 $0xFFFFE000  }
0xcd: {  	_ =	swait.ge [sflag:s22], $0x1000  }
0xce: {  	[sflag:s22] =	ssyncset.done $0x0  }
0xcf: {  	s6 =	simm.s32 $0x0;
	[sflag:s22] =	ssyncadd.s32 $0xFFFFF000  }
0xd0: {  	v1 =	vld [tilespmem:s6+$0x9D00];
	_ =	sdelay $0x4  }
0xd1: {  	s0 =	simm.s32 $0xBD20;
	v2 =	vunpack.i.l.bf16.f32 v1  }
0xd2: {  	v1 =	vunpack.i.u.bf16.f32 v1;
	[tilespmem:s0+$0xFFFFFFE0] =	vst v2  }
0xd3: {  	[tilespmem:s0+$0xFFFFFFF0] =	vst v1  }
0xd4: {  	s7 =	simm.s32 $0x80;
	v1 =	vld [tilespmem:s6+$0x9D10];
	s6 =	simm.s32 $0xBD20  }
.LBB2_20:
0xd5: {  	_ =	sdelay $0x2  }
0xd6: {  	p1 =	sne.s32 s7, $0x3F80  }
0xd7: {  	s0 =	sadd.s32 $0x40, s0;
	s19 =	smov.u32 s7;
	s7 =	sadd.s32 $0x80, s7;
	v2 =	vunpack.i.u.bf16.f32 v1;
	v1 =	vunpack.i.l.bf16.f32 v1  }
0xd8: {  	[tilespmem:s6+$0x0] =	vst v1  }
0xd9: {  	s19 =	sshra.s32 s19, $0x2;
	[tilespmem:s6+$0x10] =	vst v2;
	s6 =	smov.u32 s0  }
0xda: {  	v1 =	vld [tilespmem:s19+$0x9D00];
	_ =	sdelay $0x3  }
.Ltmp12:
0xdb: {  	(pc) =	sbr.rel @p1 .LBB2_20-.Ltmp12, $4  }
0xdc: {  	v2 =	vunpack.i.u.bf16.f32 v1;
	v1 =	vunpack.i.l.bf16.f32 v1  }
0xdd: {  	[tilespmem:s0+$0xFFFFFFE0] =	vst v1  }
0xde: {  	[tilespmem:s0+$0xFFFFFFF0] =	vst v2  }
0xdf: {  	v1 =	vld [tilespmem:s19+$0x9D10]  }
0xe0: {  	_ =	sdelay $0x1  }
.Ltmp13:
0xe1: {  	_ = 	snop;
	(pc) =	sbr.rel .LBB2_22-.Ltmp13, $4  }
0xe2: {  	_ = 	snop  }
0xe3: {  	v2 =	vunpack.i.l.bf16.f32 v1  }
0xe4: {  	v1 =	vunpack.i.u.bf16.f32 v1;
	[tilespmem:s6+$0x0] =	vst v2  }
0xe5: {  	s0 =	rddreg [dreg:$0x4];
	[tilespmem:s6+$0x10] =	vst v1  }
.LBB2_23:
0xe6: {  	_ =	sfence.sel $0x180000  }
0xe7: {  	[bflag:$0x0] =	sbarrier.arrive $0xFFFF  }
0xe8: {  	_ =	strace $0x90000047  }
0xe9: {  	[bflag:$0x2] =	sbarrier.arrive $0xFFFF  }
0xea: {  	p0 =	sne.s32 s1, $0x0;
	s0 =	rddreg [dreg:$0x2]  }
0xeb: {  	s0 =	sadd.s32 @!p0 $0x100000, s0  }
0xec: {  	[sflag:s0] =	ssyncadd.tile.s32 @!p0 $0x1;
	_ =	shalt  }
.Lfunc_end2:
_tile_overlayer_lowered:
.L_overlay_start_2:
0xed: {  	(tag) =	ssettag $0x2  }
0xee: {  	s0 =	rddreg [dreg:$0x0];
	s2 =	stileid.u32  }
0xef: {  	s1 =	rddreg [dreg:$0x1];
	p0 =	sne.s32 s2, $0x0  }
0xf0: {  	s3 =	rddreg [dreg:$0x2];
	[bflag:$0x3] =	sbarrier.arrive $0xFFFF;
	s2 =	simm.s32 @!p0 $0x1C03  }
0xf1: {  	[timem:s3], [sflag:s2] =	dma.local @!p0 [hbm:s0], s1  }
0xf2: {  	s0 =	simm.s32 @!p0 $0x3  }
0xf3: {  	_ =	swait.ge @!p0 [sflag:s0], s1  }
0xf4: {  	s1 =	ssub.s32 @!p0 $0x0, s1;
	[sflag:s0] =	ssyncset.done @!p0 $0x0  }
0xf5: {  	[sflag:s0] =	ssyncadd.s32 @!p0 s1  }
0xf6: {  	[bflag:$0x3] =	sbarrier.arrive $0xFFFF  }
0xf7: {  	_ =	shalt  }

</sc_bundles>
